<compile_context>
chip_gen: v7x
topology: tpu7x:2x2x1
jax: 0.10.2.dev20260603
libtpu: 0.0.44.dev20260713+nightly
codegen_flags: <defaults>
</compile_context>

<pallas_src>
import functools

import jax
import jax.numpy as jnp
from jax import lax
from jax.experimental import pallas as pl
from jax.experimental.pallas import tpu as pltpu
from jax.experimental.pallas import tpu_sc as plsc


def _pack_pairs(z_even, z_odd):
    hi = lax.bitcast_convert_type(
        z_even.astype(jnp.bfloat16), jnp.uint16).astype(jnp.uint32)
    lo = lax.bitcast_convert_type(
        z_odd.astype(jnp.bfloat16), jnp.uint16).astype(jnp.uint32)
    return lax.bitcast_convert_type((hi << 16) | lo, jnp.float32)


def _node_proj_body(w_ref, b_ref, x_ref, pt_ref):
    z = lax.dot_general(
        w_ref[...], x_ref[...], (((1,), (1,)), ((), ())),
        preferred_element_type=jnp.float32) + b_ref[...]
    H2 = z.shape[0] // 4
    ps = _pack_pairs(z[:H2], z[H2:2 * H2])
    pd = _pack_pairs(z[2 * H2:3 * H2], z[3 * H2:])
    pt_ref[...] = jnp.concatenate([ps, pd], axis=0)


def _edge_proj_body(w_ref, e_ref, qt_ref):
    z = lax.dot_general(
        w_ref[...], e_ref[...], (((1,), (1,)), ((), ())),
        preferred_element_type=jnp.float32)
    H2 = z.shape[0] // 2
    qt_ref[...] = _pack_pairs(z[:H2], z[H2:])


def _make_sc_combine(HP, NP, EC, NC, NS):
    NW = NC * NS
    G = EC // 16

    mesh = plsc.VectorSubcoreMesh(core_axis_name="c", subcore_axis_name="s")
    MASK_HI = jnp.uint32(0xFFFF0000)

    @functools.partial(
        pl.kernel,
        out_type=jax.ShapeDtypeStruct((NW * EC,), jnp.float32),
        mesh=mesh,
        compiler_params=pltpu.CompilerParams(needs_layout_passes=False),
        scratch_types=[
            pltpu.VMEM((EC,), jnp.int32),
            pltpu.VMEM((EC,), jnp.int32),
            pltpu.VMEM((EC,), jnp.int32),
            pltpu.VMEM((EC,), jnp.float32),
            pltpu.VMEM((NP,), jnp.float32),
            pltpu.VMEM((NP,), jnp.float32),
            pltpu.VMEM((NP,), jnp.float32),
            pltpu.VMEM((NP,), jnp.float32),
            pltpu.VMEM((EC,), jnp.float32),
            pltpu.VMEM((EC,), jnp.float32),
            pltpu.VMEM((2 * HP, 16), jnp.float32),
            pltpu.VMEM((16,), jnp.float32),
            pltpu.SemaphoreType.DMA,
            pltpu.SemaphoreType.DMA,
        ],
    )
    def sc_combine(ei_hbm, pt_hbm, qt_hbm, w2b_hbm, b2w_hbm,
                   out_hbm, src_v, dst_v, sd_v, acc_v, ps_a, ps_b, pd_a,
                   pd_b, q_a, q_b, w2b_v, b2w_v, sem_a, sem_b):
        wid = lax.axis_index("s") * NC + lax.axis_index("c")
        base = wid * EC

        pltpu.sync_copy(ei_hbm.at[pl.ds(base, EC)], src_v)
        pltpu.sync_copy(ei_hbm.at[pl.ds(NW * EC + base, EC)], dst_v)
        pltpu.sync_copy(w2b_hbm, w2b_v)
        pltpu.sync_copy(b2w_hbm, b2w_v)

        b2vec = b2w_v[...]

        @plsc.parallel_loop(0, G, step=1, unroll=8)
        def _(g):
            off = pl.multiple_of(g * 16, 16)
            sd_v[pl.ds(off, 16)] = (src_v[pl.ds(off, 16)]
                                    | (dst_v[pl.ds(off, 16)] << 16))
            acc_v[pl.ds(off, 16)] = b2vec

        bufs = [(ps_a, pd_a, q_a, sem_a), (ps_b, pd_b, q_b, sem_b)]

        def start(j, slot):
            ps, pd, q, sem = bufs[slot]
            return (
                pltpu.async_copy(pt_hbm.at[pl.ds(j * NP, NP)], ps, sem),
                pltpu.async_copy(pt_hbm.at[pl.ds((HP + j) * NP, NP)], pd, sem),
                pltpu.async_copy(qt_hbm.at[pl.ds(j * (NW * EC) + base, EC)],
                                 q, sem),
            )

        pending = start(0, 0)
        for j in range(HP):
            nxt = start(j + 1, (j + 1) % 2) if j + 1 < HP else None
            for c in pending:
                c.wait()
            ps, pd, q, _ = bufs[j % 2]
            w2e = w2b_v[j, :]
            w2o = w2b_v[HP + j, :]

            @plsc.parallel_loop(0, G, step=1, unroll=8)
            def _(g, _ps=ps, _pd=pd, _q=q, _w2e=w2e, _w2o=w2o):
                off = pl.multiple_of(g * 16, 16)
                sd = sd_v[pl.ds(off, 16)]
                s = sd & 0xFFFF
                d = lax.shift_right_logical(sd, 16)
                wps = plsc.bitcast(plsc.load_gather(_ps, [s]), jnp.uint32)
                wpd = plsc.bitcast(plsc.load_gather(_pd, [d]), jnp.uint32)
                wq = plsc.bitcast(_q[pl.ds(off, 16)], jnp.uint32)
                pse = plsc.bitcast(wps & MASK_HI, jnp.float32)
                pso = plsc.bitcast(wps << 16, jnp.float32)
                pde = plsc.bitcast(wpd & MASK_HI, jnp.float32)
                pdo = plsc.bitcast(wpd << 16, jnp.float32)
                qe = plsc.bitcast(wq & MASK_HI, jnp.float32)
                qo = plsc.bitcast(wq << 16, jnp.float32)
                ze = jnp.maximum(pse + pde + qe, 0.0)
                zo = jnp.maximum(pso + pdo + qo, 0.0)
                upd = _w2e * ze + _w2o * zo
                plsc.addupdate(acc_v.at[pl.ds(off, 16)], upd)

            pending = nxt

        pltpu.sync_copy(acc_v, out_hbm.at[pl.ds(base, EC)])

    return sc_combine


def kernel(x, edge_index, e, W1, b1, W2, b2):
    N, D = x.shape
    E = e.shape[0]
    H = W1.shape[0]
    HP = H // 2

    info = plsc.get_sparse_core_info()
    NC, NS = info.num_cores, info.num_subcores
    NW = NC * NS

    BE = 12800
    NP = -(-N // 8) * 8
    unit = BE * NW * 16 // _gcd(BE, NW * 16)
    EP = -(-E // unit) * unit
    EC = EP // NW

    xp = jnp.pad(x, ((0, NP - N), (0, 0))) if NP != N else x
    ep = jnp.pad(e, ((0, EP - E), (0, 0))) if EP != E else e
    if EP != E:
        ei = jnp.concatenate([jnp.pad(edge_index[0], (0, EP - E)),
                              jnp.pad(edge_index[1], (0, EP - E))])
    else:
        ei = edge_index.reshape(-1)

    def _perm_rows(a):
        r = a.reshape(HP, 2, *a.shape[1:])
        return jnp.concatenate([r[:, 0], r[:, 1]], axis=0)

    W1p = _perm_rows(W1)
    W1s = W1p[:, :D]
    W1d = W1p[:, D:2 * D]
    W1e = W1p[:, 2 * D:]
    b1p = _perm_rows(b1)
    Wsd = jnp.concatenate([W1s, W1d], axis=0)
    b1pad = jnp.concatenate([b1p, jnp.zeros_like(b1p)])[:, None]

    pt = pl.pallas_call(
        _node_proj_body,
        out_shape=jax.ShapeDtypeStruct((H, NP), jnp.float32),
    )(Wsd, b1pad, xp)

    qt = pl.pallas_call(
        _edge_proj_body,
        grid=(EP // BE,),
        in_specs=[
            pl.BlockSpec((H, D), lambda i: (0, 0)),
            pl.BlockSpec((BE, D), lambda i: (i, 0)),
        ],
        out_specs=pl.BlockSpec((HP, BE), lambda i: (0, i)),
        out_shape=jax.ShapeDtypeStruct((HP, EP), jnp.float32),
    )(W1e, ep)

    w2p = _perm_rows(W2[0])
    w2b = jnp.broadcast_to(w2p[:, None], (H, 16)).astype(jnp.float32)
    b2w = jnp.broadcast_to(b2.astype(jnp.float32), (16,))

    sc = _make_sc_combine(HP, NP, EC, NC, NS)
    out = sc(ei, pt.reshape(-1), qt.reshape(-1), w2b, b2w)
    return out[:E, None]


def _gcd(a, b):
    while b:
        a, b = b, a % b
    return a

# --- scband reference (transcript-rebuilt; emitter-appended) ---
"""Pipeline reference for scband-score-predictor-45887430590979 (READ-ONLY COPY).

The authoritative reference and input builder live on the scoring server;
editing this copy changes nothing except your own understanding.
"""

import jax, jax.numpy as jnp
import numpy as np

N, E, D, H = 10000, 320000, 128, 16

def setup_inputs(seed: int = 0) -> dict:
    key = jax.random.key(seed)
    ks = jax.random.split(key, 8)
    x = jax.random.normal(ks[0], (N, D), dtype=jnp.float32)
    e = jax.random.normal(ks[1], (E, D), dtype=jnp.float32)
    edge_index = jax.random.randint(ks[2], (2, E), 0, N, dtype=jnp.int32)
    # Learned parameters: mlp1 = Linear(3*D -> H), mlp2 = Linear(H -> 1), torch convention y = x @ W.T + b
    W1 = jax.random.normal(ks[3], (H, 3 * D), dtype=jnp.float32) * (1.0 / np.sqrt(3 * D))
    b1 = jax.random.normal(ks[4], (H,), dtype=jnp.float32) * 0.01
    W2 = jax.random.normal(ks[5], (1, H), dtype=jnp.float32) * (1.0 / np.sqrt(H))
    b2 = jax.random.normal(ks[6], (1,), dtype=jnp.float32) * 0.01
    return {"x": x, "edge_index": edge_index, "e": e, "W1": W1, "b1": b1, "W2": W2, "b2": b2}

def reference(x, edge_index, e, W1, b1, W2, b2):
    # DGL apply_edges(score_edges): for each edge, cat([src_feat, dst_feat, edge_feat]) -> mlp1 -> relu -> mlp2
    src = jnp.take(x, edge_index[0], axis=0)
    dst = jnp.take(x, edge_index[1], axis=0)
    data = jnp.concatenate([src, dst, e], axis=1)
    h = data @ W1.T + b1
    h = jax.nn.relu(h)
    score = h @ W2.T + b2
    return score

if __name__ == "__main__":
    import jax
    _d = setup_inputs()
    print(jax.jit(kernel)(*tuple(_d.values())))

</pallas_src>

<mosaic_0001>
#map = affine_map<(d0, d1) -> (0)>
#map1 = affine_map<(d0, d1) -> (0, 0)>
module attributes {stable_mosaic.version = 14 : i64} {
  func.func @_rewritten_body(%arg0: i32, %arg1: i32, %arg2: memref<640000xi32, #tpu.memory_space<hbm>>, %arg3: memref<160000xf32, #tpu.memory_space<hbm>>, %arg4: memref<2560000xf32, #tpu.memory_space<hbm>>, %arg5: memref<16x16xf32, #tpu.memory_space<hbm>>, %arg6: memref<16xf32, #tpu.memory_space<hbm>>, %arg7: memref<1xi32, #tpu.memory_space<hbm>>, %arg8: memref<320000xf32, #tpu.memory_space<hbm>>, %arg9: memref<10000xi32, #tpu.memory_space<vmem>>, %arg10: memref<10000xi32, #tpu.memory_space<vmem>>, %arg11: memref<10000xi32, #tpu.memory_space<vmem>>, %arg12: memref<10000xf32, #tpu.memory_space<vmem>>, %arg13: memref<10000xf32, #tpu.memory_space<vmem>>, %arg14: memref<10000xf32, #tpu.memory_space<vmem>>, %arg15: memref<10000xf32, #tpu.memory_space<vmem>>, %arg16: memref<10000xf32, #tpu.memory_space<vmem>>, %arg17: memref<10000xf32, #tpu.memory_space<vmem>>, %arg18: memref<10000xf32, #tpu.memory_space<vmem>>, %arg19: memref<16x16xf32, #tpu.memory_space<vmem>>, %arg20: memref<16xf32, #tpu.memory_space<vmem>>, %arg21: memref<!tpu.dma_semaphore, #tpu.memory_space<semaphore_mem>>, %arg22: memref<!tpu.dma_semaphore, #tpu.memory_space<semaphore_mem>>) attributes {dimension_semantics = [#tpu.dimension_semantics<core_parallel>, #tpu.dimension_semantics<subcore_parallel>], iteration_bounds = array<i64: 2, 16>, scalar_prefetch = 0 : i64, scratch_operands = 14 : i64, tpu.core_type = #tpu.core_type<sc_vector_subcore>, window_params = [{transform_indices = #map}, {transform_indices = #map}, {transform_indices = #map}, {transform_indices = #map1}, {transform_indices = #map}, {transform_indices = #map}, {transform_indices = #map}]} {
    %empty_ref3A = memref.alloca() : memref<16xi32, #tpu.memory_space<vmem>>
    "tpu.region"() ({
      %run_scoped3A = tpu.sem_alloc : memref<!tpu.dma_semaphore, #tpu.memory_space<semaphore_mem>>
      %dma_start3A_272 = arith.constant 0 : i32
      %dma_start3A_273 = tpu.memref_slice %empty_ref3A[%dma_start3A_272] : memref<16xi32, #tpu.memory_space<vmem>> -> memref<1xi32, #tpu.memory_space<vmem>>
      %dma_start3A_274 = arith.constant 0 : i32
      %dma_start3A_275 = tpu.memref_slice %empty_ref3A[%dma_start3A_274] : memref<16xi32, #tpu.memory_space<vmem>> -> memref<1xi32, #tpu.memory_space<vmem>>
      tpu.enqueue_dma source(%arg7 : memref<1xi32, #tpu.memory_space<hbm>>) target(%dma_start3A_275 : memref<1xi32, #tpu.memory_space<vmem>>) target_semaphore(%run_scoped3A : memref<!tpu.dma_semaphore, #tpu.memory_space<semaphore_mem>>)
      %dma_wait3A_276 = arith.constant 0 : i32
      %dma_wait3A_277 = tpu.memref_slice %empty_ref3A[%dma_wait3A_276] : memref<16xi32, #tpu.memory_space<vmem>> -> memref<1xi32, #tpu.memory_space<vmem>>
      %dma_wait3A_278 = arith.constant 0 : i32
      %dma_wait3A_279 = tpu.memref_slice %empty_ref3A[%dma_wait3A_278] : memref<16xi32, #tpu.memory_space<vmem>> -> memref<1xi32, #tpu.memory_space<vmem>>
      tpu.wait_dma2 semaphore(%run_scoped3A : memref<!tpu.dma_semaphore, #tpu.memory_space<semaphore_mem>>) src(%arg7 : memref<1xi32, #tpu.memory_space<hbm>>) dst(%dma_wait3A_279 : memref<1xi32, #tpu.memory_space<vmem>>)
      tpu.yield
    }) : () -> ()
    %get3A = arith.constant 0 : index
    %get3A_0 = tpu.vector_load %empty_ref3A[%get3A] {strides = array<i32>} : memref<16xi32, #tpu.memory_space<vmem>>, vector<16xi32>,
    %slice3A = vector.extract_strided_slice %get3A_0 {offsets = [0], sizes = [1], strides = [1]} : vector<16xi32> to vector<1xi32>
    %squeeze3A = vector.extract %slice3A[0] : i32 from vector<1xi32>
    %mul3A = arith.constant 2 : i32
    %mul3A_1 = arith.muli %arg1, %mul3A : i32
    %add3A = arith.addi %mul3A_1, %arg0 : i32
    %mul3A_2 = arith.constant 10000 : i32
    %mul3A_3 = arith.muli %add3A, %mul3A_2 : i32
    "tpu.region"() ({
      %run_scoped3A = tpu.sem_alloc : memref<!tpu.dma_semaphore, #tpu.memory_space<semaphore_mem>>
      %dma_start3A_272 = tpu.memref_slice %arg2[%mul3A_3] : memref<640000xi32, #tpu.memory_space<hbm>> -> memref<10000xi32, #tpu.memory_space<hbm>>
      %dma_start3A_273 = tpu.memref_slice %arg2[%mul3A_3] : memref<640000xi32, #tpu.memory_space<hbm>> -> memref<10000xi32, #tpu.memory_space<hbm>>
      tpu.enqueue_dma source(%dma_start3A_273 : memref<10000xi32, #tpu.memory_space<hbm>>) target(%arg9 : memref<10000xi32, #tpu.memory_space<vmem>>) target_semaphore(%run_scoped3A : memref<!tpu.dma_semaphore, #tpu.memory_space<semaphore_mem>>)
      %dma_wait3A_274 = tpu.memref_slice %arg2[%mul3A_3] : memref<640000xi32, #tpu.memory_space<hbm>> -> memref<10000xi32, #tpu.memory_space<hbm>>
      %dma_wait3A_275 = tpu.memref_slice %arg2[%mul3A_3] : memref<640000xi32, #tpu.memory_space<hbm>> -> memref<10000xi32, #tpu.memory_space<hbm>>
      tpu.wait_dma2 semaphore(%run_scoped3A : memref<!tpu.dma_semaphore, #tpu.memory_space<semaphore_mem>>) src(%dma_wait3A_275 : memref<10000xi32, #tpu.memory_space<hbm>>) dst(%arg9 : memref<10000xi32, #tpu.memory_space<vmem>>)
      tpu.yield
    }) : () -> ()
    %add3A_4 = arith.constant 320000 : i32
    %add3A_5 = arith.addi %add3A_4, %mul3A_3 : i32
    "tpu.region"() ({
      %run_scoped3A = tpu.sem_alloc : memref<!tpu.dma_semaphore, #tpu.memory_space<semaphore_mem>>
      %dma_start3A_272 = tpu.memref_slice %arg2[%add3A_5] : memref<640000xi32, #tpu.memory_space<hbm>> -> memref<10000xi32, #tpu.memory_space<hbm>>
      %dma_start3A_273 = tpu.memref_slice %arg2[%add3A_5] : memref<640000xi32, #tpu.memory_space<hbm>> -> memref<10000xi32, #tpu.memory_space<hbm>>
      tpu.enqueue_dma source(%dma_start3A_273 : memref<10000xi32, #tpu.memory_space<hbm>>) target(%arg10 : memref<10000xi32, #tpu.memory_space<vmem>>) target_semaphore(%run_scoped3A : memref<!tpu.dma_semaphore, #tpu.memory_space<semaphore_mem>>)
      %dma_wait3A_274 = tpu.memref_slice %arg2[%add3A_5] : memref<640000xi32, #tpu.memory_space<hbm>> -> memref<10000xi32, #tpu.memory_space<hbm>>
      %dma_wait3A_275 = tpu.memref_slice %arg2[%add3A_5] : memref<640000xi32, #tpu.memory_space<hbm>> -> memref<10000xi32, #tpu.memory_space<hbm>>
      tpu.wait_dma2 semaphore(%run_scoped3A : memref<!tpu.dma_semaphore, #tpu.memory_space<semaphore_mem>>) src(%dma_wait3A_275 : memref<10000xi32, #tpu.memory_space<hbm>>) dst(%arg10 : memref<10000xi32, #tpu.memory_space<vmem>>)
      tpu.yield
    }) : () -> ()
    "tpu.region"() ({
      %run_scoped3A = tpu.sem_alloc : memref<!tpu.dma_semaphore, #tpu.memory_space<semaphore_mem>>
      tpu.enqueue_dma source(%arg5 : memref<16x16xf32, #tpu.memory_space<hbm>>) target(%arg19 : memref<16x16xf32, #tpu.memory_space<vmem>>) target_semaphore(%run_scoped3A : memref<!tpu.dma_semaphore, #tpu.memory_space<semaphore_mem>>)
      tpu.wait_dma2 semaphore(%run_scoped3A : memref<!tpu.dma_semaphore, #tpu.memory_space<semaphore_mem>>) src(%arg5 : memref<16x16xf32, #tpu.memory_space<hbm>>) dst(%arg19 : memref<16x16xf32, #tpu.memory_space<vmem>>)
      tpu.yield
    }) : () -> ()
    "tpu.region"() ({
      %run_scoped3A = tpu.sem_alloc : memref<!tpu.dma_semaphore, #tpu.memory_space<semaphore_mem>>
      tpu.enqueue_dma source(%arg6 : memref<16xf32, #tpu.memory_space<hbm>>) target(%arg20 : memref<16xf32, #tpu.memory_space<vmem>>) target_semaphore(%run_scoped3A : memref<!tpu.dma_semaphore, #tpu.memory_space<semaphore_mem>>)
      tpu.wait_dma2 semaphore(%run_scoped3A : memref<!tpu.dma_semaphore, #tpu.memory_space<semaphore_mem>>) src(%arg6 : memref<16xf32, #tpu.memory_space<hbm>>) dst(%arg20 : memref<16xf32, #tpu.memory_space<vmem>>)
      tpu.yield
    }) : () -> ()
    %get3A_6 = arith.constant 0 : index
    %get3A_7 = tpu.vector_load %arg20[%get3A_6] {strides = array<i32>} : memref<16xf32, #tpu.memory_space<vmem>>, vector<16xf32>,
    %parallel_loop3A = arith.constant 0 : i32
    %parallel_loop3A_8 = arith.constant 625 : i32
    %parallel_loop3A_9 = arith.constant 1 : i32
    scf.for %parallel_loop3A_272 = %parallel_loop3A to %parallel_loop3A_8 step %parallel_loop3A_9  : i32 {
      %parallel_loop3A_273 = arith.constant 16 : i32
      %parallel_loop3A_274 = arith.muli %parallel_loop3A_272, %parallel_loop3A_273 : i32
      %parallel_loop3A_275 = tpu.assume_multiple %parallel_loop3A_274, 16 : i32
      %parallel_loop3A_276 = arith.index_cast %parallel_loop3A_275 : i32 to index
      %parallel_loop3A_277 = tpu.vector_load %arg9[%parallel_loop3A_276] {strides = array<i32>} : memref<10000xi32, #tpu.memory_space<vmem>>, vector<16xi32>,
      %parallel_loop3A_278 = arith.index_cast %parallel_loop3A_275 : i32 to index
      %parallel_loop3A_279 = tpu.vector_load %arg10[%parallel_loop3A_278] {strides = array<i32>} : memref<10000xi32, #tpu.memory_space<vmem>>, vector<16xi32>,
      %parallel_loop3A_280 = arith.constant 16 : i32
      %parallel_loop3A_281 = vector.broadcast %parallel_loop3A_280 : i32 to vector<16xi32>
      %parallel_loop3A_282 = arith.shli %parallel_loop3A_279, %parallel_loop3A_281 : vector<16xi32>
      %parallel_loop3A_283 = arith.ori %parallel_loop3A_277, %parallel_loop3A_282 : vector<16xi32>
      %parallel_loop3A_284 = arith.index_cast %parallel_loop3A_275 : i32 to index
      %parallel_loop3A_285 = tpu.vector_load %arg11[%parallel_loop3A_284] {strides = array<i32>} : memref<10000xi32, #tpu.memory_space<vmem>>, vector<16xi32>,
      tpu.vector_store %arg11[%parallel_loop3A_284], %parallel_loop3A_283 {strides = array<i32>} : memref<10000xi32, #tpu.memory_space<vmem>>, vector<16xi32>,
      %parallel_loop3A_286 = arith.index_cast %parallel_loop3A_275 : i32 to index
      %parallel_loop3A_287 = tpu.vector_load %arg12[%parallel_loop3A_286] {strides = array<i32>} : memref<10000xf32, #tpu.memory_space<vmem>>, vector<16xf32>,
      tpu.vector_store %arg12[%parallel_loop3A_286], %get3A_7 {strides = array<i32>} : memref<10000xf32, #tpu.memory_space<vmem>>, vector<16xf32>,
    } {sc.loop_unroll_factor = 8 : i64, sc.parallel_access}
    %dma_start3A = arith.constant 0 : i32
    %dma_start3A_10 = tpu.memref_slice %arg3[%dma_start3A] : memref<160000xf32, #tpu.memory_space<hbm>> -> memref<10000xf32, #tpu.memory_space<hbm>>
    %dma_start3A_11 = arith.constant 0 : i32
    %dma_start3A_12 = tpu.memref_slice %arg3[%dma_start3A_11] : memref<160000xf32, #tpu.memory_space<hbm>> -> memref<10000xf32, #tpu.memory_space<hbm>>
    tpu.enqueue_dma source(%dma_start3A_12 : memref<10000xf32, #tpu.memory_space<hbm>>) target(%arg13 : memref<10000xf32, #tpu.memory_space<vmem>>) target_semaphore(%arg21 : memref<!tpu.dma_semaphore, #tpu.memory_space<semaphore_mem>>)
    %dma_start3A_13 = arith.constant 80000 : i32
    %dma_start3A_14 = tpu.memref_slice %arg3[%dma_start3A_13] : memref<160000xf32, #tpu.memory_space<hbm>> -> memref<10000xf32, #tpu.memory_space<hbm>>
    %dma_start3A_15 = arith.constant 80000 : i32
    %dma_start3A_16 = tpu.memref_slice %arg3[%dma_start3A_15] : memref<160000xf32, #tpu.memory_space<hbm>> -> memref<10000xf32, #tpu.memory_space<hbm>>
    tpu.enqueue_dma source(%dma_start3A_16 : memref<10000xf32, #tpu.memory_space<hbm>>) target(%arg15 : memref<10000xf32, #tpu.memory_space<vmem>>) target_semaphore(%arg21 : memref<!tpu.dma_semaphore, #tpu.memory_space<semaphore_mem>>)
    %add3A_17 = arith.constant 0 : i32
    %add3A_18 = arith.addi %add3A_17, %mul3A_3 : i32
    %dma_start3A_19 = tpu.memref_slice %arg4[%add3A_18] : memref<2560000xf32, #tpu.memory_space<hbm>> -> memref<10000xf32, #tpu.memory_space<hbm>>
    %dma_start3A_20 = tpu.memref_slice %arg4[%add3A_18] : memref<2560000xf32, #tpu.memory_space<hbm>> -> memref<10000xf32, #tpu.memory_space<hbm>>
    tpu.enqueue_dma source(%dma_start3A_20 : memref<10000xf32, #tpu.memory_space<hbm>>) target(%arg17 : memref<10000xf32, #tpu.memory_space<vmem>>) target_semaphore(%arg21 : memref<!tpu.dma_semaphore, #tpu.memory_space<semaphore_mem>>)
    %dma_start3A_21 = arith.constant 10000 : i32
    %dma_start3A_22 = tpu.memref_slice %arg3[%dma_start3A_21] : memref<160000xf32, #tpu.memory_space<hbm>> -> memref<10000xf32, #tpu.memory_space<hbm>>
    %dma_start3A_23 = arith.constant 10000 : i32
    %dma_start3A_24 = tpu.memref_slice %arg3[%dma_start3A_23] : memref<160000xf32, #tpu.memory_space<hbm>> -> memref<10000xf32, #tpu.memory_space<hbm>>
    tpu.enqueue_dma source(%dma_start3A_24 : memref<10000xf32, #tpu.memory_space<hbm>>) target(%arg14 : memref<10000xf32, #tpu.memory_space<vmem>>) target_semaphore(%arg22 : memref<!tpu.dma_semaphore, #tpu.memory_space<semaphore_mem>>)
    %dma_start3A_25 = arith.constant 90000 : i32
    %dma_start3A_26 = tpu.memref_slice %arg3[%dma_start3A_25] : memref<160000xf32, #tpu.memory_space<hbm>> -> memref<10000xf32, #tpu.memory_space<hbm>>
    %dma_start3A_27 = arith.constant 90000 : i32
    %dma_start3A_28 = tpu.memref_slice %arg3[%dma_start3A_27] : memref<160000xf32, #tpu.memory_space<hbm>> -> memref<10000xf32, #tpu.memory_space<hbm>>
    tpu.enqueue_dma source(%dma_start3A_28 : memref<10000xf32, #tpu.memory_space<hbm>>) target(%arg16 : memref<10000xf32, #tpu.memory_space<vmem>>) target_semaphore(%arg22 : memref<!tpu.dma_semaphore, #tpu.memory_space<semaphore_mem>>)
    %add3A_29 = arith.constant 320000 : i32
    %add3A_30 = arith.addi %add3A_29, %mul3A_3 : i32
    %dma_start3A_31 = tpu.memref_slice %arg4[%add3A_30] : memref<2560000xf32, #tpu.memory_space<hbm>> -> memref<10000xf32, #tpu.memory_space<hbm>>
    %dma_start3A_32 = tpu.memref_slice %arg4[%add3A_30] : memref<2560000xf32, #tpu.memory_space<hbm>> -> memref<10000xf32, #tpu.memory_space<hbm>>
    tpu.enqueue_dma source(%dma_start3A_32 : memref<10000xf32, #tpu.memory_space<hbm>>) target(%arg18 : memref<10000xf32, #tpu.memory_space<vmem>>) target_semaphore(%arg22 : memref<!tpu.dma_semaphore, #tpu.memory_space<semaphore_mem>>)
    %dma_wait3A = arith.constant 0 : i32
    %dma_wait3A_33 = tpu.memref_slice %arg3[%dma_wait3A] : memref<160000xf32, #tpu.memory_space<hbm>> -> memref<10000xf32, #tpu.memory_space<hbm>>
    %dma_wait3A_34 = arith.constant 0 : i32
    %dma_wait3A_35 = tpu.memref_slice %arg3[%dma_wait3A_34] : memref<160000xf32, #tpu.memory_space<hbm>> -> memref<10000xf32, #tpu.memory_space<hbm>>
    tpu.wait_dma2 semaphore(%arg21 : memref<!tpu.dma_semaphore, #tpu.memory_space<semaphore_mem>>) src(%dma_wait3A_35 : memref<10000xf32, #tpu.memory_space<hbm>>) dst(%arg13 : memref<10000xf32, #tpu.memory_space<vmem>>)
    %dma_wait3A_36 = arith.constant 80000 : i32
    %dma_wait3A_37 = tpu.memref_slice %arg3[%dma_wait3A_36] : memref<160000xf32, #tpu.memory_space<hbm>> -> memref<10000xf32, #tpu.memory_space<hbm>>
    %dma_wait3A_38 = arith.constant 80000 : i32
    %dma_wait3A_39 = tpu.memref_slice %arg3[%dma_wait3A_38] : memref<160000xf32, #tpu.memory_space<hbm>> -> memref<10000xf32, #tpu.memory_space<hbm>>
    tpu.wait_dma2 semaphore(%arg21 : memref<!tpu.dma_semaphore, #tpu.memory_space<semaphore_mem>>) src(%dma_wait3A_39 : memref<10000xf32, #tpu.memory_space<hbm>>) dst(%arg15 : memref<10000xf32, #tpu.memory_space<vmem>>)
    %dma_wait3A_40 = tpu.memref_slice %arg4[%add3A_18] : memref<2560000xf32, #tpu.memory_space<hbm>> -> memref<10000xf32, #tpu.memory_space<hbm>>
    %dma_wait3A_41 = tpu.memref_slice %arg4[%add3A_18] : memref<2560000xf32, #tpu.memory_space<hbm>> -> memref<10000xf32, #tpu.memory_space<hbm>>
    tpu.wait_dma2 semaphore(%arg21 : memref<!tpu.dma_semaphore, #tpu.memory_space<semaphore_mem>>) src(%dma_wait3A_41 : memref<10000xf32, #tpu.memory_space<hbm>>) dst(%arg17 : memref<10000xf32, #tpu.memory_space<vmem>>)
    %get3A_42 = arith.constant 0 : i32
    %get3A_43 = arith.index_cast %get3A_42 : i32 to index
    %get3A_44 = arith.constant 0 : index
    %get3A_45 = tpu.vector_load %arg19[%get3A_43, %get3A_44] {strides = array<i32>} : memref<16x16xf32, #tpu.memory_space<vmem>>, vector<16xf32>,
    %get3A_46 = arith.constant 8 : i32
    %get3A_47 = arith.index_cast %get3A_46 : i32 to index
    %get3A_48 = arith.constant 0 : index
    %get3A_49 = tpu.vector_load %arg19[%get3A_47, %get3A_48] {strides = array<i32>} : memref<16x16xf32, #tpu.memory_space<vmem>>, vector<16xf32>,
    %parallel_loop3A_50 = arith.constant 0 : i32
    %parallel_loop3A_51 = arith.constant 625 : i32
    %parallel_loop3A_52 = arith.constant 1 : i32
    scf.for %parallel_loop3A_272 = %parallel_loop3A_50 to %parallel_loop3A_51 step %parallel_loop3A_52  : i32 {
      %parallel_loop3A_273 = arith.constant 16 : i32
      %parallel_loop3A_274 = arith.muli %parallel_loop3A_272, %parallel_loop3A_273 : i32
      %parallel_loop3A_275 = tpu.assume_multiple %parallel_loop3A_274, 16 : i32
      %parallel_loop3A_276 = arith.index_cast %parallel_loop3A_275 : i32 to index
      %parallel_loop3A_277 = tpu.vector_load %arg11[%parallel_loop3A_276] {strides = array<i32>} : memref<10000xi32, #tpu.memory_space<vmem>>, vector<16xi32>,
      %parallel_loop3A_278 = arith.constant 65535 : i32
      %parallel_loop3A_279 = vector.broadcast %parallel_loop3A_278 : i32 to vector<16xi32>
      %parallel_loop3A_280 = arith.andi %parallel_loop3A_277, %parallel_loop3A_279 : vector<16xi32>
      %parallel_loop3A_281 = arith.constant 16 : i32
      %parallel_loop3A_282 = vector.broadcast %parallel_loop3A_281 : i32 to vector<16xi32>
      %parallel_loop3A_283 = arith.shrui %parallel_loop3A_277, %parallel_loop3A_282 : vector<16xi32>
      %parallel_loop3A_284 = tpu.vector_load_idx %arg13[%parallel_loop3A_280] : memref<10000xf32, #tpu.memory_space<vmem>>[vector<16xi32>], vector<16xf32>,
      %parallel_loop3A_285 = vector.bitcast %parallel_loop3A_284 : vector<16xf32> to vector<16xi32>
      %parallel_loop3A_286 = tpu.vector_load_idx %arg15[%parallel_loop3A_283] : memref<10000xf32, #tpu.memory_space<vmem>>[vector<16xi32>], vector<16xf32>,
      %parallel_loop3A_287 = vector.bitcast %parallel_loop3A_286 : vector<16xf32> to vector<16xi32>
      %parallel_loop3A_288 = arith.index_cast %parallel_loop3A_275 : i32 to index
      %parallel_loop3A_289 = tpu.vector_load %arg17[%parallel_loop3A_288] {strides = array<i32>} : memref<10000xf32, #tpu.memory_space<vmem>>, vector<16xf32>,
      %parallel_loop3A_290 = vector.bitcast %parallel_loop3A_289 : vector<16xf32> to vector<16xi32>
      %parallel_loop3A_291 = vector.broadcast %squeeze3A : i32 to vector<16xi32>
      %parallel_loop3A_292 = arith.andi %parallel_loop3A_285, %parallel_loop3A_291 : vector<16xi32>
      %parallel_loop3A_293 = vector.bitcast %parallel_loop3A_292 : vector<16xi32> to vector<16xf32>
      %parallel_loop3A_294 = arith.constant 16 : i32
      %parallel_loop3A_295 = vector.broadcast %parallel_loop3A_294 : i32 to vector<16xi32>
      %parallel_loop3A_296 = arith.shli %parallel_loop3A_285, %parallel_loop3A_295 : vector<16xi32>
      %parallel_loop3A_297 = vector.bitcast %parallel_loop3A_296 : vector<16xi32> to vector<16xf32>
      %parallel_loop3A_298 = vector.broadcast %squeeze3A : i32 to vector<16xi32>
      %parallel_loop3A_299 = arith.andi %parallel_loop3A_287, %parallel_loop3A_298 : vector<16xi32>
      %parallel_loop3A_300 = vector.bitcast %parallel_loop3A_299 : vector<16xi32> to vector<16xf32>
      %parallel_loop3A_301 = arith.constant 16 : i32
      %parallel_loop3A_302 = vector.broadcast %parallel_loop3A_301 : i32 to vector<16xi32>
      %parallel_loop3A_303 = arith.shli %parallel_loop3A_287, %parallel_loop3A_302 : vector<16xi32>
      %parallel_loop3A_304 = vector.bitcast %parallel_loop3A_303 : vector<16xi32> to vector<16xf32>
      %parallel_loop3A_305 = vector.broadcast %squeeze3A : i32 to vector<16xi32>
      %parallel_loop3A_306 = arith.andi %parallel_loop3A_290, %parallel_loop3A_305 : vector<16xi32>
      %parallel_loop3A_307 = vector.bitcast %parallel_loop3A_306 : vector<16xi32> to vector<16xf32>
      %parallel_loop3A_308 = arith.constant 16 : i32
      %parallel_loop3A_309 = vector.broadcast %parallel_loop3A_308 : i32 to vector<16xi32>
      %parallel_loop3A_310 = arith.shli %parallel_loop3A_290, %parallel_loop3A_309 : vector<16xi32>
      %parallel_loop3A_311 = vector.bitcast %parallel_loop3A_310 : vector<16xi32> to vector<16xf32>
      %parallel_loop3A_312 = arith.addf %parallel_loop3A_293, %parallel_loop3A_300 : vector<16xf32>
      %parallel_loop3A_313 = arith.addf %parallel_loop3A_312, %parallel_loop3A_307 : vector<16xf32>
      %parallel_loop3A_314 = arith.constant 0.000000e+00 : f32
      %parallel_loop3A_315 = vector.broadcast %parallel_loop3A_314 : f32 to vector<16xf32>
      %parallel_loop3A_316 = arith.maximumf %parallel_loop3A_313, %parallel_loop3A_315 : vector<16xf32>
      %parallel_loop3A_317 = arith.addf %parallel_loop3A_297, %parallel_loop3A_304 : vector<16xf32>
      %parallel_loop3A_318 = arith.addf %parallel_loop3A_317, %parallel_loop3A_311 : vector<16xf32>
      %parallel_loop3A_319 = arith.constant 0.000000e+00 : f32
      %parallel_loop3A_320 = vector.broadcast %parallel_loop3A_319 : f32 to vector<16xf32>
      %parallel_loop3A_321 = arith.maximumf %parallel_loop3A_318, %parallel_loop3A_320 : vector<16xf32>
      %parallel_loop3A_322 = arith.mulf %get3A_45, %parallel_loop3A_316 : vector<16xf32>
      %parallel_loop3A_323 = arith.mulf %get3A_49, %parallel_loop3A_321 : vector<16xf32>
      %parallel_loop3A_324 = arith.addf %parallel_loop3A_322, %parallel_loop3A_323 : vector<16xf32>
      %parallel_loop3A_325 = arith.index_cast %parallel_loop3A_275 : i32 to index
      %parallel_loop3A_326 = tpu.vector_load %arg12[%parallel_loop3A_325] {strides = array<i32>} : memref<10000xf32, #tpu.memory_space<vmem>>, vector<16xf32>,
      tpu.vector_store %arg12[%parallel_loop3A_325], %parallel_loop3A_324 {add = true, strides = array<i32>} : memref<10000xf32, #tpu.memory_space<vmem>>, vector<16xf32>,
    } {sc.loop_unroll_factor = 8 : i64, sc.parallel_access}
    %dma_start3A_53 = arith.constant 20000 : i32
    %dma_start3A_54 = tpu.memref_slice %arg3[%dma_start3A_53] : memref<160000xf32, #tpu.memory_space<hbm>> -> memref<10000xf32, #tpu.memory_space<hbm>>
    %dma_start3A_55 = arith.constant 20000 : i32
    %dma_start3A_56 = tpu.memref_slice %arg3[%dma_start3A_55] : memref<160000xf32, #tpu.memory_space<hbm>> -> memref<10000xf32, #tpu.memory_space<hbm>>
    tpu.enqueue_dma source(%dma_start3A_56 : memref<10000xf32, #tpu.memory_space<hbm>>) target(%arg13 : memref<10000xf32, #tpu.memory_space<vmem>>) target_semaphore(%arg21 : memref<!tpu.dma_semaphore, #tpu.memory_space<semaphore_mem>>)
    %dma_start3A_57 = arith.constant 100000 : i32
    %dma_start3A_58 = tpu.memref_slice %arg3[%dma_start3A_57] : memref<160000xf32, #tpu.memory_space<hbm>> -> memref<10000xf32, #tpu.memory_space<hbm>>
    %dma_start3A_59 = arith.constant 100000 : i32
    %dma_start3A_60 = tpu.memref_slice %arg3[%dma_start3A_59] : memref<160000xf32, #tpu.memory_space<hbm>> -> memref<10000xf32, #tpu.memory_space<hbm>>
    tpu.enqueue_dma source(%dma_start3A_60 : memref<10000xf32, #tpu.memory_space<hbm>>) target(%arg15 : memref<10000xf32, #tpu.memory_space<vmem>>) target_semaphore(%arg21 : memref<!tpu.dma_semaphore, #tpu.memory_space<semaphore_mem>>)
    %add3A_61 = arith.constant 640000 : i32
    %add3A_62 = arith.addi %add3A_61, %mul3A_3 : i32
    %dma_start3A_63 = tpu.memref_slice %arg4[%add3A_62] : memref<2560000xf32, #tpu.memory_space<hbm>> -> memref<10000xf32, #tpu.memory_space<hbm>>
    %dma_start3A_64 = tpu.memref_slice %arg4[%add3A_62] : memref<2560000xf32, #tpu.memory_space<hbm>> -> memref<10000xf32, #tpu.memory_space<hbm>>
    tpu.enqueue_dma source(%dma_start3A_64 : memref<10000xf32, #tpu.memory_space<hbm>>) target(%arg17 : memref<10000xf32, #tpu.memory_space<vmem>>) target_semaphore(%arg21 : memref<!tpu.dma_semaphore, #tpu.memory_space<semaphore_mem>>)
    %dma_wait3A_65 = arith.constant 10000 : i32
    %dma_wait3A_66 = tpu.memref_slice %arg3[%dma_wait3A_65] : memref<160000xf32, #tpu.memory_space<hbm>> -> memref<10000xf32, #tpu.memory_space<hbm>>
    %dma_wait3A_67 = arith.constant 10000 : i32
    %dma_wait3A_68 = tpu.memref_slice %arg3[%dma_wait3A_67] : memref<160000xf32, #tpu.memory_space<hbm>> -> memref<10000xf32, #tpu.memory_space<hbm>>
    tpu.wait_dma2 semaphore(%arg22 : memref<!tpu.dma_semaphore, #tpu.memory_space<semaphore_mem>>) src(%dma_wait3A_68 : memref<10000xf32, #tpu.memory_space<hbm>>) dst(%arg14 : memref<10000xf32, #tpu.memory_space<vmem>>)
    %dma_wait3A_69 = arith.constant 90000 : i32
    %dma_wait3A_70 = tpu.memref_slice %arg3[%dma_wait3A_69] : memref<160000xf32, #tpu.memory_space<hbm>> -> memref<10000xf32, #tpu.memory_space<hbm>>
    %dma_wait3A_71 = arith.constant 90000 : i32
    %dma_wait3A_72 = tpu.memref_slice %arg3[%dma_wait3A_71] : memref<160000xf32, #tpu.memory_space<hbm>> -> memref<10000xf32, #tpu.memory_space<hbm>>
    tpu.wait_dma2 semaphore(%arg22 : memref<!tpu.dma_semaphore, #tpu.memory_space<semaphore_mem>>) src(%dma_wait3A_72 : memref<10000xf32, #tpu.memory_space<hbm>>) dst(%arg16 : memref<10000xf32, #tpu.memory_space<vmem>>)
    %dma_wait3A_73 = tpu.memref_slice %arg4[%add3A_30] : memref<2560000xf32, #tpu.memory_space<hbm>> -> memref<10000xf32, #tpu.memory_space<hbm>>
    %dma_wait3A_74 = tpu.memref_slice %arg4[%add3A_30] : memref<2560000xf32, #tpu.memory_space<hbm>> -> memref<10000xf32, #tpu.memory_space<hbm>>
    tpu.wait_dma2 semaphore(%arg22 : memref<!tpu.dma_semaphore, #tpu.memory_space<semaphore_mem>>) src(%dma_wait3A_74 : memref<10000xf32, #tpu.memory_space<hbm>>) dst(%arg18 : memref<10000xf32, #tpu.memory_space<vmem>>)
    %get3A_75 = arith.constant 1 : i32
    %get3A_76 = arith.index_cast %get3A_75 : i32 to index
    %get3A_77 = arith.constant 0 : index
    %get3A_78 = tpu.vector_load %arg19[%get3A_76, %get3A_77] {strides = array<i32>} : memref<16x16xf32, #tpu.memory_space<vmem>>, vector<16xf32>,
    %get3A_79 = arith.constant 9 : i32
    %get3A_80 = arith.index_cast %get3A_79 : i32 to index
    %get3A_81 = arith.constant 0 : index
    %get3A_82 = tpu.vector_load %arg19[%get3A_80, %get3A_81] {strides = array<i32>} : memref<16x16xf32, #tpu.memory_space<vmem>>, vector<16xf32>,
    %parallel_loop3A_83 = arith.constant 0 : i32
    %parallel_loop3A_84 = arith.constant 625 : i32
    %parallel_loop3A_85 = arith.constant 1 : i32
    scf.for %parallel_loop3A_272 = %parallel_loop3A_83 to %parallel_loop3A_84 step %parallel_loop3A_85  : i32 {
      %parallel_loop3A_273 = arith.constant 16 : i32
      %parallel_loop3A_274 = arith.muli %parallel_loop3A_272, %parallel_loop3A_273 : i32
      %parallel_loop3A_275 = tpu.assume_multiple %parallel_loop3A_274, 16 : i32
      %parallel_loop3A_276 = arith.index_cast %parallel_loop3A_275 : i32 to index
      %parallel_loop3A_277 = tpu.vector_load %arg11[%parallel_loop3A_276] {strides = array<i32>} : memref<10000xi32, #tpu.memory_space<vmem>>, vector<16xi32>,
      %parallel_loop3A_278 = arith.constant 65535 : i32
      %parallel_loop3A_279 = vector.broadcast %parallel_loop3A_278 : i32 to vector<16xi32>
      %parallel_loop3A_280 = arith.andi %parallel_loop3A_277, %parallel_loop3A_279 : vector<16xi32>
      %parallel_loop3A_281 = arith.constant 16 : i32
      %parallel_loop3A_282 = vector.broadcast %parallel_loop3A_281 : i32 to vector<16xi32>
      %parallel_loop3A_283 = arith.shrui %parallel_loop3A_277, %parallel_loop3A_282 : vector<16xi32>
      %parallel_loop3A_284 = tpu.vector_load_idx %arg14[%parallel_loop3A_280] : memref<10000xf32, #tpu.memory_space<vmem>>[vector<16xi32>], vector<16xf32>,
      %parallel_loop3A_285 = vector.bitcast %parallel_loop3A_284 : vector<16xf32> to vector<16xi32>
      %parallel_loop3A_286 = tpu.vector_load_idx %arg16[%parallel_loop3A_283] : memref<10000xf32, #tpu.memory_space<vmem>>[vector<16xi32>], vector<16xf32>,
      %parallel_loop3A_287 = vector.bitcast %parallel_loop3A_286 : vector<16xf32> to vector<16xi32>
      %parallel_loop3A_288 = arith.index_cast %parallel_loop3A_275 : i32 to index
      %parallel_loop3A_289 = tpu.vector_load %arg18[%parallel_loop3A_288] {strides = array<i32>} : memref<10000xf32, #tpu.memory_space<vmem>>, vector<16xf32>,
      %parallel_loop3A_290 = vector.bitcast %parallel_loop3A_289 : vector<16xf32> to vector<16xi32>
      %parallel_loop3A_291 = vector.broadcast %squeeze3A : i32 to vector<16xi32>
      %parallel_loop3A_292 = arith.andi %parallel_loop3A_285, %parallel_loop3A_291 : vector<16xi32>
      %parallel_loop3A_293 = vector.bitcast %parallel_loop3A_292 : vector<16xi32> to vector<16xf32>
      %parallel_loop3A_294 = arith.constant 16 : i32
      %parallel_loop3A_295 = vector.broadcast %parallel_loop3A_294 : i32 to vector<16xi32>
      %parallel_loop3A_296 = arith.shli %parallel_loop3A_285, %parallel_loop3A_295 : vector<16xi32>
      %parallel_loop3A_297 = vector.bitcast %parallel_loop3A_296 : vector<16xi32> to vector<16xf32>
      %parallel_loop3A_298 = vector.broadcast %squeeze3A : i32 to vector<16xi32>
      %parallel_loop3A_299 = arith.andi %parallel_loop3A_287, %parallel_loop3A_298 : vector<16xi32>
      %parallel_loop3A_300 = vector.bitcast %parallel_loop3A_299 : vector<16xi32> to vector<16xf32>
      %parallel_loop3A_301 = arith.constant 16 : i32
      %parallel_loop3A_302 = vector.broadcast %parallel_loop3A_301 : i32 to vector<16xi32>
      %parallel_loop3A_303 = arith.shli %parallel_loop3A_287, %parallel_loop3A_302 : vector<16xi32>
      %parallel_loop3A_304 = vector.bitcast %parallel_loop3A_303 : vector<16xi32> to vector<16xf32>
      %parallel_loop3A_305 = vector.broadcast %squeeze3A : i32 to vector<16xi32>
      %parallel_loop3A_306 = arith.andi %parallel_loop3A_290, %parallel_loop3A_305 : vector<16xi32>
      %parallel_loop3A_307 = vector.bitcast %parallel_loop3A_306 : vector<16xi32> to vector<16xf32>
      %parallel_loop3A_308 = arith.constant 16 : i32
      %parallel_loop3A_309 = vector.broadcast %parallel_loop3A_308 : i32 to vector<16xi32>
      %parallel_loop3A_310 = arith.shli %parallel_loop3A_290, %parallel_loop3A_309 : vector<16xi32>
      %parallel_loop3A_311 = vector.bitcast %parallel_loop3A_310 : vector<16xi32> to vector<16xf32>
      %parallel_loop3A_312 = arith.addf %parallel_loop3A_293, %parallel_loop3A_300 : vector<16xf32>
      %parallel_loop3A_313 = arith.addf %parallel_loop3A_312, %parallel_loop3A_307 : vector<16xf32>
      %parallel_loop3A_314 = arith.constant 0.000000e+00 : f32
      %parallel_loop3A_315 = vector.broadcast %parallel_loop3A_314 : f32 to vector<16xf32>
      %parallel_loop3A_316 = arith.maximumf %parallel_loop3A_313, %parallel_loop3A_315 : vector<16xf32>
      %parallel_loop3A_317 = arith.addf %parallel_loop3A_297, %parallel_loop3A_304 : vector<16xf32>
      %parallel_loop3A_318 = arith.addf %parallel_loop3A_317, %parallel_loop3A_311 : vector<16xf32>
      %parallel_loop3A_319 = arith.constant 0.000000e+00 : f32
      %parallel_loop3A_320 = vector.broadcast %parallel_loop3A_319 : f32 to vector<16xf32>
      %parallel_loop3A_321 = arith.maximumf %parallel_loop3A_318, %parallel_loop3A_320 : vector<16xf32>
      %parallel_loop3A_322 = arith.mulf %get3A_78, %parallel_loop3A_316 : vector<16xf32>
      %parallel_loop3A_323 = arith.mulf %get3A_82, %parallel_loop3A_321 : vector<16xf32>
      %parallel_loop3A_324 = arith.addf %parallel_loop3A_322, %parallel_loop3A_323 : vector<16xf32>
      %parallel_loop3A_325 = arith.index_cast %parallel_loop3A_275 : i32 to index
      %parallel_loop3A_326 = tpu.vector_load %arg12[%parallel_loop3A_325] {strides = array<i32>} : memref<10000xf32, #tpu.memory_space<vmem>>, vector<16xf32>,
      tpu.vector_store %arg12[%parallel_loop3A_325], %parallel_loop3A_324 {add = true, strides = array<i32>} : memref<10000xf32, #tpu.memory_space<vmem>>, vector<16xf32>,
    } {sc.loop_unroll_factor = 8 : i64, sc.parallel_access}
    %dma_start3A_86 = arith.constant 30000 : i32
    %dma_start3A_87 = tpu.memref_slice %arg3[%dma_start3A_86] : memref<160000xf32, #tpu.memory_space<hbm>> -> memref<10000xf32, #tpu.memory_space<hbm>>
    %dma_start3A_88 = arith.constant 30000 : i32
    %dma_start3A_89 = tpu.memref_slice %arg3[%dma_start3A_88] : memref<160000xf32, #tpu.memory_space<hbm>> -> memref<10000xf32, #tpu.memory_space<hbm>>
    tpu.enqueue_dma source(%dma_start3A_89 : memref<10000xf32, #tpu.memory_space<hbm>>) target(%arg14 : memref<10000xf32, #tpu.memory_space<vmem>>) target_semaphore(%arg22 : memref<!tpu.dma_semaphore, #tpu.memory_space<semaphore_mem>>)
    %dma_start3A_90 = arith.constant 110000 : i32
    %dma_start3A_91 = tpu.memref_slice %arg3[%dma_start3A_90] : memref<160000xf32, #tpu.memory_space<hbm>> -> memref<10000xf32, #tpu.memory_space<hbm>>
    %dma_start3A_92 = arith.constant 110000 : i32
    %dma_start3A_93 = tpu.memref_slice %arg3[%dma_start3A_92] : memref<160000xf32, #tpu.memory_space<hbm>> -> memref<10000xf32, #tpu.memory_space<hbm>>
    tpu.enqueue_dma source(%dma_start3A_93 : memref<10000xf32, #tpu.memory_space<hbm>>) target(%arg16 : memref<10000xf32, #tpu.memory_space<vmem>>) target_semaphore(%arg22 : memref<!tpu.dma_semaphore, #tpu.memory_space<semaphore_mem>>)
    %add3A_94 = arith.constant 960000 : i32
    %add3A_95 = arith.addi %add3A_94, %mul3A_3 : i32
    %dma_start3A_96 = tpu.memref_slice %arg4[%add3A_95] : memref<2560000xf32, #tpu.memory_space<hbm>> -> memref<10000xf32, #tpu.memory_space<hbm>>
    %dma_start3A_97 = tpu.memref_slice %arg4[%add3A_95] : memref<2560000xf32, #tpu.memory_space<hbm>> -> memref<10000xf32, #tpu.memory_space<hbm>>
    tpu.enqueue_dma source(%dma_start3A_97 : memref<10000xf32, #tpu.memory_space<hbm>>) target(%arg18 : memref<10000xf32, #tpu.memory_space<vmem>>) target_semaphore(%arg22 : memref<!tpu.dma_semaphore, #tpu.memory_space<semaphore_mem>>)
    %dma_wait3A_98 = arith.constant 20000 : i32
    %dma_wait3A_99 = tpu.memref_slice %arg3[%dma_wait3A_98] : memref<160000xf32, #tpu.memory_space<hbm>> -> memref<10000xf32, #tpu.memory_space<hbm>>
    %dma_wait3A_100 = arith.constant 20000 : i32
    %dma_wait3A_101 = tpu.memref_slice %arg3[%dma_wait3A_100] : memref<160000xf32, #tpu.memory_space<hbm>> -> memref<10000xf32, #tpu.memory_space<hbm>>
    tpu.wait_dma2 semaphore(%arg21 : memref<!tpu.dma_semaphore, #tpu.memory_space<semaphore_mem>>) src(%dma_wait3A_101 : memref<10000xf32, #tpu.memory_space<hbm>>) dst(%arg13 : memref<10000xf32, #tpu.memory_space<vmem>>)
    %dma_wait3A_102 = arith.constant 100000 : i32
    %dma_wait3A_103 = tpu.memref_slice %arg3[%dma_wait3A_102] : memref<160000xf32, #tpu.memory_space<hbm>> -> memref<10000xf32, #tpu.memory_space<hbm>>
    %dma_wait3A_104 = arith.constant 100000 : i32
    %dma_wait3A_105 = tpu.memref_slice %arg3[%dma_wait3A_104] : memref<160000xf32, #tpu.memory_space<hbm>> -> memref<10000xf32, #tpu.memory_space<hbm>>
    tpu.wait_dma2 semaphore(%arg21 : memref<!tpu.dma_semaphore, #tpu.memory_space<semaphore_mem>>) src(%dma_wait3A_105 : memref<10000xf32, #tpu.memory_space<hbm>>) dst(%arg15 : memref<10000xf32, #tpu.memory_space<vmem>>)
    %dma_wait3A_106 = tpu.memref_slice %arg4[%add3A_62] : memref<2560000xf32, #tpu.memory_space<hbm>> -> memref<10000xf32, #tpu.memory_space<hbm>>
    %dma_wait3A_107 = tpu.memref_slice %arg4[%add3A_62] : memref<2560000xf32, #tpu.memory_space<hbm>> -> memref<10000xf32, #tpu.memory_space<hbm>>
    tpu.wait_dma2 semaphore(%arg21 : memref<!tpu.dma_semaphore, #tpu.memory_space<semaphore_mem>>) src(%dma_wait3A_107 : memref<10000xf32, #tpu.memory_space<hbm>>) dst(%arg17 : memref<10000xf32, #tpu.memory_space<vmem>>)
    %get3A_108 = arith.constant 2 : i32
    %get3A_109 = arith.index_cast %get3A_108 : i32 to index
    %get3A_110 = arith.constant 0 : index
    %get3A_111 = tpu.vector_load %arg19[%get3A_109, %get3A_110] {strides = array<i32>} : memref<16x16xf32, #tpu.memory_space<vmem>>, vector<16xf32>,
    %get3A_112 = arith.constant 10 : i32
    %get3A_113 = arith.index_cast %get3A_112 : i32 to index
    %get3A_114 = arith.constant 0 : index
    %get3A_115 = tpu.vector_load %arg19[%get3A_113, %get3A_114] {strides = array<i32>} : memref<16x16xf32, #tpu.memory_space<vmem>>, vector<16xf32>,
    %parallel_loop3A_116 = arith.constant 0 : i32
    %parallel_loop3A_117 = arith.constant 625 : i32
    %parallel_loop3A_118 = arith.constant 1 : i32
    scf.for %parallel_loop3A_272 = %parallel_loop3A_116 to %parallel_loop3A_117 step %parallel_loop3A_118  : i32 {
      %parallel_loop3A_273 = arith.constant 16 : i32
      %parallel_loop3A_274 = arith.muli %parallel_loop3A_272, %parallel_loop3A_273 : i32
      %parallel_loop3A_275 = tpu.assume_multiple %parallel_loop3A_274, 16 : i32
      %parallel_loop3A_276 = arith.index_cast %parallel_loop3A_275 : i32 to index
      %parallel_loop3A_277 = tpu.vector_load %arg11[%parallel_loop3A_276] {strides = array<i32>} : memref<10000xi32, #tpu.memory_space<vmem>>, vector<16xi32>,
      %parallel_loop3A_278 = arith.constant 65535 : i32
      %parallel_loop3A_279 = vector.broadcast %parallel_loop3A_278 : i32 to vector<16xi32>
      %parallel_loop3A_280 = arith.andi %parallel_loop3A_277, %parallel_loop3A_279 : vector<16xi32>
      %parallel_loop3A_281 = arith.constant 16 : i32
      %parallel_loop3A_282 = vector.broadcast %parallel_loop3A_281 : i32 to vector<16xi32>
      %parallel_loop3A_283 = arith.shrui %parallel_loop3A_277, %parallel_loop3A_282 : vector<16xi32>
      %parallel_loop3A_284 = tpu.vector_load_idx %arg13[%parallel_loop3A_280] : memref<10000xf32, #tpu.memory_space<vmem>>[vector<16xi32>], vector<16xf32>,
      %parallel_loop3A_285 = vector.bitcast %parallel_loop3A_284 : vector<16xf32> to vector<16xi32>
      %parallel_loop3A_286 = tpu.vector_load_idx %arg15[%parallel_loop3A_283] : memref<10000xf32, #tpu.memory_space<vmem>>[vector<16xi32>], vector<16xf32>,
      %parallel_loop3A_287 = vector.bitcast %parallel_loop3A_286 : vector<16xf32> to vector<16xi32>
      %parallel_loop3A_288 = arith.index_cast %parallel_loop3A_275 : i32 to index
      %parallel_loop3A_289 = tpu.vector_load %arg17[%parallel_loop3A_288] {strides = array<i32>} : memref<10000xf32, #tpu.memory_space<vmem>>, vector<16xf32>,
      %parallel_loop3A_290 = vector.bitcast %parallel_loop3A_289 : vector<16xf32> to vector<16xi32>
      %parallel_loop3A_291 = vector.broadcast %squeeze3A : i32 to vector<16xi32>
      %parallel_loop3A_292 = arith.andi %parallel_loop3A_285, %parallel_loop3A_291 : vector<16xi32>
      %parallel_loop3A_293 = vector.bitcast %parallel_loop3A_292 : vector<16xi32> to vector<16xf32>
      %parallel_loop3A_294 = arith.constant 16 : i32
      %parallel_loop3A_295 = vector.broadcast %parallel_loop3A_294 : i32 to vector<16xi32>
      %parallel_loop3A_296 = arith.shli %parallel_loop3A_285, %parallel_loop3A_295 : vector<16xi32>
      %parallel_loop3A_297 = vector.bitcast %parallel_loop3A_296 : vector<16xi32> to vector<16xf32>
      %parallel_loop3A_298 = vector.broadcast %squeeze3A : i32 to vector<16xi32>
      %parallel_loop3A_299 = arith.andi %parallel_loop3A_287, %parallel_loop3A_298 : vector<16xi32>
      %parallel_loop3A_300 = vector.bitcast %parallel_loop3A_299 : vector<16xi32> to vector<16xf32>
      %parallel_loop3A_301 = arith.constant 16 : i32
      %parallel_loop3A_302 = vector.broadcast %parallel_loop3A_301 : i32 to vector<16xi32>
      %parallel_loop3A_303 = arith.shli %parallel_loop3A_287, %parallel_loop3A_302 : vector<16xi32>
      %parallel_loop3A_304 = vector.bitcast %parallel_loop3A_303 : vector<16xi32> to vector<16xf32>
      %parallel_loop3A_305 = vector.broadcast %squeeze3A : i32 to vector<16xi32>
      %parallel_loop3A_306 = arith.andi %parallel_loop3A_290, %parallel_loop3A_305 : vector<16xi32>
      %parallel_loop3A_307 = vector.bitcast %parallel_loop3A_306 : vector<16xi32> to vector<16xf32>
      %parallel_loop3A_308 = arith.constant 16 : i32
      %parallel_loop3A_309 = vector.broadcast %parallel_loop3A_308 : i32 to vector<16xi32>
      %parallel_loop3A_310 = arith.shli %parallel_loop3A_290, %parallel_loop3A_309 : vector<16xi32>
      %parallel_loop3A_311 = vector.bitcast %parallel_loop3A_310 : vector<16xi32> to vector<16xf32>
      %parallel_loop3A_312 = arith.addf %parallel_loop3A_293, %parallel_loop3A_300 : vector<16xf32>
      %parallel_loop3A_313 = arith.addf %parallel_loop3A_312, %parallel_loop3A_307 : vector<16xf32>
      %parallel_loop3A_314 = arith.constant 0.000000e+00 : f32
      %parallel_loop3A_315 = vector.broadcast %parallel_loop3A_314 : f32 to vector<16xf32>
      %parallel_loop3A_316 = arith.maximumf %parallel_loop3A_313, %parallel_loop3A_315 : vector<16xf32>
      %parallel_loop3A_317 = arith.addf %parallel_loop3A_297, %parallel_loop3A_304 : vector<16xf32>
      %parallel_loop3A_318 = arith.addf %parallel_loop3A_317, %parallel_loop3A_311 : vector<16xf32>
      %parallel_loop3A_319 = arith.constant 0.000000e+00 : f32
      %parallel_loop3A_320 = vector.broadcast %parallel_loop3A_319 : f32 to vector<16xf32>
      %parallel_loop3A_321 = arith.maximumf %parallel_loop3A_318, %parallel_loop3A_320 : vector<16xf32>
      %parallel_loop3A_322 = arith.mulf %get3A_111, %parallel_loop3A_316 : vector<16xf32>
      %parallel_loop3A_323 = arith.mulf %get3A_115, %parallel_loop3A_321 : vector<16xf32>
      %parallel_loop3A_324 = arith.addf %parallel_loop3A_322, %parallel_loop3A_323 : vector<16xf32>
      %parallel_loop3A_325 = arith.index_cast %parallel_loop3A_275 : i32 to index
      %parallel_loop3A_326 = tpu.vector_load %arg12[%parallel_loop3A_325] {strides = array<i32>} : memref<10000xf32, #tpu.memory_space<vmem>>, vector<16xf32>,
      tpu.vector_store %arg12[%parallel_loop3A_325], %parallel_loop3A_324 {add = true, strides = array<i32>} : memref<10000xf32, #tpu.memory_space<vmem>>, vector<16xf32>,
    } {sc.loop_unroll_factor = 8 : i64, sc.parallel_access}
    %dma_start3A_119 = arith.constant 40000 : i32
    %dma_start3A_120 = tpu.memref_slice %arg3[%dma_start3A_119] : memref<160000xf32, #tpu.memory_space<hbm>> -> memref<10000xf32, #tpu.memory_space<hbm>>
    %dma_start3A_121 = arith.constant 40000 : i32
    %dma_start3A_122 = tpu.memref_slice %arg3[%dma_start3A_121] : memref<160000xf32, #tpu.memory_space<hbm>> -> memref<10000xf32, #tpu.memory_space<hbm>>
    tpu.enqueue_dma source(%dma_start3A_122 : memref<10000xf32, #tpu.memory_space<hbm>>) target(%arg13 : memref<10000xf32, #tpu.memory_space<vmem>>) target_semaphore(%arg21 : memref<!tpu.dma_semaphore, #tpu.memory_space<semaphore_mem>>)
    %dma_start3A_123 = arith.constant 120000 : i32
    %dma_start3A_124 = tpu.memref_slice %arg3[%dma_start3A_123] : memref<160000xf32, #tpu.memory_space<hbm>> -> memref<10000xf32, #tpu.memory_space<hbm>>
    %dma_start3A_125 = arith.constant 120000 : i32
    %dma_start3A_126 = tpu.memref_slice %arg3[%dma_start3A_125] : memref<160000xf32, #tpu.memory_space<hbm>> -> memref<10000xf32, #tpu.memory_space<hbm>>
    tpu.enqueue_dma source(%dma_start3A_126 : memref<10000xf32, #tpu.memory_space<hbm>>) target(%arg15 : memref<10000xf32, #tpu.memory_space<vmem>>) target_semaphore(%arg21 : memref<!tpu.dma_semaphore, #tpu.memory_space<semaphore_mem>>)
    %add3A_127 = arith.constant 1280000 : i32
    %add3A_128 = arith.addi %add3A_127, %mul3A_3 : i32
    %dma_start3A_129 = tpu.memref_slice %arg4[%add3A_128] : memref<2560000xf32, #tpu.memory_space<hbm>> -> memref<10000xf32, #tpu.memory_space<hbm>>
    %dma_start3A_130 = tpu.memref_slice %arg4[%add3A_128] : memref<2560000xf32, #tpu.memory_space<hbm>> -> memref<10000xf32, #tpu.memory_space<hbm>>
    tpu.enqueue_dma source(%dma_start3A_130 : memref<10000xf32, #tpu.memory_space<hbm>>) target(%arg17 : memref<10000xf32, #tpu.memory_space<vmem>>) target_semaphore(%arg21 : memref<!tpu.dma_semaphore, #tpu.memory_space<semaphore_mem>>)
    %dma_wait3A_131 = arith.constant 30000 : i32
    %dma_wait3A_132 = tpu.memref_slice %arg3[%dma_wait3A_131] : memref<160000xf32, #tpu.memory_space<hbm>> -> memref<10000xf32, #tpu.memory_space<hbm>>
    %dma_wait3A_133 = arith.constant 30000 : i32
    %dma_wait3A_134 = tpu.memref_slice %arg3[%dma_wait3A_133] : memref<160000xf32, #tpu.memory_space<hbm>> -> memref<10000xf32, #tpu.memory_space<hbm>>
    tpu.wait_dma2 semaphore(%arg22 : memref<!tpu.dma_semaphore, #tpu.memory_space<semaphore_mem>>) src(%dma_wait3A_134 : memref<10000xf32, #tpu.memory_space<hbm>>) dst(%arg14 : memref<10000xf32, #tpu.memory_space<vmem>>)
    %dma_wait3A_135 = arith.constant 110000 : i32
    %dma_wait3A_136 = tpu.memref_slice %arg3[%dma_wait3A_135] : memref<160000xf32, #tpu.memory_space<hbm>> -> memref<10000xf32, #tpu.memory_space<hbm>>
    %dma_wait3A_137 = arith.constant 110000 : i32
    %dma_wait3A_138 = tpu.memref_slice %arg3[%dma_wait3A_137] : memref<160000xf32, #tpu.memory_space<hbm>> -> memref<10000xf32, #tpu.memory_space<hbm>>
    tpu.wait_dma2 semaphore(%arg22 : memref<!tpu.dma_semaphore, #tpu.memory_space<semaphore_mem>>) src(%dma_wait3A_138 : memref<10000xf32, #tpu.memory_space<hbm>>) dst(%arg16 : memref<10000xf32, #tpu.memory_space<vmem>>)
    %dma_wait3A_139 = tpu.memref_slice %arg4[%add3A_95] : memref<2560000xf32, #tpu.memory_space<hbm>> -> memref<10000xf32, #tpu.memory_space<hbm>>
    %dma_wait3A_140 = tpu.memref_slice %arg4[%add3A_95] : memref<2560000xf32, #tpu.memory_space<hbm>> -> memref<10000xf32, #tpu.memory_space<hbm>>
    tpu.wait_dma2 semaphore(%arg22 : memref<!tpu.dma_semaphore, #tpu.memory_space<semaphore_mem>>) src(%dma_wait3A_140 : memref<10000xf32, #tpu.memory_space<hbm>>) dst(%arg18 : memref<10000xf32, #tpu.memory_space<vmem>>)
    %get3A_141 = arith.constant 3 : i32
    %get3A_142 = arith.index_cast %get3A_141 : i32 to index
    %get3A_143 = arith.constant 0 : index
    %get3A_144 = tpu.vector_load %arg19[%get3A_142, %get3A_143] {strides = array<i32>} : memref<16x16xf32, #tpu.memory_space<vmem>>, vector<16xf32>,
    %get3A_145 = arith.constant 11 : i32
    %get3A_146 = arith.index_cast %get3A_145 : i32 to index
    %get3A_147 = arith.constant 0 : index
    %get3A_148 = tpu.vector_load %arg19[%get3A_146, %get3A_147] {strides = array<i32>} : memref<16x16xf32, #tpu.memory_space<vmem>>, vector<16xf32>,
    %parallel_loop3A_149 = arith.constant 0 : i32
    %parallel_loop3A_150 = arith.constant 625 : i32
    %parallel_loop3A_151 = arith.constant 1 : i32
    scf.for %parallel_loop3A_272 = %parallel_loop3A_149 to %parallel_loop3A_150 step %parallel_loop3A_151  : i32 {
      %parallel_loop3A_273 = arith.constant 16 : i32
      %parallel_loop3A_274 = arith.muli %parallel_loop3A_272, %parallel_loop3A_273 : i32
      %parallel_loop3A_275 = tpu.assume_multiple %parallel_loop3A_274, 16 : i32
      %parallel_loop3A_276 = arith.index_cast %parallel_loop3A_275 : i32 to index
      %parallel_loop3A_277 = tpu.vector_load %arg11[%parallel_loop3A_276] {strides = array<i32>} : memref<10000xi32, #tpu.memory_space<vmem>>, vector<16xi32>,
      %parallel_loop3A_278 = arith.constant 65535 : i32
      %parallel_loop3A_279 = vector.broadcast %parallel_loop3A_278 : i32 to vector<16xi32>
      %parallel_loop3A_280 = arith.andi %parallel_loop3A_277, %parallel_loop3A_279 : vector<16xi32>
      %parallel_loop3A_281 = arith.constant 16 : i32
      %parallel_loop3A_282 = vector.broadcast %parallel_loop3A_281 : i32 to vector<16xi32>
      %parallel_loop3A_283 = arith.shrui %parallel_loop3A_277, %parallel_loop3A_282 : vector<16xi32>
      %parallel_loop3A_284 = tpu.vector_load_idx %arg14[%parallel_loop3A_280] : memref<10000xf32, #tpu.memory_space<vmem>>[vector<16xi32>], vector<16xf32>,
      %parallel_loop3A_285 = vector.bitcast %parallel_loop3A_284 : vector<16xf32> to vector<16xi32>
      %parallel_loop3A_286 = tpu.vector_load_idx %arg16[%parallel_loop3A_283] : memref<10000xf32, #tpu.memory_space<vmem>>[vector<16xi32>], vector<16xf32>,
      %parallel_loop3A_287 = vector.bitcast %parallel_loop3A_286 : vector<16xf32> to vector<16xi32>
      %parallel_loop3A_288 = arith.index_cast %parallel_loop3A_275 : i32 to index
      %parallel_loop3A_289 = tpu.vector_load %arg18[%parallel_loop3A_288] {strides = array<i32>} : memref<10000xf32, #tpu.memory_space<vmem>>, vector<16xf32>,
      %parallel_loop3A_290 = vector.bitcast %parallel_loop3A_289 : vector<16xf32> to vector<16xi32>
      %parallel_loop3A_291 = vector.broadcast %squeeze3A : i32 to vector<16xi32>
      %parallel_loop3A_292 = arith.andi %parallel_loop3A_285, %parallel_loop3A_291 : vector<16xi32>
      %parallel_loop3A_293 = vector.bitcast %parallel_loop3A_292 : vector<16xi32> to vector<16xf32>
      %parallel_loop3A_294 = arith.constant 16 : i32
      %parallel_loop3A_295 = vector.broadcast %parallel_loop3A_294 : i32 to vector<16xi32>
      %parallel_loop3A_296 = arith.shli %parallel_loop3A_285, %parallel_loop3A_295 : vector<16xi32>
      %parallel_loop3A_297 = vector.bitcast %parallel_loop3A_296 : vector<16xi32> to vector<16xf32>
      %parallel_loop3A_298 = vector.broadcast %squeeze3A : i32 to vector<16xi32>
      %parallel_loop3A_299 = arith.andi %parallel_loop3A_287, %parallel_loop3A_298 : vector<16xi32>
      %parallel_loop3A_300 = vector.bitcast %parallel_loop3A_299 : vector<16xi32> to vector<16xf32>
      %parallel_loop3A_301 = arith.constant 16 : i32
      %parallel_loop3A_302 = vector.broadcast %parallel_loop3A_301 : i32 to vector<16xi32>
      %parallel_loop3A_303 = arith.shli %parallel_loop3A_287, %parallel_loop3A_302 : vector<16xi32>
      %parallel_loop3A_304 = vector.bitcast %parallel_loop3A_303 : vector<16xi32> to vector<16xf32>
      %parallel_loop3A_305 = vector.broadcast %squeeze3A : i32 to vector<16xi32>
      %parallel_loop3A_306 = arith.andi %parallel_loop3A_290, %parallel_loop3A_305 : vector<16xi32>
      %parallel_loop3A_307 = vector.bitcast %parallel_loop3A_306 : vector<16xi32> to vector<16xf32>
      %parallel_loop3A_308 = arith.constant 16 : i32
      %parallel_loop3A_309 = vector.broadcast %parallel_loop3A_308 : i32 to vector<16xi32>
      %parallel_loop3A_310 = arith.shli %parallel_loop3A_290, %parallel_loop3A_309 : vector<16xi32>
      %parallel_loop3A_311 = vector.bitcast %parallel_loop3A_310 : vector<16xi32> to vector<16xf32>
      %parallel_loop3A_312 = arith.addf %parallel_loop3A_293, %parallel_loop3A_300 : vector<16xf32>
      %parallel_loop3A_313 = arith.addf %parallel_loop3A_312, %parallel_loop3A_307 : vector<16xf32>
      %parallel_loop3A_314 = arith.constant 0.000000e+00 : f32
      %parallel_loop3A_315 = vector.broadcast %parallel_loop3A_314 : f32 to vector<16xf32>
      %parallel_loop3A_316 = arith.maximumf %parallel_loop3A_313, %parallel_loop3A_315 : vector<16xf32>
      %parallel_loop3A_317 = arith.addf %parallel_loop3A_297, %parallel_loop3A_304 : vector<16xf32>
      %parallel_loop3A_318 = arith.addf %parallel_loop3A_317, %parallel_loop3A_311 : vector<16xf32>
      %parallel_loop3A_319 = arith.constant 0.000000e+00 : f32
      %parallel_loop3A_320 = vector.broadcast %parallel_loop3A_319 : f32 to vector<16xf32>
      %parallel_loop3A_321 = arith.maximumf %parallel_loop3A_318, %parallel_loop3A_320 : vector<16xf32>
      %parallel_loop3A_322 = arith.mulf %get3A_144, %parallel_loop3A_316 : vector<16xf32>
      %parallel_loop3A_323 = arith.mulf %get3A_148, %parallel_loop3A_321 : vector<16xf32>
      %parallel_loop3A_324 = arith.addf %parallel_loop3A_322, %parallel_loop3A_323 : vector<16xf32>
      %parallel_loop3A_325 = arith.index_cast %parallel_loop3A_275 : i32 to index
      %parallel_loop3A_326 = tpu.vector_load %arg12[%parallel_loop3A_325] {strides = array<i32>} : memref<10000xf32, #tpu.memory_space<vmem>>, vector<16xf32>,
      tpu.vector_store %arg12[%parallel_loop3A_325], %parallel_loop3A_324 {add = true, strides = array<i32>} : memref<10000xf32, #tpu.memory_space<vmem>>, vector<16xf32>,
    } {sc.loop_unroll_factor = 8 : i64, sc.parallel_access}
    %dma_start3A_152 = arith.constant 50000 : i32
    %dma_start3A_153 = tpu.memref_slice %arg3[%dma_start3A_152] : memref<160000xf32, #tpu.memory_space<hbm>> -> memref<10000xf32, #tpu.memory_space<hbm>>
    %dma_start3A_154 = arith.constant 50000 : i32
    %dma_start3A_155 = tpu.memref_slice %arg3[%dma_start3A_154] : memref<160000xf32, #tpu.memory_space<hbm>> -> memref<10000xf32, #tpu.memory_space<hbm>>
    tpu.enqueue_dma source(%dma_start3A_155 : memref<10000xf32, #tpu.memory_space<hbm>>) target(%arg14 : memref<10000xf32, #tpu.memory_space<vmem>>) target_semaphore(%arg22 : memref<!tpu.dma_semaphore, #tpu.memory_space<semaphore_mem>>)
    %dma_start3A_156 = arith.constant 130000 : i32
    %dma_start3A_157 = tpu.memref_slice %arg3[%dma_start3A_156] : memref<160000xf32, #tpu.memory_space<hbm>> -> memref<10000xf32, #tpu.memory_space<hbm>>
    %dma_start3A_158 = arith.constant 130000 : i32
    %dma_start3A_159 = tpu.memref_slice %arg3[%dma_start3A_158] : memref<160000xf32, #tpu.memory_space<hbm>> -> memref<10000xf32, #tpu.memory_space<hbm>>
    tpu.enqueue_dma source(%dma_start3A_159 : memref<10000xf32, #tpu.memory_space<hbm>>) target(%arg16 : memref<10000xf32, #tpu.memory_space<vmem>>) target_semaphore(%arg22 : memref<!tpu.dma_semaphore, #tpu.memory_space<semaphore_mem>>)
    %add3A_160 = arith.constant 1600000 : i32
    %add3A_161 = arith.addi %add3A_160, %mul3A_3 : i32
    %dma_start3A_162 = tpu.memref_slice %arg4[%add3A_161] : memref<2560000xf32, #tpu.memory_space<hbm>> -> memref<10000xf32, #tpu.memory_space<hbm>>
    %dma_start3A_163 = tpu.memref_slice %arg4[%add3A_161] : memref<2560000xf32, #tpu.memory_space<hbm>> -> memref<10000xf32, #tpu.memory_space<hbm>>
    tpu.enqueue_dma source(%dma_start3A_163 : memref<10000xf32, #tpu.memory_space<hbm>>) target(%arg18 : memref<10000xf32, #tpu.memory_space<vmem>>) target_semaphore(%arg22 : memref<!tpu.dma_semaphore, #tpu.memory_space<semaphore_mem>>)
    %dma_wait3A_164 = arith.constant 40000 : i32
    %dma_wait3A_165 = tpu.memref_slice %arg3[%dma_wait3A_164] : memref<160000xf32, #tpu.memory_space<hbm>> -> memref<10000xf32, #tpu.memory_space<hbm>>
    %dma_wait3A_166 = arith.constant 40000 : i32
    %dma_wait3A_167 = tpu.memref_slice %arg3[%dma_wait3A_166] : memref<160000xf32, #tpu.memory_space<hbm>> -> memref<10000xf32, #tpu.memory_space<hbm>>
    tpu.wait_dma2 semaphore(%arg21 : memref<!tpu.dma_semaphore, #tpu.memory_space<semaphore_mem>>) src(%dma_wait3A_167 : memref<10000xf32, #tpu.memory_space<hbm>>) dst(%arg13 : memref<10000xf32, #tpu.memory_space<vmem>>)
    %dma_wait3A_168 = arith.constant 120000 : i32
    %dma_wait3A_169 = tpu.memref_slice %arg3[%dma_wait3A_168] : memref<160000xf32, #tpu.memory_space<hbm>> -> memref<10000xf32, #tpu.memory_space<hbm>>
    %dma_wait3A_170 = arith.constant 120000 : i32
    %dma_wait3A_171 = tpu.memref_slice %arg3[%dma_wait3A_170] : memref<160000xf32, #tpu.memory_space<hbm>> -> memref<10000xf32, #tpu.memory_space<hbm>>
    tpu.wait_dma2 semaphore(%arg21 : memref<!tpu.dma_semaphore, #tpu.memory_space<semaphore_mem>>) src(%dma_wait3A_171 : memref<10000xf32, #tpu.memory_space<hbm>>) dst(%arg15 : memref<10000xf32, #tpu.memory_space<vmem>>)
    %dma_wait3A_172 = tpu.memref_slice %arg4[%add3A_128] : memref<2560000xf32, #tpu.memory_space<hbm>> -> memref<10000xf32, #tpu.memory_space<hbm>>
    %dma_wait3A_173 = tpu.memref_slice %arg4[%add3A_128] : memref<2560000xf32, #tpu.memory_space<hbm>> -> memref<10000xf32, #tpu.memory_space<hbm>>
    tpu.wait_dma2 semaphore(%arg21 : memref<!tpu.dma_semaphore, #tpu.memory_space<semaphore_mem>>) src(%dma_wait3A_173 : memref<10000xf32, #tpu.memory_space<hbm>>) dst(%arg17 : memref<10000xf32, #tpu.memory_space<vmem>>)
    %get3A_174 = arith.constant 4 : i32
    %get3A_175 = arith.index_cast %get3A_174 : i32 to index
    %get3A_176 = arith.constant 0 : index
    %get3A_177 = tpu.vector_load %arg19[%get3A_175, %get3A_176] {strides = array<i32>} : memref<16x16xf32, #tpu.memory_space<vmem>>, vector<16xf32>,
    %get3A_178 = arith.constant 12 : i32
    %get3A_179 = arith.index_cast %get3A_178 : i32 to index
    %get3A_180 = arith.constant 0 : index
    %get3A_181 = tpu.vector_load %arg19[%get3A_179, %get3A_180] {strides = array<i32>} : memref<16x16xf32, #tpu.memory_space<vmem>>, vector<16xf32>,
    %parallel_loop3A_182 = arith.constant 0 : i32
    %parallel_loop3A_183 = arith.constant 625 : i32
    %parallel_loop3A_184 = arith.constant 1 : i32
    scf.for %parallel_loop3A_272 = %parallel_loop3A_182 to %parallel_loop3A_183 step %parallel_loop3A_184  : i32 {
      %parallel_loop3A_273 = arith.constant 16 : i32
      %parallel_loop3A_274 = arith.muli %parallel_loop3A_272, %parallel_loop3A_273 : i32
      %parallel_loop3A_275 = tpu.assume_multiple %parallel_loop3A_274, 16 : i32
      %parallel_loop3A_276 = arith.index_cast %parallel_loop3A_275 : i32 to index
      %parallel_loop3A_277 = tpu.vector_load %arg11[%parallel_loop3A_276] {strides = array<i32>} : memref<10000xi32, #tpu.memory_space<vmem>>, vector<16xi32>,
      %parallel_loop3A_278 = arith.constant 65535 : i32
      %parallel_loop3A_279 = vector.broadcast %parallel_loop3A_278 : i32 to vector<16xi32>
      %parallel_loop3A_280 = arith.andi %parallel_loop3A_277, %parallel_loop3A_279 : vector<16xi32>
      %parallel_loop3A_281 = arith.constant 16 : i32
      %parallel_loop3A_282 = vector.broadcast %parallel_loop3A_281 : i32 to vector<16xi32>
      %parallel_loop3A_283 = arith.shrui %parallel_loop3A_277, %parallel_loop3A_282 : vector<16xi32>
      %parallel_loop3A_284 = tpu.vector_load_idx %arg13[%parallel_loop3A_280] : memref<10000xf32, #tpu.memory_space<vmem>>[vector<16xi32>], vector<16xf32>,
      %parallel_loop3A_285 = vector.bitcast %parallel_loop3A_284 : vector<16xf32> to vector<16xi32>
      %parallel_loop3A_286 = tpu.vector_load_idx %arg15[%parallel_loop3A_283] : memref<10000xf32, #tpu.memory_space<vmem>>[vector<16xi32>], vector<16xf32>,
      %parallel_loop3A_287 = vector.bitcast %parallel_loop3A_286 : vector<16xf32> to vector<16xi32>
      %parallel_loop3A_288 = arith.index_cast %parallel_loop3A_275 : i32 to index
      %parallel_loop3A_289 = tpu.vector_load %arg17[%parallel_loop3A_288] {strides = array<i32>} : memref<10000xf32, #tpu.memory_space<vmem>>, vector<16xf32>,
      %parallel_loop3A_290 = vector.bitcast %parallel_loop3A_289 : vector<16xf32> to vector<16xi32>
      %parallel_loop3A_291 = vector.broadcast %squeeze3A : i32 to vector<16xi32>
      %parallel_loop3A_292 = arith.andi %parallel_loop3A_285, %parallel_loop3A_291 : vector<16xi32>
      %parallel_loop3A_293 = vector.bitcast %parallel_loop3A_292 : vector<16xi32> to vector<16xf32>
      %parallel_loop3A_294 = arith.constant 16 : i32
      %parallel_loop3A_295 = vector.broadcast %parallel_loop3A_294 : i32 to vector<16xi32>
      %parallel_loop3A_296 = arith.shli %parallel_loop3A_285, %parallel_loop3A_295 : vector<16xi32>
      %parallel_loop3A_297 = vector.bitcast %parallel_loop3A_296 : vector<16xi32> to vector<16xf32>
      %parallel_loop3A_298 = vector.broadcast %squeeze3A : i32 to vector<16xi32>
      %parallel_loop3A_299 = arith.andi %parallel_loop3A_287, %parallel_loop3A_298 : vector<16xi32>
      %parallel_loop3A_300 = vector.bitcast %parallel_loop3A_299 : vector<16xi32> to vector<16xf32>
      %parallel_loop3A_301 = arith.constant 16 : i32
      %parallel_loop3A_302 = vector.broadcast %parallel_loop3A_301 : i32 to vector<16xi32>
      %parallel_loop3A_303 = arith.shli %parallel_loop3A_287, %parallel_loop3A_302 : vector<16xi32>
      %parallel_loop3A_304 = vector.bitcast %parallel_loop3A_303 : vector<16xi32> to vector<16xf32>
      %parallel_loop3A_305 = vector.broadcast %squeeze3A : i32 to vector<16xi32>
      %parallel_loop3A_306 = arith.andi %parallel_loop3A_290, %parallel_loop3A_305 : vector<16xi32>
      %parallel_loop3A_307 = vector.bitcast %parallel_loop3A_306 : vector<16xi32> to vector<16xf32>
      %parallel_loop3A_308 = arith.constant 16 : i32
      %parallel_loop3A_309 = vector.broadcast %parallel_loop3A_308 : i32 to vector<16xi32>
      %parallel_loop3A_310 = arith.shli %parallel_loop3A_290, %parallel_loop3A_309 : vector<16xi32>
      %parallel_loop3A_311 = vector.bitcast %parallel_loop3A_310 : vector<16xi32> to vector<16xf32>
      %parallel_loop3A_312 = arith.addf %parallel_loop3A_293, %parallel_loop3A_300 : vector<16xf32>
      %parallel_loop3A_313 = arith.addf %parallel_loop3A_312, %parallel_loop3A_307 : vector<16xf32>
      %parallel_loop3A_314 = arith.constant 0.000000e+00 : f32
      %parallel_loop3A_315 = vector.broadcast %parallel_loop3A_314 : f32 to vector<16xf32>
      %parallel_loop3A_316 = arith.maximumf %parallel_loop3A_313, %parallel_loop3A_315 : vector<16xf32>
      %parallel_loop3A_317 = arith.addf %parallel_loop3A_297, %parallel_loop3A_304 : vector<16xf32>
      %parallel_loop3A_318 = arith.addf %parallel_loop3A_317, %parallel_loop3A_311 : vector<16xf32>
      %parallel_loop3A_319 = arith.constant 0.000000e+00 : f32
      %parallel_loop3A_320 = vector.broadcast %parallel_loop3A_319 : f32 to vector<16xf32>
      %parallel_loop3A_321 = arith.maximumf %parallel_loop3A_318, %parallel_loop3A_320 : vector<16xf32>
      %parallel_loop3A_322 = arith.mulf %get3A_177, %parallel_loop3A_316 : vector<16xf32>
      %parallel_loop3A_323 = arith.mulf %get3A_181, %parallel_loop3A_321 : vector<16xf32>
      %parallel_loop3A_324 = arith.addf %parallel_loop3A_322, %parallel_loop3A_323 : vector<16xf32>
      %parallel_loop3A_325 = arith.index_cast %parallel_loop3A_275 : i32 to index
      %parallel_loop3A_326 = tpu.vector_load %arg12[%parallel_loop3A_325] {strides = array<i32>} : memref<10000xf32, #tpu.memory_space<vmem>>, vector<16xf32>,
      tpu.vector_store %arg12[%parallel_loop3A_325], %parallel_loop3A_324 {add = true, strides = array<i32>} : memref<10000xf32, #tpu.memory_space<vmem>>, vector<16xf32>,
    } {sc.loop_unroll_factor = 8 : i64, sc.parallel_access}
    %dma_start3A_185 = arith.constant 60000 : i32
    %dma_start3A_186 = tpu.memref_slice %arg3[%dma_start3A_185] : memref<160000xf32, #tpu.memory_space<hbm>> -> memref<10000xf32, #tpu.memory_space<hbm>>
    %dma_start3A_187 = arith.constant 60000 : i32
    %dma_start3A_188 = tpu.memref_slice %arg3[%dma_start3A_187] : memref<160000xf32, #tpu.memory_space<hbm>> -> memref<10000xf32, #tpu.memory_space<hbm>>
    tpu.enqueue_dma source(%dma_start3A_188 : memref<10000xf32, #tpu.memory_space<hbm>>) target(%arg13 : memref<10000xf32, #tpu.memory_space<vmem>>) target_semaphore(%arg21 : memref<!tpu.dma_semaphore, #tpu.memory_space<semaphore_mem>>)
    %dma_start3A_189 = arith.constant 140000 : i32
    %dma_start3A_190 = tpu.memref_slice %arg3[%dma_start3A_189] : memref<160000xf32, #tpu.memory_space<hbm>> -> memref<10000xf32, #tpu.memory_space<hbm>>
    %dma_start3A_191 = arith.constant 140000 : i32
    %dma_start3A_192 = tpu.memref_slice %arg3[%dma_start3A_191] : memref<160000xf32, #tpu.memory_space<hbm>> -> memref<10000xf32, #tpu.memory_space<hbm>>
    tpu.enqueue_dma source(%dma_start3A_192 : memref<10000xf32, #tpu.memory_space<hbm>>) target(%arg15 : memref<10000xf32, #tpu.memory_space<vmem>>) target_semaphore(%arg21 : memref<!tpu.dma_semaphore, #tpu.memory_space<semaphore_mem>>)
    %add3A_193 = arith.constant 1920000 : i32
    %add3A_194 = arith.addi %add3A_193, %mul3A_3 : i32
    %dma_start3A_195 = tpu.memref_slice %arg4[%add3A_194] : memref<2560000xf32, #tpu.memory_space<hbm>> -> memref<10000xf32, #tpu.memory_space<hbm>>
    %dma_start3A_196 = tpu.memref_slice %arg4[%add3A_194] : memref<2560000xf32, #tpu.memory_space<hbm>> -> memref<10000xf32, #tpu.memory_space<hbm>>
    tpu.enqueue_dma source(%dma_start3A_196 : memref<10000xf32, #tpu.memory_space<hbm>>) target(%arg17 : memref<10000xf32, #tpu.memory_space<vmem>>) target_semaphore(%arg21 : memref<!tpu.dma_semaphore, #tpu.memory_space<semaphore_mem>>)
    %dma_wait3A_197 = arith.constant 50000 : i32
    %dma_wait3A_198 = tpu.memref_slice %arg3[%dma_wait3A_197] : memref<160000xf32, #tpu.memory_space<hbm>> -> memref<10000xf32, #tpu.memory_space<hbm>>
    %dma_wait3A_199 = arith.constant 50000 : i32
    %dma_wait3A_200 = tpu.memref_slice %arg3[%dma_wait3A_199] : memref<160000xf32, #tpu.memory_space<hbm>> -> memref<10000xf32, #tpu.memory_space<hbm>>
    tpu.wait_dma2 semaphore(%arg22 : memref<!tpu.dma_semaphore, #tpu.memory_space<semaphore_mem>>) src(%dma_wait3A_200 : memref<10000xf32, #tpu.memory_space<hbm>>) dst(%arg14 : memref<10000xf32, #tpu.memory_space<vmem>>)
    %dma_wait3A_201 = arith.constant 130000 : i32
    %dma_wait3A_202 = tpu.memref_slice %arg3[%dma_wait3A_201] : memref<160000xf32, #tpu.memory_space<hbm>> -> memref<10000xf32, #tpu.memory_space<hbm>>
    %dma_wait3A_203 = arith.constant 130000 : i32
    %dma_wait3A_204 = tpu.memref_slice %arg3[%dma_wait3A_203] : memref<160000xf32, #tpu.memory_space<hbm>> -> memref<10000xf32, #tpu.memory_space<hbm>>
    tpu.wait_dma2 semaphore(%arg22 : memref<!tpu.dma_semaphore, #tpu.memory_space<semaphore_mem>>) src(%dma_wait3A_204 : memref<10000xf32, #tpu.memory_space<hbm>>) dst(%arg16 : memref<10000xf32, #tpu.memory_space<vmem>>)
    %dma_wait3A_205 = tpu.memref_slice %arg4[%add3A_161] : memref<2560000xf32, #tpu.memory_space<hbm>> -> memref<10000xf32, #tpu.memory_space<hbm>>
    %dma_wait3A_206 = tpu.memref_slice %arg4[%add3A_161] : memref<2560000xf32, #tpu.memory_space<hbm>> -> memref<10000xf32, #tpu.memory_space<hbm>>
    tpu.wait_dma2 semaphore(%arg22 : memref<!tpu.dma_semaphore, #tpu.memory_space<semaphore_mem>>) src(%dma_wait3A_206 : memref<10000xf32, #tpu.memory_space<hbm>>) dst(%arg18 : memref<10000xf32, #tpu.memory_space<vmem>>)
    %get3A_207 = arith.constant 5 : i32
    %get3A_208 = arith.index_cast %get3A_207 : i32 to index
    %get3A_209 = arith.constant 0 : index
    %get3A_210 = tpu.vector_load %arg19[%get3A_208, %get3A_209] {strides = array<i32>} : memref<16x16xf32, #tpu.memory_space<vmem>>, vector<16xf32>,
    %get3A_211 = arith.constant 13 : i32
    %get3A_212 = arith.index_cast %get3A_211 : i32 to index
    %get3A_213 = arith.constant 0 : index
    %get3A_214 = tpu.vector_load %arg19[%get3A_212, %get3A_213] {strides = array<i32>} : memref<16x16xf32, #tpu.memory_space<vmem>>, vector<16xf32>,
    %parallel_loop3A_215 = arith.constant 0 : i32
    %parallel_loop3A_216 = arith.constant 625 : i32
    %parallel_loop3A_217 = arith.constant 1 : i32
    scf.for %parallel_loop3A_272 = %parallel_loop3A_215 to %parallel_loop3A_216 step %parallel_loop3A_217  : i32 {
      %parallel_loop3A_273 = arith.constant 16 : i32
      %parallel_loop3A_274 = arith.muli %parallel_loop3A_272, %parallel_loop3A_273 : i32
      %parallel_loop3A_275 = tpu.assume_multiple %parallel_loop3A_274, 16 : i32
      %parallel_loop3A_276 = arith.index_cast %parallel_loop3A_275 : i32 to index
      %parallel_loop3A_277 = tpu.vector_load %arg11[%parallel_loop3A_276] {strides = array<i32>} : memref<10000xi32, #tpu.memory_space<vmem>>, vector<16xi32>,
      %parallel_loop3A_278 = arith.constant 65535 : i32
      %parallel_loop3A_279 = vector.broadcast %parallel_loop3A_278 : i32 to vector<16xi32>
      %parallel_loop3A_280 = arith.andi %parallel_loop3A_277, %parallel_loop3A_279 : vector<16xi32>
      %parallel_loop3A_281 = arith.constant 16 : i32
      %parallel_loop3A_282 = vector.broadcast %parallel_loop3A_281 : i32 to vector<16xi32>
      %parallel_loop3A_283 = arith.shrui %parallel_loop3A_277, %parallel_loop3A_282 : vector<16xi32>
      %parallel_loop3A_284 = tpu.vector_load_idx %arg14[%parallel_loop3A_280] : memref<10000xf32, #tpu.memory_space<vmem>>[vector<16xi32>], vector<16xf32>,
      %parallel_loop3A_285 = vector.bitcast %parallel_loop3A_284 : vector<16xf32> to vector<16xi32>
      %parallel_loop3A_286 = tpu.vector_load_idx %arg16[%parallel_loop3A_283] : memref<10000xf32, #tpu.memory_space<vmem>>[vector<16xi32>], vector<16xf32>,
      %parallel_loop3A_287 = vector.bitcast %parallel_loop3A_286 : vector<16xf32> to vector<16xi32>
      %parallel_loop3A_288 = arith.index_cast %parallel_loop3A_275 : i32 to index
      %parallel_loop3A_289 = tpu.vector_load %arg18[%parallel_loop3A_288] {strides = array<i32>} : memref<10000xf32, #tpu.memory_space<vmem>>, vector<16xf32>,
      %parallel_loop3A_290 = vector.bitcast %parallel_loop3A_289 : vector<16xf32> to vector<16xi32>
      %parallel_loop3A_291 = vector.broadcast %squeeze3A : i32 to vector<16xi32>
      %parallel_loop3A_292 = arith.andi %parallel_loop3A_285, %parallel_loop3A_291 : vector<16xi32>
      %parallel_loop3A_293 = vector.bitcast %parallel_loop3A_292 : vector<16xi32> to vector<16xf32>
      %parallel_loop3A_294 = arith.constant 16 : i32
      %parallel_loop3A_295 = vector.broadcast %parallel_loop3A_294 : i32 to vector<16xi32>
      %parallel_loop3A_296 = arith.shli %parallel_loop3A_285, %parallel_loop3A_295 : vector<16xi32>
      %parallel_loop3A_297 = vector.bitcast %parallel_loop3A_296 : vector<16xi32> to vector<16xf32>
      %parallel_loop3A_298 = vector.broadcast %squeeze3A : i32 to vector<16xi32>
      %parallel_loop3A_299 = arith.andi %parallel_loop3A_287, %parallel_loop3A_298 : vector<16xi32>
      %parallel_loop3A_300 = vector.bitcast %parallel_loop3A_299 : vector<16xi32> to vector<16xf32>
      %parallel_loop3A_301 = arith.constant 16 : i32
      %parallel_loop3A_302 = vector.broadcast %parallel_loop3A_301 : i32 to vector<16xi32>
      %parallel_loop3A_303 = arith.shli %parallel_loop3A_287, %parallel_loop3A_302 : vector<16xi32>
      %parallel_loop3A_304 = vector.bitcast %parallel_loop3A_303 : vector<16xi32> to vector<16xf32>
      %parallel_loop3A_305 = vector.broadcast %squeeze3A : i32 to vector<16xi32>
      %parallel_loop3A_306 = arith.andi %parallel_loop3A_290, %parallel_loop3A_305 : vector<16xi32>
      %parallel_loop3A_307 = vector.bitcast %parallel_loop3A_306 : vector<16xi32> to vector<16xf32>
      %parallel_loop3A_308 = arith.constant 16 : i32
      %parallel_loop3A_309 = vector.broadcast %parallel_loop3A_308 : i32 to vector<16xi32>
      %parallel_loop3A_310 = arith.shli %parallel_loop3A_290, %parallel_loop3A_309 : vector<16xi32>
      %parallel_loop3A_311 = vector.bitcast %parallel_loop3A_310 : vector<16xi32> to vector<16xf32>
      %parallel_loop3A_312 = arith.addf %parallel_loop3A_293, %parallel_loop3A_300 : vector<16xf32>
      %parallel_loop3A_313 = arith.addf %parallel_loop3A_312, %parallel_loop3A_307 : vector<16xf32>
      %parallel_loop3A_314 = arith.constant 0.000000e+00 : f32
      %parallel_loop3A_315 = vector.broadcast %parallel_loop3A_314 : f32 to vector<16xf32>
      %parallel_loop3A_316 = arith.maximumf %parallel_loop3A_313, %parallel_loop3A_315 : vector<16xf32>
      %parallel_loop3A_317 = arith.addf %parallel_loop3A_297, %parallel_loop3A_304 : vector<16xf32>
      %parallel_loop3A_318 = arith.addf %parallel_loop3A_317, %parallel_loop3A_311 : vector<16xf32>
      %parallel_loop3A_319 = arith.constant 0.000000e+00 : f32
      %parallel_loop3A_320 = vector.broadcast %parallel_loop3A_319 : f32 to vector<16xf32>
      %parallel_loop3A_321 = arith.maximumf %parallel_loop3A_318, %parallel_loop3A_320 : vector<16xf32>
      %parallel_loop3A_322 = arith.mulf %get3A_210, %parallel_loop3A_316 : vector<16xf32>
      %parallel_loop3A_323 = arith.mulf %get3A_214, %parallel_loop3A_321 : vector<16xf32>
      %parallel_loop3A_324 = arith.addf %parallel_loop3A_322, %parallel_loop3A_323 : vector<16xf32>
      %parallel_loop3A_325 = arith.index_cast %parallel_loop3A_275 : i32 to index
      %parallel_loop3A_326 = tpu.vector_load %arg12[%parallel_loop3A_325] {strides = array<i32>} : memref<10000xf32, #tpu.memory_space<vmem>>, vector<16xf32>,
      tpu.vector_store %arg12[%parallel_loop3A_325], %parallel_loop3A_324 {add = true, strides = array<i32>} : memref<10000xf32, #tpu.memory_space<vmem>>, vector<16xf32>,
    } {sc.loop_unroll_factor = 8 : i64, sc.parallel_access}
    %dma_start3A_218 = arith.constant 70000 : i32
    %dma_start3A_219 = tpu.memref_slice %arg3[%dma_start3A_218] : memref<160000xf32, #tpu.memory_space<hbm>> -> memref<10000xf32, #tpu.memory_space<hbm>>
    %dma_start3A_220 = arith.constant 70000 : i32
    %dma_start3A_221 = tpu.memref_slice %arg3[%dma_start3A_220] : memref<160000xf32, #tpu.memory_space<hbm>> -> memref<10000xf32, #tpu.memory_space<hbm>>
    tpu.enqueue_dma source(%dma_start3A_221 : memref<10000xf32, #tpu.memory_space<hbm>>) target(%arg14 : memref<10000xf32, #tpu.memory_space<vmem>>) target_semaphore(%arg22 : memref<!tpu.dma_semaphore, #tpu.memory_space<semaphore_mem>>)
    %dma_start3A_222 = arith.constant 150000 : i32
    %dma_start3A_223 = tpu.memref_slice %arg3[%dma_start3A_222] : memref<160000xf32, #tpu.memory_space<hbm>> -> memref<10000xf32, #tpu.memory_space<hbm>>
    %dma_start3A_224 = arith.constant 150000 : i32
    %dma_start3A_225 = tpu.memref_slice %arg3[%dma_start3A_224] : memref<160000xf32, #tpu.memory_space<hbm>> -> memref<10000xf32, #tpu.memory_space<hbm>>
    tpu.enqueue_dma source(%dma_start3A_225 : memref<10000xf32, #tpu.memory_space<hbm>>) target(%arg16 : memref<10000xf32, #tpu.memory_space<vmem>>) target_semaphore(%arg22 : memref<!tpu.dma_semaphore, #tpu.memory_space<semaphore_mem>>)
    %add3A_226 = arith.constant 2240000 : i32
    %add3A_227 = arith.addi %add3A_226, %mul3A_3 : i32
    %dma_start3A_228 = tpu.memref_slice %arg4[%add3A_227] : memref<2560000xf32, #tpu.memory_space<hbm>> -> memref<10000xf32, #tpu.memory_space<hbm>>
    %dma_start3A_229 = tpu.memref_slice %arg4[%add3A_227] : memref<2560000xf32, #tpu.memory_space<hbm>> -> memref<10000xf32, #tpu.memory_space<hbm>>
    tpu.enqueue_dma source(%dma_start3A_229 : memref<10000xf32, #tpu.memory_space<hbm>>) target(%arg18 : memref<10000xf32, #tpu.memory_space<vmem>>) target_semaphore(%arg22 : memref<!tpu.dma_semaphore, #tpu.memory_space<semaphore_mem>>)
    %dma_wait3A_230 = arith.constant 60000 : i32
    %dma_wait3A_231 = tpu.memref_slice %arg3[%dma_wait3A_230] : memref<160000xf32, #tpu.memory_space<hbm>> -> memref<10000xf32, #tpu.memory_space<hbm>>
    %dma_wait3A_232 = arith.constant 60000 : i32
    %dma_wait3A_233 = tpu.memref_slice %arg3[%dma_wait3A_232] : memref<160000xf32, #tpu.memory_space<hbm>> -> memref<10000xf32, #tpu.memory_space<hbm>>
    tpu.wait_dma2 semaphore(%arg21 : memref<!tpu.dma_semaphore, #tpu.memory_space<semaphore_mem>>) src(%dma_wait3A_233 : memref<10000xf32, #tpu.memory_space<hbm>>) dst(%arg13 : memref<10000xf32, #tpu.memory_space<vmem>>)
    %dma_wait3A_234 = arith.constant 140000 : i32
    %dma_wait3A_235 = tpu.memref_slice %arg3[%dma_wait3A_234] : memref<160000xf32, #tpu.memory_space<hbm>> -> memref<10000xf32, #tpu.memory_space<hbm>>
    %dma_wait3A_236 = arith.constant 140000 : i32
    %dma_wait3A_237 = tpu.memref_slice %arg3[%dma_wait3A_236] : memref<160000xf32, #tpu.memory_space<hbm>> -> memref<10000xf32, #tpu.memory_space<hbm>>
    tpu.wait_dma2 semaphore(%arg21 : memref<!tpu.dma_semaphore, #tpu.memory_space<semaphore_mem>>) src(%dma_wait3A_237 : memref<10000xf32, #tpu.memory_space<hbm>>) dst(%arg15 : memref<10000xf32, #tpu.memory_space<vmem>>)
    %dma_wait3A_238 = tpu.memref_slice %arg4[%add3A_194] : memref<2560000xf32, #tpu.memory_space<hbm>> -> memref<10000xf32, #tpu.memory_space<hbm>>
    %dma_wait3A_239 = tpu.memref_slice %arg4[%add3A_194] : memref<2560000xf32, #tpu.memory_space<hbm>> -> memref<10000xf32, #tpu.memory_space<hbm>>
    tpu.wait_dma2 semaphore(%arg21 : memref<!tpu.dma_semaphore, #tpu.memory_space<semaphore_mem>>) src(%dma_wait3A_239 : memref<10000xf32, #tpu.memory_space<hbm>>) dst(%arg17 : memref<10000xf32, #tpu.memory_space<vmem>>)
    %get3A_240 = arith.constant 6 : i32
    %get3A_241 = arith.index_cast %get3A_240 : i32 to index
    %get3A_242 = arith.constant 0 : index
    %get3A_243 = tpu.vector_load %arg19[%get3A_241, %get3A_242] {strides = array<i32>} : memref<16x16xf32, #tpu.memory_space<vmem>>, vector<16xf32>,
    %get3A_244 = arith.constant 14 : i32
    %get3A_245 = arith.index_cast %get3A_244 : i32 to index
    %get3A_246 = arith.constant 0 : index
    %get3A_247 = tpu.vector_load %arg19[%get3A_245, %get3A_246] {strides = array<i32>} : memref<16x16xf32, #tpu.memory_space<vmem>>, vector<16xf32>,
    %parallel_loop3A_248 = arith.constant 0 : i32
    %parallel_loop3A_249 = arith.constant 625 : i32
    %parallel_loop3A_250 = arith.constant 1 : i32
    scf.for %parallel_loop3A_272 = %parallel_loop3A_248 to %parallel_loop3A_249 step %parallel_loop3A_250  : i32 {
      %parallel_loop3A_273 = arith.constant 16 : i32
      %parallel_loop3A_274 = arith.muli %parallel_loop3A_272, %parallel_loop3A_273 : i32
      %parallel_loop3A_275 = tpu.assume_multiple %parallel_loop3A_274, 16 : i32
      %parallel_loop3A_276 = arith.index_cast %parallel_loop3A_275 : i32 to index
      %parallel_loop3A_277 = tpu.vector_load %arg11[%parallel_loop3A_276] {strides = array<i32>} : memref<10000xi32, #tpu.memory_space<vmem>>, vector<16xi32>,
      %parallel_loop3A_278 = arith.constant 65535 : i32
      %parallel_loop3A_279 = vector.broadcast %parallel_loop3A_278 : i32 to vector<16xi32>
      %parallel_loop3A_280 = arith.andi %parallel_loop3A_277, %parallel_loop3A_279 : vector<16xi32>
      %parallel_loop3A_281 = arith.constant 16 : i32
      %parallel_loop3A_282 = vector.broadcast %parallel_loop3A_281 : i32 to vector<16xi32>
      %parallel_loop3A_283 = arith.shrui %parallel_loop3A_277, %parallel_loop3A_282 : vector<16xi32>
      %parallel_loop3A_284 = tpu.vector_load_idx %arg13[%parallel_loop3A_280] : memref<10000xf32, #tpu.memory_space<vmem>>[vector<16xi32>], vector<16xf32>,
      %parallel_loop3A_285 = vector.bitcast %parallel_loop3A_284 : vector<16xf32> to vector<16xi32>
      %parallel_loop3A_286 = tpu.vector_load_idx %arg15[%parallel_loop3A_283] : memref<10000xf32, #tpu.memory_space<vmem>>[vector<16xi32>], vector<16xf32>,
      %parallel_loop3A_287 = vector.bitcast %parallel_loop3A_286 : vector<16xf32> to vector<16xi32>
      %parallel_loop3A_288 = arith.index_cast %parallel_loop3A_275 : i32 to index
      %parallel_loop3A_289 = tpu.vector_load %arg17[%parallel_loop3A_288] {strides = array<i32>} : memref<10000xf32, #tpu.memory_space<vmem>>, vector<16xf32>,
      %parallel_loop3A_290 = vector.bitcast %parallel_loop3A_289 : vector<16xf32> to vector<16xi32>
      %parallel_loop3A_291 = vector.broadcast %squeeze3A : i32 to vector<16xi32>
      %parallel_loop3A_292 = arith.andi %parallel_loop3A_285, %parallel_loop3A_291 : vector<16xi32>
      %parallel_loop3A_293 = vector.bitcast %parallel_loop3A_292 : vector<16xi32> to vector<16xf32>
      %parallel_loop3A_294 = arith.constant 16 : i32
      %parallel_loop3A_295 = vector.broadcast %parallel_loop3A_294 : i32 to vector<16xi32>
      %parallel_loop3A_296 = arith.shli %parallel_loop3A_285, %parallel_loop3A_295 : vector<16xi32>
      %parallel_loop3A_297 = vector.bitcast %parallel_loop3A_296 : vector<16xi32> to vector<16xf32>
      %parallel_loop3A_298 = vector.broadcast %squeeze3A : i32 to vector<16xi32>
      %parallel_loop3A_299 = arith.andi %parallel_loop3A_287, %parallel_loop3A_298 : vector<16xi32>
      %parallel_loop3A_300 = vector.bitcast %parallel_loop3A_299 : vector<16xi32> to vector<16xf32>
      %parallel_loop3A_301 = arith.constant 16 : i32
      %parallel_loop3A_302 = vector.broadcast %parallel_loop3A_301 : i32 to vector<16xi32>
      %parallel_loop3A_303 = arith.shli %parallel_loop3A_287, %parallel_loop3A_302 : vector<16xi32>
      %parallel_loop3A_304 = vector.bitcast %parallel_loop3A_303 : vector<16xi32> to vector<16xf32>
      %parallel_loop3A_305 = vector.broadcast %squeeze3A : i32 to vector<16xi32>
      %parallel_loop3A_306 = arith.andi %parallel_loop3A_290, %parallel_loop3A_305 : vector<16xi32>
      %parallel_loop3A_307 = vector.bitcast %parallel_loop3A_306 : vector<16xi32> to vector<16xf32>
      %parallel_loop3A_308 = arith.constant 16 : i32
      %parallel_loop3A_309 = vector.broadcast %parallel_loop3A_308 : i32 to vector<16xi32>
      %parallel_loop3A_310 = arith.shli %parallel_loop3A_290, %parallel_loop3A_309 : vector<16xi32>
      %parallel_loop3A_311 = vector.bitcast %parallel_loop3A_310 : vector<16xi32> to vector<16xf32>
      %parallel_loop3A_312 = arith.addf %parallel_loop3A_293, %parallel_loop3A_300 : vector<16xf32>
      %parallel_loop3A_313 = arith.addf %parallel_loop3A_312, %parallel_loop3A_307 : vector<16xf32>
      %parallel_loop3A_314 = arith.constant 0.000000e+00 : f32
      %parallel_loop3A_315 = vector.broadcast %parallel_loop3A_314 : f32 to vector<16xf32>
      %parallel_loop3A_316 = arith.maximumf %parallel_loop3A_313, %parallel_loop3A_315 : vector<16xf32>
      %parallel_loop3A_317 = arith.addf %parallel_loop3A_297, %parallel_loop3A_304 : vector<16xf32>
      %parallel_loop3A_318 = arith.addf %parallel_loop3A_317, %parallel_loop3A_311 : vector<16xf32>
      %parallel_loop3A_319 = arith.constant 0.000000e+00 : f32
      %parallel_loop3A_320 = vector.broadcast %parallel_loop3A_319 : f32 to vector<16xf32>
      %parallel_loop3A_321 = arith.maximumf %parallel_loop3A_318, %parallel_loop3A_320 : vector<16xf32>
      %parallel_loop3A_322 = arith.mulf %get3A_243, %parallel_loop3A_316 : vector<16xf32>
      %parallel_loop3A_323 = arith.mulf %get3A_247, %parallel_loop3A_321 : vector<16xf32>
      %parallel_loop3A_324 = arith.addf %parallel_loop3A_322, %parallel_loop3A_323 : vector<16xf32>
      %parallel_loop3A_325 = arith.index_cast %parallel_loop3A_275 : i32 to index
      %parallel_loop3A_326 = tpu.vector_load %arg12[%parallel_loop3A_325] {strides = array<i32>} : memref<10000xf32, #tpu.memory_space<vmem>>, vector<16xf32>,
      tpu.vector_store %arg12[%parallel_loop3A_325], %parallel_loop3A_324 {add = true, strides = array<i32>} : memref<10000xf32, #tpu.memory_space<vmem>>, vector<16xf32>,
    } {sc.loop_unroll_factor = 8 : i64, sc.parallel_access}
    %dma_wait3A_251 = arith.constant 70000 : i32
    %dma_wait3A_252 = tpu.memref_slice %arg3[%dma_wait3A_251] : memref<160000xf32, #tpu.memory_space<hbm>> -> memref<10000xf32, #tpu.memory_space<hbm>>
    %dma_wait3A_253 = arith.constant 70000 : i32
    %dma_wait3A_254 = tpu.memref_slice %arg3[%dma_wait3A_253] : memref<160000xf32, #tpu.memory_space<hbm>> -> memref<10000xf32, #tpu.memory_space<hbm>>
    tpu.wait_dma2 semaphore(%arg22 : memref<!tpu.dma_semaphore, #tpu.memory_space<semaphore_mem>>) src(%dma_wait3A_254 : memref<10000xf32, #tpu.memory_space<hbm>>) dst(%arg14 : memref<10000xf32, #tpu.memory_space<vmem>>)
    %dma_wait3A_255 = arith.constant 150000 : i32
    %dma_wait3A_256 = tpu.memref_slice %arg3[%dma_wait3A_255] : memref<160000xf32, #tpu.memory_space<hbm>> -> memref<10000xf32, #tpu.memory_space<hbm>>
    %dma_wait3A_257 = arith.constant 150000 : i32
    %dma_wait3A_258 = tpu.memref_slice %arg3[%dma_wait3A_257] : memref<160000xf32, #tpu.memory_space<hbm>> -> memref<10000xf32, #tpu.memory_space<hbm>>
    tpu.wait_dma2 semaphore(%arg22 : memref<!tpu.dma_semaphore, #tpu.memory_space<semaphore_mem>>) src(%dma_wait3A_258 : memref<10000xf32, #tpu.memory_space<hbm>>) dst(%arg16 : memref<10000xf32, #tpu.memory_space<vmem>>)
    %dma_wait3A_259 = tpu.memref_slice %arg4[%add3A_227] : memref<2560000xf32, #tpu.memory_space<hbm>> -> memref<10000xf32, #tpu.memory_space<hbm>>
    %dma_wait3A_260 = tpu.memref_slice %arg4[%add3A_227] : memref<2560000xf32, #tpu.memory_space<hbm>> -> memref<10000xf32, #tpu.memory_space<hbm>>
    tpu.wait_dma2 semaphore(%arg22 : memref<!tpu.dma_semaphore, #tpu.memory_space<semaphore_mem>>) src(%dma_wait3A_260 : memref<10000xf32, #tpu.memory_space<hbm>>) dst(%arg18 : memref<10000xf32, #tpu.memory_space<vmem>>)
    %get3A_261 = arith.constant 7 : i32
    %get3A_262 = arith.index_cast %get3A_261 : i32 to index
    %get3A_263 = arith.constant 0 : index
    %get3A_264 = tpu.vector_load %arg19[%get3A_262, %get3A_263] {strides = array<i32>} : memref<16x16xf32, #tpu.memory_space<vmem>>, vector<16xf32>,
    %get3A_265 = arith.constant 15 : i32
    %get3A_266 = arith.index_cast %get3A_265 : i32 to index
    %get3A_267 = arith.constant 0 : index
    %get3A_268 = tpu.vector_load %arg19[%get3A_266, %get3A_267] {strides = array<i32>} : memref<16x16xf32, #tpu.memory_space<vmem>>, vector<16xf32>,
    %parallel_loop3A_269 = arith.constant 0 : i32
    %parallel_loop3A_270 = arith.constant 625 : i32
    %parallel_loop3A_271 = arith.constant 1 : i32
    scf.for %parallel_loop3A_272 = %parallel_loop3A_269 to %parallel_loop3A_270 step %parallel_loop3A_271  : i32 {
      %parallel_loop3A_273 = arith.constant 16 : i32
      %parallel_loop3A_274 = arith.muli %parallel_loop3A_272, %parallel_loop3A_273 : i32
      %parallel_loop3A_275 = tpu.assume_multiple %parallel_loop3A_274, 16 : i32
      %parallel_loop3A_276 = arith.index_cast %parallel_loop3A_275 : i32 to index
      %parallel_loop3A_277 = tpu.vector_load %arg11[%parallel_loop3A_276] {strides = array<i32>} : memref<10000xi32, #tpu.memory_space<vmem>>, vector<16xi32>,
      %parallel_loop3A_278 = arith.constant 65535 : i32
      %parallel_loop3A_279 = vector.broadcast %parallel_loop3A_278 : i32 to vector<16xi32>
      %parallel_loop3A_280 = arith.andi %parallel_loop3A_277, %parallel_loop3A_279 : vector<16xi32>
      %parallel_loop3A_281 = arith.constant 16 : i32
      %parallel_loop3A_282 = vector.broadcast %parallel_loop3A_281 : i32 to vector<16xi32>
      %parallel_loop3A_283 = arith.shrui %parallel_loop3A_277, %parallel_loop3A_282 : vector<16xi32>
      %parallel_loop3A_284 = tpu.vector_load_idx %arg14[%parallel_loop3A_280] : memref<10000xf32, #tpu.memory_space<vmem>>[vector<16xi32>], vector<16xf32>,
      %parallel_loop3A_285 = vector.bitcast %parallel_loop3A_284 : vector<16xf32> to vector<16xi32>
      %parallel_loop3A_286 = tpu.vector_load_idx %arg16[%parallel_loop3A_283] : memref<10000xf32, #tpu.memory_space<vmem>>[vector<16xi32>], vector<16xf32>,
      %parallel_loop3A_287 = vector.bitcast %parallel_loop3A_286 : vector<16xf32> to vector<16xi32>
      %parallel_loop3A_288 = arith.index_cast %parallel_loop3A_275 : i32 to index
      %parallel_loop3A_289 = tpu.vector_load %arg18[%parallel_loop3A_288] {strides = array<i32>} : memref<10000xf32, #tpu.memory_space<vmem>>, vector<16xf32>,
      %parallel_loop3A_290 = vector.bitcast %parallel_loop3A_289 : vector<16xf32> to vector<16xi32>
      %parallel_loop3A_291 = vector.broadcast %squeeze3A : i32 to vector<16xi32>
      %parallel_loop3A_292 = arith.andi %parallel_loop3A_285, %parallel_loop3A_291 : vector<16xi32>
      %parallel_loop3A_293 = vector.bitcast %parallel_loop3A_292 : vector<16xi32> to vector<16xf32>
      %parallel_loop3A_294 = arith.constant 16 : i32
      %parallel_loop3A_295 = vector.broadcast %parallel_loop3A_294 : i32 to vector<16xi32>
      %parallel_loop3A_296 = arith.shli %parallel_loop3A_285, %parallel_loop3A_295 : vector<16xi32>
      %parallel_loop3A_297 = vector.bitcast %parallel_loop3A_296 : vector<16xi32> to vector<16xf32>
      %parallel_loop3A_298 = vector.broadcast %squeeze3A : i32 to vector<16xi32>
      %parallel_loop3A_299 = arith.andi %parallel_loop3A_287, %parallel_loop3A_298 : vector<16xi32>
      %parallel_loop3A_300 = vector.bitcast %parallel_loop3A_299 : vector<16xi32> to vector<16xf32>
      %parallel_loop3A_301 = arith.constant 16 : i32
      %parallel_loop3A_302 = vector.broadcast %parallel_loop3A_301 : i32 to vector<16xi32>
      %parallel_loop3A_303 = arith.shli %parallel_loop3A_287, %parallel_loop3A_302 : vector<16xi32>
      %parallel_loop3A_304 = vector.bitcast %parallel_loop3A_303 : vector<16xi32> to vector<16xf32>
      %parallel_loop3A_305 = vector.broadcast %squeeze3A : i32 to vector<16xi32>
      %parallel_loop3A_306 = arith.andi %parallel_loop3A_290, %parallel_loop3A_305 : vector<16xi32>
      %parallel_loop3A_307 = vector.bitcast %parallel_loop3A_306 : vector<16xi32> to vector<16xf32>
      %parallel_loop3A_308 = arith.constant 16 : i32
      %parallel_loop3A_309 = vector.broadcast %parallel_loop3A_308 : i32 to vector<16xi32>
      %parallel_loop3A_310 = arith.shli %parallel_loop3A_290, %parallel_loop3A_309 : vector<16xi32>
      %parallel_loop3A_311 = vector.bitcast %parallel_loop3A_310 : vector<16xi32> to vector<16xf32>
      %parallel_loop3A_312 = arith.addf %parallel_loop3A_293, %parallel_loop3A_300 : vector<16xf32>
      %parallel_loop3A_313 = arith.addf %parallel_loop3A_312, %parallel_loop3A_307 : vector<16xf32>
      %parallel_loop3A_314 = arith.constant 0.000000e+00 : f32
      %parallel_loop3A_315 = vector.broadcast %parallel_loop3A_314 : f32 to vector<16xf32>
      %parallel_loop3A_316 = arith.maximumf %parallel_loop3A_313, %parallel_loop3A_315 : vector<16xf32>
      %parallel_loop3A_317 = arith.addf %parallel_loop3A_297, %parallel_loop3A_304 : vector<16xf32>
      %parallel_loop3A_318 = arith.addf %parallel_loop3A_317, %parallel_loop3A_311 : vector<16xf32>
      %parallel_loop3A_319 = arith.constant 0.000000e+00 : f32
      %parallel_loop3A_320 = vector.broadcast %parallel_loop3A_319 : f32 to vector<16xf32>
      %parallel_loop3A_321 = arith.maximumf %parallel_loop3A_318, %parallel_loop3A_320 : vector<16xf32>
      %parallel_loop3A_322 = arith.mulf %get3A_264, %parallel_loop3A_316 : vector<16xf32>
      %parallel_loop3A_323 = arith.mulf %get3A_268, %parallel_loop3A_321 : vector<16xf32>
      %parallel_loop3A_324 = arith.addf %parallel_loop3A_322, %parallel_loop3A_323 : vector<16xf32>
      %parallel_loop3A_325 = arith.index_cast %parallel_loop3A_275 : i32 to index
      %parallel_loop3A_326 = tpu.vector_load %arg12[%parallel_loop3A_325] {strides = array<i32>} : memref<10000xf32, #tpu.memory_space<vmem>>, vector<16xf32>,
      tpu.vector_store %arg12[%parallel_loop3A_325], %parallel_loop3A_324 {add = true, strides = array<i32>} : memref<10000xf32, #tpu.memory_space<vmem>>, vector<16xf32>,
    } {sc.loop_unroll_factor = 8 : i64, sc.parallel_access}
    "tpu.region"() ({
      %run_scoped3A = tpu.sem_alloc : memref<!tpu.dma_semaphore, #tpu.memory_space<semaphore_mem>>
      %dma_start3A_272 = tpu.memref_slice %arg8[%mul3A_3] : memref<320000xf32, #tpu.memory_space<hbm>> -> memref<10000xf32, #tpu.memory_space<hbm>>
      %dma_start3A_273 = tpu.memref_slice %arg8[%mul3A_3] : memref<320000xf32, #tpu.memory_space<hbm>> -> memref<10000xf32, #tpu.memory_space<hbm>>
      tpu.enqueue_dma source(%arg12 : memref<10000xf32, #tpu.memory_space<vmem>>) target(%dma_start3A_273 : memref<10000xf32, #tpu.memory_space<hbm>>) target_semaphore(%run_scoped3A : memref<!tpu.dma_semaphore, #tpu.memory_space<semaphore_mem>>)
      %dma_wait3A_274 = tpu.memref_slice %arg8[%mul3A_3] : memref<320000xf32, #tpu.memory_space<hbm>> -> memref<10000xf32, #tpu.memory_space<hbm>>
      %dma_wait3A_275 = tpu.memref_slice %arg8[%mul3A_3] : memref<320000xf32, #tpu.memory_space<hbm>> -> memref<10000xf32, #tpu.memory_space<hbm>>
      tpu.wait_dma2 semaphore(%run_scoped3A : memref<!tpu.dma_semaphore, #tpu.memory_space<semaphore_mem>>) src(%arg12 : memref<10000xf32, #tpu.memory_space<vmem>>) dst(%dma_wait3A_275 : memref<10000xf32, #tpu.memory_space<hbm>>)
      tpu.yield
    }) : () -> ()
    return
  }
}

module attributes {stable_mosaic.version = 14 : i64} {
  func.func @_node_proj_body(%arg0: memref<32x128xf32, #tpu.memory_space<vmem>>, %arg1: memref<32x1xf32, #tpu.memory_space<vmem>>, %arg2: memref<10000x128xf32, #tpu.memory_space<vmem>>, %arg3: memref<16x10000xf32, #tpu.memory_space<vmem>>) attributes {dimension_semantics = [], scalar_prefetch = 0 : i64, scratch_operands = 0 : i64, tpu.core_type = #tpu.core_type<tc>} {
    %get3A = arith.constant 0 : index
    %get3A_0 = arith.constant 0 : index
    %get3A_1 = vector.load %arg0[%get3A, %get3A_0] : memref<32x128xf32, #tpu.memory_space<vmem>>, vector<32x128xf32>
    %get3A_2 = arith.constant 0 : index
    %get3A_3 = arith.constant 0 : index
    %get3A_4 = vector.load %arg2[%get3A_2, %get3A_3] : memref<10000x128xf32, #tpu.memory_space<vmem>>, vector<10000x128xf32>
    %dot_general3A = arith.constant dense<0.000000e+00> : vector<32x10000xf32>
    %dot_general3A_5 = tpu.matmul %get3A_1, %get3A_4, %dot_general3A {dimension_numbers = #tpu.dot_dimension_numbers<[1], [1], [0], [0], [0, 0, 1, 0], [], []>, transpose_lhs_hint = false} : vector<32x128xf32>, vector<10000x128xf32>, vector<32x10000xf32> -> vector<32x10000xf32>
    %get3A_6 = arith.constant 0 : index
    %get3A_7 = arith.constant 0 : index
    %get3A_8 = vector.load %arg1[%get3A_6, %get3A_7] : memref<32x1xf32, #tpu.memory_space<vmem>>, vector<32x1xf32>
    %add3A = vector.broadcast %get3A_8 : vector<32x1xf32> to vector<32x10000xf32>
    %add3A_9 = arith.addf %dot_general3A_5, %add3A : vector<32x10000xf32>
    %slice3A = vector.extract_strided_slice %add3A_9 {offsets = [0, 0], sizes = [8, 10000], strides = [1, 1]} : vector<32x10000xf32> to vector<8x10000xf32>
    %slice3A_10 = vector.extract_strided_slice %add3A_9 {offsets = [8, 0], sizes = [8, 10000], strides = [1, 1]} : vector<32x10000xf32> to vector<8x10000xf32>
    %convert_element_type3A = arith.truncf %slice3A : vector<8x10000xf32> to vector<8x10000xbf16>
    %bitcast_convert_type3A = tpu.bitcast %convert_element_type3A : vector<8x10000xbf16> -> vector<8x10000xi16>
    %convert_element_type3A_11 = arith.extui %bitcast_convert_type3A : vector<8x10000xi16> to vector<8x10000xi32>
    %convert_element_type3A_12 = arith.truncf %slice3A_10 : vector<8x10000xf32> to vector<8x10000xbf16>
    %bitcast_convert_type3A_13 = tpu.bitcast %convert_element_type3A_12 : vector<8x10000xbf16> -> vector<8x10000xi16>
    %convert_element_type3A_14 = arith.extui %bitcast_convert_type3A_13 : vector<8x10000xi16> to vector<8x10000xi32>
    %shift_left3A = arith.constant 16 : i32
    %shift_left3A_15 = vector.broadcast %shift_left3A : i32 to vector<8x10000xi32>
    %shift_left3A_16 = arith.shli %convert_element_type3A_11, %shift_left3A_15 : vector<8x10000xi32>
    %or3A = arith.ori %shift_left3A_16, %convert_element_type3A_14 : vector<8x10000xi32>
    %bitcast_convert_type3A_17 = tpu.bitcast %or3A : vector<8x10000xi32> -> vector<8x10000xf32>
    %slice3A_18 = vector.extract_strided_slice %add3A_9 {offsets = [16, 0], sizes = [8, 10000], strides = [1, 1]} : vector<32x10000xf32> to vector<8x10000xf32>
    %slice3A_19 = vector.extract_strided_slice %add3A_9 {offsets = [24, 0], sizes = [8, 10000], strides = [1, 1]} : vector<32x10000xf32> to vector<8x10000xf32>
    %convert_element_type3A_20 = arith.truncf %slice3A_18 : vector<8x10000xf32> to vector<8x10000xbf16>
    %bitcast_convert_type3A_21 = tpu.bitcast %convert_element_type3A_20 : vector<8x10000xbf16> -> vector<8x10000xi16>
    %convert_element_type3A_22 = arith.extui %bitcast_convert_type3A_21 : vector<8x10000xi16> to vector<8x10000xi32>
    %convert_element_type3A_23 = arith.truncf %slice3A_19 : vector<8x10000xf32> to vector<8x10000xbf16>
    %bitcast_convert_type3A_24 = tpu.bitcast %convert_element_type3A_23 : vector<8x10000xbf16> -> vector<8x10000xi16>
    %convert_element_type3A_25 = arith.extui %bitcast_convert_type3A_24 : vector<8x10000xi16> to vector<8x10000xi32>
    %shift_left3A_26 = arith.constant 16 : i32
    %shift_left3A_27 = vector.broadcast %shift_left3A_26 : i32 to vector<8x10000xi32>
    %shift_left3A_28 = arith.shli %convert_element_type3A_22, %shift_left3A_27 : vector<8x10000xi32>
    %or3A_29 = arith.ori %shift_left3A_28, %convert_element_type3A_25 : vector<8x10000xi32>
    %bitcast_convert_type3A_30 = tpu.bitcast %or3A_29 : vector<8x10000xi32> -> vector<8x10000xf32>
    %concatenate3A = tpu.concatenate %bitcast_convert_type3A_17, %bitcast_convert_type3A_30 in 0 : vector<8x10000xf32>, vector<8x10000xf32> -> vector<16x10000xf32>
    %swap3A = arith.constant 0 : index
    %swap3A_31 = arith.constant 0 : index
    %swap3A_32 = vector.load %arg3[%swap3A, %swap3A_31] : memref<16x10000xf32, #tpu.memory_space<vmem>>, vector<16x10000xf32>
    tpu.vector_store %arg3[%swap3A, %swap3A_31], %concatenate3A {strides = array<i32>} : memref<16x10000xf32, #tpu.memory_space<vmem>>, vector<16x10000xf32>,
    return
  }
}

module attributes {stable_mosaic.version = 14 : i64} {
  func.func @_edge_proj_body(%arg0: i32, %arg1: memref<16x128xf32, #tpu.memory_space<vmem>>, %arg2: memref<12800x128xf32, #tpu.memory_space<vmem>>, %arg3: memref<8x12800xf32, #tpu.memory_space<vmem>>) attributes {dimension_semantics = [#tpu.dimension_semantics<arbitrary>], iteration_bounds = array<i64: 25>, scalar_prefetch = 0 : i64, scratch_operands = 0 : i64, tpu.core_type = #tpu.core_type<tc>, window_params = [{pipeline_mode = #tpu.pipeline_mode<synchronous>, transform_indices = @transform_0, window_bounds = array<i64: 16, 128>}, {transform_indices = @transform_1, window_bounds = array<i64: 12800, 128>}, {transform_indices = @transform_2, window_bounds = array<i64: 8, 12800>}]} {
    %get3A = arith.constant 0 : index
    %get3A_0 = arith.constant 0 : index
    %get3A_1 = vector.load %arg1[%get3A, %get3A_0] : memref<16x128xf32, #tpu.memory_space<vmem>>, vector<16x128xf32>
    %get3A_2 = arith.constant 0 : index
    %get3A_3 = arith.constant 0 : index
    %get3A_4 = vector.load %arg2[%get3A_2, %get3A_3] : memref<12800x128xf32, #tpu.memory_space<vmem>>, vector<12800x128xf32>
    %dot_general3A = arith.constant dense<0.000000e+00> : vector<16x12800xf32>
    %dot_general3A_5 = tpu.matmul %get3A_1, %get3A_4, %dot_general3A {dimension_numbers = #tpu.dot_dimension_numbers<[1], [1], [0], [0], [0, 0, 1, 0], [], []>, transpose_lhs_hint = false} : vector<16x128xf32>, vector<12800x128xf32>, vector<16x12800xf32> -> vector<16x12800xf32>
    %slice3A = vector.extract_strided_slice %dot_general3A_5 {offsets = [0, 0], sizes = [8, 12800], strides = [1, 1]} : vector<16x12800xf32> to vector<8x12800xf32>
    %slice3A_6 = vector.extract_strided_slice %dot_general3A_5 {offsets = [8, 0], sizes = [8, 12800], strides = [1, 1]} : vector<16x12800xf32> to vector<8x12800xf32>
    %convert_element_type3A = arith.truncf %slice3A : vector<8x12800xf32> to vector<8x12800xbf16>
    %bitcast_convert_type3A = tpu.bitcast %convert_element_type3A : vector<8x12800xbf16> -> vector<8x12800xi16>
    %convert_element_type3A_7 = arith.extui %bitcast_convert_type3A : vector<8x12800xi16> to vector<8x12800xi32>
    %convert_element_type3A_8 = arith.truncf %slice3A_6 : vector<8x12800xf32> to vector<8x12800xbf16>
    %bitcast_convert_type3A_9 = tpu.bitcast %convert_element_type3A_8 : vector<8x12800xbf16> -> vector<8x12800xi16>
    %convert_element_type3A_10 = arith.extui %bitcast_convert_type3A_9 : vector<8x12800xi16> to vector<8x12800xi32>
    %shift_left3A = arith.constant 16 : i32
    %shift_left3A_11 = vector.broadcast %shift_left3A : i32 to vector<8x12800xi32>
    %shift_left3A_12 = arith.shli %convert_element_type3A_7, %shift_left3A_11 : vector<8x12800xi32>
    %or3A = arith.ori %shift_left3A_12, %convert_element_type3A_10 : vector<8x12800xi32>
    %bitcast_convert_type3A_13 = tpu.bitcast %or3A : vector<8x12800xi32> -> vector<8x12800xf32>
    %swap3A = arith.constant 0 : index
    %swap3A_14 = arith.constant 0 : index
    %swap3A_15 = vector.load %arg3[%swap3A, %swap3A_14] : memref<8x12800xf32, #tpu.memory_space<vmem>>, vector<8x12800xf32>
    tpu.vector_store %arg3[%swap3A, %swap3A_14], %bitcast_convert_type3A_13 {strides = array<i32>} : memref<8x12800xf32, #tpu.memory_space<vmem>>, vector<8x12800xf32>,
    return
  }
  func.func @transform_0(%arg0: i32) -> (i32, i32) {
    %c0_i32 = arith.constant 0 : i32
    %c0_i32_0 = arith.constant 0 : i32
    %c0_i32_1 = arith.constant 0 : i32
    return %c0_i32, %c0_i32_0 : i32, i32
  }
  func.func @transform_1(%arg0: i32) -> (i32, i32) {
    %c0_i32 = arith.constant 0 : i32
    %c0_i32_0 = arith.constant 0 : i32
    return %arg0, %c0_i32 : i32, i32
  }
  func.func @transform_2(%arg0: i32) -> (i32, i32) {
    %c0_i32 = arith.constant 0 : i32
    %c0_i32_0 = arith.constant 0 : i32
    return %c0_i32, %arg0 : i32, i32
  }
}

</mosaic_0001>

<sc_bundles>
// kernel: kernel.5.cloned.1.call-start
scs
__scs_entry_jumppad:
0x0: {  	(pc) =	sbr.rel $0x88, $3  }
0x1: {  	(tag) =	ssettag $0x0;
	lr =	simm.s32 $0x1  }
0x2: {  	[smem:$0x3F9A] =	sst lr;
	_ =	strace $0xD0000000  }
0x3: {  	_ = 	snop  }
0x4: {  	_ = 	snop  }
0x5: {  	_ = 	snop  }
0x6: {  	_ = 	snop  }
0x7: {  	_ = 	snop  }
__scs_overlays_trampoline_lowered:
0x8: {  	[smem:$0x3FA9] =	sst s0  }
0x9: {  	[smem:$0x3FAA] =	sst s1  }
0xa: {  	[smem:$0x3FAB] =	sst s2  }
0xb: {  	[smem:$0x3FAC] =	sst s3  }
0xc: {  	[smem:$0x3FAD] =	sst s4  }
0xd: {  	[smem:$0x3FAE] =	sst s5  }
0xe: {  	[smem:$0x3FAF] =	sst s6  }
0xf: {  	[smem:$0x3FB0] =	sst s7  }
0x10: {  	[smem:$0x3FB1] =	sst s8  }
0x11: {  	[smem:$0x3FB2] =	sst s9;
	s0 =	simm.s32 @!p0 $0x0  }
0x12: {  	s1 =	sld [smem:$0x3F98];
	s0 =	simm.s32 @p0 $0x1  }
0x13: {  	[smem:$0x3FB3] =	sst s0;
	s0 =	simm.s32 @!p1 $0x0  }
0x14: {  	s2 =	sld [smem:$0x3F97];
	s0 =	simm.s32 @p1 $0x1  }
0x15: {  	[smem:$0x3FB4] =	sst s0;
	s0 =	simm.s32 @!p2 $0x0  }
0x16: {  	s3 =	sld [smem:$0x3FDB];
	s0 =	simm.s32 @p2 $0x1  }
0x17: {  	s4 =	simm.s32 $0x1BF5;
	[smem:$0x3FB6] =	sst s0  }
0x18: {  	s0 =	sld [smem:$0x3F99];
	_ =	swait.ge [sflag:s4], $0x0  }
0x19: {  	s7 =	sld [smem:$0x3F9A]  }
0x1a: {  	s8 =	sadd.s32 $0xFFFFE003, lr  }
0x1b: {  	s9 =	sadd.s32 $0xFFFFFEF7, lr;
	s5 =	simm.s32 $0xFFFFFFFF;
	p2 =	slt.u32 s8, $0xFFFFF086  }
0x1c: {  	p1 =	slt.u32 s9, $0xF7A;
	s5 =	simm.s32 @!p2 $0x0  }
0x1d: {  	s5 =	simm.s32 @p1 $0x1;
	p0 =	seq.s32 s7, s2  }
0x1e: {  	s7 =	smul.u32 @!p0 $0xF7A, s2;
	p2 =	seq.s32 @!p0 s5, $0x0  }
0x1f: {  	s9 =	smul.u32 $0xF7A, s1;
	s8 =	simm.s32 @!p0 $0x1BF5;
	p2 =	por !p2, p0  }
0x20: {  	[sflag:s8] =	ssyncset.s32 @!p0 $0xFFFFF086;
	s6 =	sadd.s32 @!p0 s3, s7;
	s7 =	simm.s32 @!p0 $0x108  }
0x21: {  	s3 =	sadd.s32 s3, s9;
	s6 =	sadd.s32 @!p0 $0x88, s6;
	s7 =	simm.s32 @p2 $0x1082  }
0x22: {  	[simem:s7], [sflag:s8] =	dma.local @!p0 [hbm:s6], $0xF7A  }
0x23: {  	s9 =	sor.u32 $0xD0000000, s2;
	s6 =	simm.s32 $0x108;
	_ =	swait.ge @!p0 [sflag:s8], $0x0  }
0x24: {  	s3 =	sadd.s32 $0x88, s3;
	s6 =	simm.s32 @!p1 $0x1082;
	[sflag:s4] =	ssyncset.s32 $0xFFFFF086  }
0x25: {  	[simem:s6], [sflag:s4] =	dma.local [hbm:s3], $0xF7A  }
0x26: {  	[smem:$0x3F9A] =	sst s1;
	(tag) =	ssettag s2;
	_ =	strace s9  }
0x27: {  	s1 =	sld [smem:$0x3FAA]  }
0x28: {  	s2 =	sld [smem:$0x3FAB]  }
0x29: {  	s4 =	sld [smem:$0x3FAD]  }
0x2a: {  	p0 =	seq.s32 s5, $0x0;
	s5 =	sld [smem:$0x3FAE]  }
0x2b: {  	s6 =	sld [smem:$0x3FAF]  }
0x2c: {  	s7 =	sld [smem:$0x3FB0]  }
0x2d: {  	s3 =	simm.s32 $0x108;
	s8 =	sld [smem:$0x3FB1]  }
0x2e: {  	s3 =	simm.s32 @!p0 $0x1082;
	s9 =	sld [smem:$0x3FB2]  }
0x2f: {  	lr =	sadd.s32 s0, s3;
	s0 =	sld [smem:$0x3FA9]  }
0x30: {  	s3 =	sld [smem:$0x3FAC]  }
0x31: {  	[smem:$0x3FB5] =	sst s10  }
0x32: {  	s10 =	sld [smem:$0x3FB3];
	_ =	sdelay $0x3  }
0x33: {  	p0 =	seq.s32 s10, $0x1;
	s10 =	sld [smem:$0x3FB5];
	_ =	sdelay $0x3  }
0x34: {  	[smem:$0x3FB5] =	sst s10  }
0x35: {  	s10 =	sld [smem:$0x3FB4];
	_ =	sdelay $0x3  }
0x36: {  	p1 =	seq.s32 s10, $0x1;
	s10 =	sld [smem:$0x3FB5];
	_ =	sdelay $0x3  }
0x37: {  	[smem:$0x3FB5] =	sst s10  }
0x38: {  	s10 =	sld [smem:$0x3FB6]  }
0x39: {  	_ = 	snop;
	(pc) =	sbr.ind lr, $3  }
0x3a: {  	_ = 	snop  }
0x3b: {  	_ = 	snop  }
0x3c: {  	p2 =	seq.s32 s10, $0x1;
	s10 =	sld [smem:$0x3FB5]  }
0x3d: {  	_ =	shalt  }
0x3e: {  	_ =	shalt  }
0x3f: {  	_ =	shalt  }
0x40: {  	_ =	shalt  }
0x41: {  	_ =	shalt  }
0x42: {  	_ =	shalt  }
0x43: {  	_ =	shalt  }
0x44: {  	_ =	shalt  }
0x45: {  	_ =	shalt  }
0x46: {  	_ =	shalt  }
0x47: {  	_ =	shalt  }
0x48: {  	_ =	shalt  }
0x49: {  	_ =	shalt  }
0x4a: {  	_ =	shalt  }
0x4b: {  	_ =	shalt  }
0x4c: {  	_ =	shalt  }
0x4d: {  	_ =	shalt  }
0x4e: {  	_ =	shalt  }
0x4f: {  	_ =	shalt  }
0x50: {  	_ =	shalt  }
0x51: {  	_ =	shalt  }
0x52: {  	_ =	shalt  }
0x53: {  	_ =	shalt  }
0x54: {  	_ =	shalt  }
0x55: {  	_ =	shalt  }
0x56: {  	_ =	shalt  }
0x57: {  	_ =	shalt  }
0x58: {  	_ =	shalt  }
0x59: {  	_ =	shalt  }
0x5a: {  	_ =	shalt  }
0x5b: {  	_ =	shalt  }
0x5c: {  	_ =	shalt  }
0x5d: {  	_ =	shalt  }
0x5e: {  	_ =	shalt  }
0x5f: {  	_ =	shalt  }
0x60: {  	_ =	shalt  }
0x61: {  	_ =	shalt  }
0x62: {  	_ =	shalt  }
0x63: {  	_ =	shalt  }
0x64: {  	_ =	shalt  }
0x65: {  	_ =	shalt  }
0x66: {  	_ =	shalt  }
0x67: {  	_ =	shalt  }
0x68: {  	_ =	shalt  }
0x69: {  	_ =	shalt  }
0x6a: {  	_ =	shalt  }
0x6b: {  	_ =	shalt  }
0x6c: {  	_ =	shalt  }
0x6d: {  	_ =	shalt  }
0x6e: {  	_ =	shalt  }
0x6f: {  	_ =	shalt  }
0x70: {  	_ =	shalt  }
0x71: {  	_ =	shalt  }
0x72: {  	_ =	shalt  }
0x73: {  	_ =	shalt  }
0x74: {  	_ =	shalt  }
0x75: {  	_ =	shalt  }
0x76: {  	_ =	shalt  }
0x77: {  	_ =	shalt  }
0x78: {  	_ =	shalt  }
0x79: {  	_ =	shalt  }
0x7a: {  	_ =	shalt  }
0x7b: {  	_ =	shalt  }
0x7c: {  	_ =	shalt  }
0x7d: {  	_ =	shalt  }
0x7e: {  	_ =	shalt  }
0x7f: {  	_ =	shalt  }
0x80: {  	_ =	shalt  }
0x81: {  	_ =	shalt  }
0x82: {  	_ =	shalt  }
0x83: {  	_ =	shalt  }
0x84: {  	_ =	shalt  }
0x85: {  	_ =	shalt  }
0x86: {  	_ =	shalt  }
0x87: {  	_ =	shalt  }
.Lfunc_end0:
.L_simem_size_0:
called_computation_lowered:
.L_overlay_start_0:
0x88: {  	s2 =	sld [smem:$0x3FD9]  }
0x89: {  	s3 =	sld [smem:$0x3FFE];
	_ =	sdelay $0x1  }
0x8a: {  	s1 =	srdreg.scid  }
0x8b: {  	s0 =	sand.u32 $0x1, s1  }
0x8c: {  	s17 =	sshll.u32 s0, $0xA;
	s2 =	sadd.s32 s3, s2  }
0x8d: {  	s2 =	sadd.s32 s2, s17  }
0x8e: {  	[smem:$0x3FC1] =	sst s2  }
0x8f: {  	_ = 	snop  }
0x90: {  	s2 =	sld [smem:$0x3FD0];
	(tm) =	ssettm $0x1  }
0x91: {  	s18 =	sld [smem:$0x3FFB];
	_ =	sdelay $0x3  }
0x92: {  	_ =	strace s18  }
0x93: {  	s3 =	sld [smem:$0x3FFC];
	_ =	sdelay $0x3  }
0x94: {  	_ =	strace s3  }
0x95: {  	s3 =	sld [smem:$0x3FFD];
	_ =	sdelay $0x3  }
0x96: {  	_ =	strace s3  }
0x97: {  	_ =	strace $0x8FFFFFFF  }
0x98: {  	s19 =	sld [smem:$0x3FDB];
	_ =	sdelay $0x1  }
0x99: {  	s4 =	simm.s32 $_scs_section_size  }
0x9a: {  	s5 =	simm.s32 $_size__tile_overlayer_lowered;
	s6 =	simm.s32 $_tile_overlayer_lowered  }
0x9b: {  	s22 =	simm.s32 $0x1BFF;
	s21 =	sshll.u32 s6, $0x1;
	s3 =	sadd.s32 s4, s19  }
0x9c: {  	s7 =	simm.s32 $0x0;
	s20 =	sshll.u32 s5, $0x1;
	s5 =	sadd.s32 s21, s3  }
0x9d: {  	[timem:s7], [sflag:s22] =	dma.local [hbm:s5], s20  }
0x9e: {  	_ =	swait.ge [sflag:s22], s20  }
0x9f: {  	s4 =	ssub.s32 $0x0, s20;
	[sflag:s22] =	ssyncset.done $0x0  }
0xa0: {  	[sflag:s22] =	ssyncadd.s32 s4;
	_ =	sdelay $0x1  }
0xa1: {  	s23 =	simm.s32 $0x1B8B  }
0xa2: {  	_ =	swait.ge [sflag:s23], $0x1  }
0xa3: {  	[sflag:s23] =	ssyncset.done $0x0  }
0xa4: {  	s25 =	simm.s32 $0x1B8E;
	s24 =	sld [smem:$0x3FFE];
	[sflag:s23] =	ssyncadd.s32 $0xFFFFFFFF  }
0xa5: {  	s26 =	simm.s32 $execute0_lowered;
	[smem:$0x3FD2] =	sst s25  }
0xa6: {  	s5 =	sshll.u32 s26, $0x1;
	_ =	strace $0x80000046;
	[dreg:$0x1] =	wrdreg $0xFFFFFFFF  }
0xa7: {  	s28 =	simm.s32 $_size_execute0_lowered;
	s3 =	sadd.s32 s3, s5;
	[dreg:$0x0] =	wrdreg $0x0  }
0xa8: {  	s5 =	sshll.u32 s28, $0x1;
	[dreg:$0x2] =	wrdreg s3  }
0xa9: {  	[dreg:$0x3] =	wrdreg s5  }
0xaa: {  	[dreg:$0x4] =	wrdreg $0xC0  }
0xab: {  	_ =	task [dreg:s7], $0x5FFFF  }
0xac: {  	[dreg:$0x1] =	wrdreg $0xFFFFFFFF  }
0xad: {  	[dreg:$0x0] =	wrdreg $0x60  }
0xae: {  	[dreg:$0x2] =	wrdreg s24  }
0xaf: {  	[dreg:$0x3] =	wrdreg s2  }
0xb0: {  	[dreg:$0x4] =	wrdreg $0x9  }
0xb1: {  	_ =	task.clear_ibuf [dreg:s7], $0x5FFFF;
	_ =	strace $0x90000046  }
0xb2: {  	s29 =	simm.s32 $0x9;
	_ =	strace $0x80000048  }
0xb3: {  	_ =	swait.ge [sflag:s29], $0x1  }
0xb4: {  	[sflag:s29] =	ssyncadd.s32 $0xFFFFFFFF  }
0xb5: {  	_ =	strace $0x90000048  }
0xb6: {  	_ =	sfence  }
0xb7: {  	s30 =	sld [smem:$0x0];
	_ =	sdelay $0x2  }
0xb8: {  	s31 =	sshll.u32 s1, $0xD;
	s1 =	sshrl.u32 s1, $0x2  }
0xb9: {  	s3 =	sand.u32 $0x4000, s31;
	s1 =	sadd.s32 s1, s30  }
0xba: {  	s0 =	sor.u32 s3, s0;
	s1 =	sshll.u32 s1, $0x11  }
0xbb: {  	s0 =	sor.u32 s1, s0  }
0xbc: {  	s0 =	sadd.s32 $0x8F2B, s0  }
0xbd: {  	[sflag:s0] =	ssyncadd.remote.s32 $0x1  }
0xbe: {  	_ =	sfence.sel $0xFFFF  }
0xbf: {  	[dreg:$0x0] =	wrdreg $0xFFFFFFFF;
	(pc) =	sbr.abs _section_cstart, $3  }
0xc0: {  	[dreg:$0x1] =	wrdreg $0xFFFFFFFF  }
0xc1: {  	_ =	task.clear_ibuf [dreg:s7], $0x2FFFF;
	_ =	strace $0x9FFFFFFF  }
0xc2: {  	(tm) =	ssettm $0x7FFFFFFF  }
0xc3: {  	_ =	shalt  }
tec
execute0_lowered:
.L_overlay_start_1:
0x0: {  	(tag) =	ssettag $0x1  }
0x1: {  	s0 =	rddreg [dreg:$0x0]  }
0x2: {  	s6 =	rddreg [dreg:$0x1];
	s1 =	srdreg.scid;
	s3 =	simm.s32 $0x0  }
0x3: {  	s2 =	stileid.u32;
	[smem:$0x7FF] =	sst s3;
	s5 =	sadd.s32 $0x61E00, s0  }
0x4: {  	s10 =	sadd.s32 $0x62000, s0;
	_ =	strace $0x80000047;
	[dreg:$0x3] =	wrdreg s5  }
0x5: {  	s7 =	simm.s32 $0x13C00;
	s11 =	sadd.s32 $0x61C00, s0;
	[dreg:$0x4] =	wrdreg s10  }
0x6: {  	s8 =	simm.s32 $0xC580;
	s15 =	sadd.s32 $0x2710, s6;
	[dreg:$0x5] =	wrdreg s11  }
0x7: {  	s9 =	simm.s32 $0x11480;
	s16 =	sadd.s32 $0x4E2, s6;
	[dreg:$0x8] =	wrdreg s15  }
0x8: {  	s1 =	sand.u32 $0x1, s1;
	s17 =	sadd.s32 $0x2BF2, s6;
	[dreg:$0x9] =	wrdreg s16  }
0x9: {  	s2 =	sshll.u32 s2, $0x1;
	s18 =	sadd.s32 $0x9C4, s6;
	[dreg:$0xa] =	wrdreg s17  }
0xa: {  	s4 =	sadd.s32 $0x4E200, s0;
	s19 =	sadd.s32 $0x30D4, s6;
	[dreg:$0xc] =	wrdreg s18  }
0xb: {  	s21 =	sadd.s32 $0xEA6, s6;
	s22 =	sadd.s32 $0x35B6, s6;
	[dreg:$0xd] =	wrdreg s19  }
0xc: {  	s24 =	sadd.s32 $0x1388, s6;
	s25 =	sadd.s32 $0x3A98, s6;
	[dreg:$0xf] =	wrdreg s21  }
0xd: {  	s28 =	sadd.s32 $0x1D4C, s6;
	s29 =	sadd.s32 $0x445C, s6;
	[dreg:$0x10] =	wrdreg s22  }
0xe: {  	s31 =	sadd.s32 $0x222E, s6;
	s2 =	sor.u32 s1, s2;
	[dreg:$0x12] =	wrdreg s24  }
0xf: {  	s1 =	ssub.s32 $0x2, s1;
	[dreg:$0x13] =	wrdreg s25;
	s24 =	sadd.s32 $0x3F7A, s6  }
0x10: {  	s5 =	simm.s32 $0x9E00;
	s2 =	smul.u32 $0x2710, s2;
	s12 =	sshrl.u32 s1, $0x1  }
0x11: {  	s11 =	simm.s32 $0x16380;
	s15 =	simm.s32 $0x0;
	s1 =	ssub.s32 s1, s12  }
0x12: {  	s12 =	simm.s32 $0x1;
	s2 =	sshrl.u32 s2, $0x3;
	s25 =	smax.u32 s1, $0x1  }
0x13: {  	s13 =	sadd.s32 s4, s2;
	s14 =	sadd.s32 $0x9C40, s2;
	s10 =	sadd.s32 s0, s2  }
0x14: {  	[dreg:$0x6] =	wrdreg s13;
	s4 =	sadd.s32 s4, s14;
	s0 =	sadd.s32 s0, s14  }
0x15: {  	s20 =	sadd.s32 $0x13880, s10;
	s23 =	sadd.s32 $0x1D4C0, s10;
	[dreg:$0x7] =	wrdreg s4  }
0x16: {  	s26 =	sadd.s32 $0x27100, s10;
	s30 =	sadd.s32 $0x3A980, s10;
	[dreg:$0xb] =	wrdreg s0  }
0x17: {  	s1 =	sadd.s32 $0x445C0, s10;
	s2 =	sadd.s32 $0x62200, s10;
	[dreg:$0xe] =	wrdreg s20  }
0x18: {  	s13 =	simm.s32 $0x9D80;
	s14 =	simm.s32 $0x2;
	[dreg:$0x11] =	wrdreg s23  }
0x19: {  	[dreg:$0x14] =	wrdreg s26;
	s23 =	sadd.s32 $0x186A, s6;
	s26 =	sadd.s32 $0x30D40, s10  }
0x1a: {  	s0 =	sadd.s32 $0x493E, s6;
	s4 =	simm.s32 $0x3;
	s6 =	simm.s32 $0xED00  }
.LBB2_1:
0x1b: {  	s16 =	rddreg [dreg:$0x5];
	s17 =	simm.s32 $0x19380  }
0x1c: {  	[tilespmem:s17], [sflag:$0x3] =	stream.linear.gather [hbm4b:s16+s3], $0x1, $0x38;
	[tilespmem:$0x19400] =	vst v63  }
0x1d: {  	_ =	swait.ge [sflag:s4], $0x1  }
0x1e: {  	[sflag:s4] =	ssyncset.done $0x0  }
0x1f: {  	s20 =	rddreg [dreg:$0x6];
	[sflag:s4] =	ssyncadd.s32 $0xFFFFFFFF  }
0x20: {  	v0 =	vld [tilespmem:$0x19380];
	[tilespmem:s3], [sflag:$0x3] =	stream.linear.gather [hbm4b:s20+s3], $0x2710, $0x38  }
0x21: {  	_ =	swait.ge [sflag:s4], $0x2710  }
0x22: {  	[sflag:s4] =	ssyncset.done $0x0  }
0x23: {  	s22 =	simm.s32 $0x2780;
	s21 =	rddreg [dreg:$0x7];
	[sflag:s4] =	ssyncadd.s32 $0xFFFFD8F0  }
0x24: {  	[tilespmem:s22], [sflag:$0x3] =	stream.linear.gather [hbm4b:s21+s3], $0x2710, $0x38;
	[tilespmem:$0x19400] =	vst v63  }
0x25: {  	_ =	swait.ge [sflag:s4], $0x2710  }
0x26: {  	[sflag:s4] =	ssyncset.done $0x0  }
0x27: {  	s19 =	simm.s32 $0x18B00;
	s18 =	rddreg [dreg:$0x3];
	[sflag:s4] =	ssyncadd.s32 $0xFFFFD8F0  }
0x28: {  	[tilespmem:s19], [sflag:$0x3] =	stream.linear.gather [hbm4b:s18+s3], $0x800, $0x38;
	[tilespmem:$0x19400] =	vst v63  }
0x29: {  	_ =	swait.ge [sflag:s4], $0x800  }
0x2a: {  	[sflag:s4] =	ssyncset.done $0x0  }
0x2b: {  	s21 =	simm.s32 $0x19300;
	s20 =	rddreg [dreg:$0x4];
	[sflag:s4] =	ssyncadd.s32 $0xFFFFF800  }
0x2c: {  	[tilespmem:s21], [sflag:$0x3] =	stream.linear.gather [hbm4b:s20+s3], $0x80, $0x38;
	[tilespmem:$0x19400] =	vst v63  }
0x2d: {  	_ =	swait.ge [sflag:s4], $0x80  }
0x2e: {  	[sflag:s4] =	ssyncset.done $0x0  }
0x2f: {  	[sflag:s4] =	ssyncadd.s32 $0xFFFFFF80  }
0x30: {  	s22 =	simm.s32 $0x27C0;
	v1 =	vld [tilespmem:$0x19300]  }
0x31: {  	s16 =	simm.s32 $0x40;
	v2 =	vld [tilespmem:s22+$0x30]  }
0x32: {  	v3 =	vld [tilespmem:s16+$0x30]  }
0x33: {  	v4 =	vld [tilespmem:s22+$0xFFFFFFC0]  }
0x34: {  	v5 =	vld [tilespmem:s22+$0xFFFFFFD0]  }
0x35: {  	v7 =	vld [tilespmem:s22+$0xFFFFFFE0]  }
0x36: {  	v8 =	vld [tilespmem:s22+$0xFFFFFFF0]  }
0x37: {  	v9 =	vld [tilespmem:s22+$0x0]  }
0x38: {  	v11 =	vld [tilespmem:s22+$0x10]  }
0x39: {  	v13 =	vld [tilespmem:s16+$0xFFFFFFD0]  }
0x3a: {  	v12 =	vld [tilespmem:s22+$0x20]  }
0x3b: {  	v14 =	vld [tilespmem:s16+$0xFFFFFFE0]  }
0x3c: {  	v6 =	vld [tilespmem:s16+$0xFFFFFFF0];
	v2 =	vshll.u32 v2, $0x10  }
0x3d: {  	s17 =	simm.s32 $0x4F40;
	v5 =	vshll.u32 v5, $0x10;
	v10 =	vor.u32 v3, v2;
	v3 =	vld [tilespmem:s16+$0x0]  }
0x3e: {  	v2 =	vshll.u32 v4, $0x10;
	v4 =	vld [tilespmem:s16+$0x10];
	v13 =	vor.u32 v13, v5;
	[tilespmem:s17+$0x30] =	vst v10  }
0x3f: {  	s18 =	simm.s32 $0x76C0;
	s19 =	simm.s32 $0x4F40;
	v15 =	vshll.u32 v7, $0x10;
	v10 =	vshll.u32 v8, $0x10;
	v8 =	vshll.u32 v9, $0x10;
	v9 =	vld [tilespmem:s16+$0x20];
	[tilespmem:s17+$0xFFFFFFD0] =	vst v13  }
0x40: {  	s21 =	simm.s32 $0x0;
	s20 =	simm.s32 $0x76C0;
	s22 =	simm.s32 $0x2840;
	v7 =	vshll.u32 v11, $0x10;
	v11 =	vld [tilespmem:s16+$0xFFFFFFC0];
	v5 =	vshll.u32 v12, $0x10;
	v12 =	vor.u32 v14, v15;
	[tilespmem:s18+$0x30] =	vst v1  }
.LBB2_2:
0x41: {  	v13 =	vld [tilespmem:s22+$0x30];
	[tilespmem:s18+$0xFFFFFFD0] =	vst v1;
	v6 =	vor.u32 v6, v10;
	s16 =	sadd.s32 $0x80, s16  }
0x42: {  	s21 =	sadd.s32 $0x8, s21;
	v10 =	vld [tilespmem:s16+$0x30];
	[tilespmem:s17+$0xFFFFFFE0] =	vst v12;
	v3 =	vor.u32 v3, v8  }
0x43: {  	p0 =	slt.u32 s21, $0x268;
	v8 =	vld [tilespmem:s22+$0xFFFFFFC0];
	[tilespmem:s18+$0xFFFFFFE0] =	vst v1;
	v4 =	vor.u32 v4, v7  }
0x44: {  	v7 =	vld [tilespmem:s22+$0xFFFFFFD0];
	[tilespmem:s17+$0xFFFFFFF0] =	vst v6;
	v9 =	vor.u32 v9, v5  }
0x45: {  	v5 =	vld [tilespmem:s22+$0xFFFFFFE0];
	v2 =	vor.u32 v11, v2;
	[tilespmem:s18+$0xFFFFFFF0] =	vst v1  }
0x46: {  	v6 =	vld [tilespmem:s22+$0xFFFFFFF0];
	v11 =	vshll.u32 v13, $0x10;
	[tilespmem:s17+$0xFFFFFFC0] =	vst v2  }
0x47: {  	s17 =	sadd.s32 $0x80, s17;
	v12 =	vld [tilespmem:s22+$0x0];
	v10 =	vor.u32 v10, v11;
	[tilespmem:s18+$0xFFFFFFC0] =	vst v1  }
0x48: {  	s18 =	sadd.s32 $0x80, s18;
	v2 =	vshll.u32 v8, $0x10;
	v11 =	vld [tilespmem:s22+$0x10];
	[tilespmem:s17+$0x30] =	vst v10  }
0x49: {  	v13 =	vshll.u32 v7, $0x10;
	v14 =	vld [tilespmem:s22+$0x20];
	[tilespmem:s18+$0x30] =	vst v1  }
0x4a: {  	v15 =	vld [tilespmem:s16+$0xFFFFFFD0];
	v16 =	vshll.u32 v5, $0x10;
	[tilespmem:s19+$0x0] =	vst v3  }
0x4b: {  	v17 =	vld [tilespmem:s16+$0xFFFFFFE0];
	v10 =	vshll.u32 v6, $0x10;
	[tilespmem:s20+$0x0] =	vst v1  }
.Ltmp0:
0x4c: {  	v6 =	vld [tilespmem:s16+$0xFFFFFFF0];
	v8 =	vshll.u32 v12, $0x10;
	[tilespmem:s19+$0x10] =	vst v4;
	(pc) =	sbr.rel @p0 .LBB2_2-.Ltmp0, $4  }
0x4d: {  	v3 =	vld [tilespmem:s16+$0x0];
	v7 =	vshll.u32 v11, $0x10;
	[tilespmem:s20+$0x10] =	vst v1  }
0x4e: {  	v4 =	vld [tilespmem:s16+$0x10];
	v5 =	vshll.u32 v14, $0x10;
	[tilespmem:s19+$0x20] =	vst v9;
	s19 =	smov.u32 s17  }
0x4f: {  	v12 =	vor.u32 v15, v13;
	v9 =	vld [tilespmem:s16+$0x20];
	[tilespmem:s20+$0x20] =	vst v1;
	s20 =	smov.u32 s18  }
0x50: {  	s22 =	sadd.s32 $0x80, s22;
	v11 =	vld [tilespmem:s16+$0xFFFFFFC0];
	[tilespmem:s17+$0xFFFFFFD0] =	vst v12;
	v12 =	vor.u32 v17, v16  }
0x51: {  	[tilespmem:s18+$0xFFFFFFD0] =	vst v1  }
0x52: {  	[tilespmem:s17+$0xFFFFFFE0] =	vst v12  }
0x53: {  	v6 =	vor.u32 v6, v10;
	[tilespmem:s18+$0xFFFFFFE0] =	vst v1  }
0x54: {  	[tilespmem:s17+$0xFFFFFFF0] =	vst v6  }
0x55: {  	[tilespmem:s18+$0xFFFFFFF0] =	vst v1;
	v2 =	vor.u32 v11, v2  }
0x56: {  	[tilespmem:s17+$0xFFFFFFC0] =	vst v2  }
0x57: {  	v2 =	vor.u32 v3, v8;
	[tilespmem:s18+$0xFFFFFFC0] =	vst v1  }
0x58: {  	[tilespmem:s19+$0x0] =	vst v2  }
0x59: {  	v2 =	vor.u32 v4, v7;
	[tilespmem:s20+$0x0] =	vst v1  }
0x5a: {  	[tilespmem:s19+$0x10] =	vst v2  }
0x5b: {  	v2 =	vor.u32 v9, v5;
	[tilespmem:s20+$0x10] =	vst v1  }
0x5c: {  	[tilespmem:s19+$0x20] =	vst v2  }
0x5d: {  	[tilespmem:s20+$0x20] =	vst v1  }
0x5e: {  	v2 =	vld [tilespmem:$0x4E80]  }
0x5f: {  	v3 =	vld [tilespmem:$0x2700];
	_ =	sdelay $0x3  }
0x60: {  	v2 =	vshll.u32 v2, $0x10  }
0x61: {  	[tilespmem:$0x9D80] =	vst v1;
	v2 =	vor.u32 v3, v2  }
0x62: {  	s16 =	simm.s32 $0x0;
	s18 =	rddreg [dreg:$0x1];
	[tilespmem:$0x7600] =	vst v2  }
0x63: {  	[tilespmem:s5], [sflag:$0x1] =	stream.linear.gather [hbm4b:s18+s16], $0x2710, $0x38;
	[tilespmem:$0x19400] =	vst v63  }
0x64: {  	s19 =	rddreg [dreg:$0x8]  }
0x65: {  	[tilespmem:s6], [sflag:$0x1] =	stream.linear.gather [hbm4b:s19+s16], $0x2710, $0x38;
	[tilespmem:$0x19400] =	vst v63  }
0x66: {  	_ = 	snop  }
0x67: {  	[tilespmem:s7], [sflag:$0x1] =	stream.linear.gather [hbm4b:s10+s16], $0x2710, $0x38;
	[tilespmem:$0x19400] =	vst v63  }
0x68: {  	s20 =	rddreg [dreg:$0x9]  }
0x69: {  	[tilespmem:s8], [sflag:$0x2] =	stream.linear.gather [hbm4b:s20+s16], $0x2710, $0x38;
	[tilespmem:$0x19400] =	vst v63  }
0x6a: {  	s21 =	rddreg [dreg:$0xa]  }
0x6b: {  	[tilespmem:s9], [sflag:$0x2] =	stream.linear.gather [hbm4b:s21+s16], $0x2710, $0x38;
	[tilespmem:$0x19400] =	vst v63  }
0x6c: {  	s22 =	rddreg [dreg:$0xb]  }
0x6d: {  	[tilespmem:s11], [sflag:$0x2] =	stream.linear.gather [hbm4b:s22+s16], $0x2710, $0x38;
	[tilespmem:$0x19400] =	vst v63  }
0x6e: {  	_ =	swait.ge [sflag:s12], $0x2710  }
0x6f: {  	[sflag:s12] =	ssyncset.done $0x0  }
0x70: {  	[sflag:s12] =	ssyncadd.s32 $0xFFFFD8F0  }
0x71: {  	_ =	swait.ge [sflag:s12], $0x2710  }
0x72: {  	[sflag:s12] =	ssyncset.done $0x0  }
0x73: {  	[sflag:s12] =	ssyncadd.s32 $0xFFFFD8F0  }
0x74: {  	_ =	swait.ge [sflag:s12], $0x2710  }
0x75: {  	[sflag:s12] =	ssyncset.done $0x0  }
0x76: {  	s16 =	simm.s32 $0x0;
	[sflag:s12] =	ssyncadd.s32 $0xFFFFD8F0  }
0x77: {  	v15 =	vld [tilespmem:s16+$0x13C00]  }
0x78: {  	v1 =	vld [tilespmem:s16+$0x13C70]  }
0x79: {  	v3 =	vld [tilespmem:s16+$0x13C60]  }
0x7a: {  	v2 =	vld [tilespmem:s16+$0x13C30]  }
0x7b: {  	v4 =	vld [tilespmem:s16+$0x4F60]  }
0x7c: {  	v5 =	vld [tilespmem:s16+$0x4F50]  }
0x7d: {  	v6 =	vld [tilespmem:s16+$0x4F70]  }
0x7e: {  	v7 =	vld [tilespmem:s16+$0x4F20]  }
0x7f: {  	v8 =	vld [tilespmem:s16+$0x4F00]  }
0x80: {  	v9 =	vld [tilespmem:s16+$0x4F10]  }
0x81: {  	v11 =	vld [tilespmem:s16+$0x4F40]  }
0x82: {  	v13 =	vld [tilespmem:s16+$0x13C10];
	v10 =	vshrl.u32 v4, $0x10  }
0x83: {  	v12 =	vld [tilespmem:s16+$0x13C40];
	v4 =	vand.u32 $0xFFFF, v4  }
0x84: {  	v17 =	vld [tilespmem:s16+$0x13C20];
	v14 =	vshrl.u32 v5, $0x10  }
0x85: {  	v19 =	vld [tilespmem:s16+$0x4F30];
	v16 =	vand.u32 $0xFFFF, v6  }
0x86: {  	v29 =	vld [tilespmem:s16+$0x13C50];
	v6 =	vshrl.u32 v6, $0x10  }
0x87: {  	v20 =	vand.u32 $0xFFFF, v9;
	v18 =	vld.idx.msk [tilespmem:v10+s6+$0x0], $0xffff  }
0x88: {  	v22 =	vand.u32 $0xFFFF, v5;
	v21 =	vld.idx.msk [tilespmem:v4+s5+$0x0], $0xffff  }
0x89: {  	v0 =	vbroadcast v0, $0x0;
	v23 =	vshrl.u32 v11, $0x10;
	v10 =	vld.idx.msk [tilespmem:v14+s6+$0x0], $0xffff  }
0x8a: {  	v25 =	vshrl.u32 v9, $0x10;
	v9 =	vshrl.u32 v7, $0x10;
	v28 =	vand.u32 $0xFFFF, v7;
	v30 =	vld.idx.msk [tilespmem:v16+s5+$0x0], $0xffff  }
0x8b: {  	v31 =	vshrl.u32 v8, $0x10;
	v26 =	vand.u32 $0xFFFF, v8;
	v33 =	vand.u32 $0xFFFF, v11;
	v6 =	vld.idx.msk [tilespmem:v6+s6+$0x0], $0xffff  }
0x8c: {  	v7 =	vshll.u32 v17, $0x10;
	v34 =	vshll.u32 v13, $0x10;
	v27 =	vshrl.u32 v19, $0x10;
	v32 =	vld.idx.msk [tilespmem:v20+s5+$0x0], $0xffff  }
0x8d: {  	v5 =	vand.u32 v0, v12;
	v11 =	vand.u32 v0, v15;
	v14 =	vand.u32 $0xFFFF, v19;
	v22 =	vld.idx.msk [tilespmem:v22+s5+$0x0], $0xffff  }
0x8e: {  	v37 =	vand.u32 v0, v2;
	v8 =	vand.u32 v0, v3;
	v13 =	vand.u32 v0, v13;
	v35 =	vld.idx.msk [tilespmem:v23+s6+$0x0], $0xffff  }
0x8f: {  	v24 =	vand.u32 v0, v17;
	v4 =	vshll.u32 v12, $0x10;
	v12 =	vshll.u32 v29, $0x10;
	v38 =	vld.idx.msk [tilespmem:v9+s6+$0x0], $0xffff  }
0x90: {  	v9 =	vand.u32 v0, v1;
	v41 =	vld.idx.msk [tilespmem:v25+s6+$0x0], $0xffff;
	v36 =	vand.u32 v10, v0;
	v16 =	vand.u32 v18, v0  }
0x91: {  	v20 =	vshll.u32 v21, $0x10;
	v39 =	vshll.u32 v6, $0x10;
	v19 =	vand.u32 v21, v0;
	v21 =	vld.idx.msk [tilespmem:v27+s6+$0x0], $0xffff  }
0x92: {  	v40 =	vld.idx.msk [tilespmem:v14+s5+$0x0], $0xffff;
	v23 =	vshll.u32 v18, $0x10;
	v6 =	vand.u32 v6, v0;
	v14 =	vshll.u32 v1, $0x10  }
0x93: {  	v1 =	vand.u32 v30, v0;
	v18 =	vand.u32 v22, v0;
	v27 =	vshll.u32 v22, $0x10  }
0x94: {  	v30 =	vshll.u32 v30, $0x10;
	v22 =	vshll.u32 v35, $0x10;
	v17 =	vadd.f32 v6, v1;
	v6 =	vld.idx.msk [tilespmem:v28+s5+$0x0], $0xffff  }
0x95: {  	v42 =	vshll.u32 v32, $0x10;
	v60 =	vand.u32 v32, v0;
	v32 =	vshll.u32 v2, $0x10  }
0x96: {  	v44 =	vshll.u32 v38, $0x10;
	v2 =	vand.u32 v41, v0;
	v62 =	vand.u32 v21, v0  }
0x97: {  	v26 =	vld.idx.msk [tilespmem:v26+s5+$0x0], $0xffff;
	v43 =	vshll.u32 v21, $0x10;
	v21 =	vand.u32 v0, v29;
	v29 =	vshll.u32 v41, $0x10  }
0x98: {  	v28 =	vand.u32 v35, v0;
	v63 =	vadd.f32 v2, v60;
	v42 =	vadd.f32 v29, v42  }
0x99: {  	v25 =	vadd.f32 v36, v18;
	v61 =	vand.u32 v40, v0;
	v35 =	vand.u32 v6, v0;
	v29 =	vld.idx.msk [tilespmem:v33+s5+$0x0], $0xffff  }
0x9a: {  	v45 =	vshll.u32 v6, $0x10;
	v6 =	vadd.f32 v13, v63;
	v13 =	vadd.f32 v34, v42;
	v34 =	vld.idx.msk [tilespmem:v31+s6+$0x0], $0xffff  }
0x9b: {  	v18 =	vadd.f32 v39, v30;
	v40 =	vshll.u32 v40, $0x10;
	v39 =	vadd.f32 v62, v61  }
0x9c: {  	v38 =	vand.u32 v38, v0;
	v30 =	vand.u32 v26, v0;
	v1 =	vld [tilespmem:$0x18B00];
	v36 =	vadd.f32 v43, v40  }
0x9d: {  	s17 =	simm.s32 $0x0;
	s18 =	simm.s32 $0x200;
	v2 =	vld [tilespmem:$0x18F00];
	v33 =	vadd.f32 v44, v45;
	v31 =	vshll.u32 v15, $0x10;
	v37 =	vadd.f32 v37, v39  }
.LBB2_4:
0x9e: {  	s19 =	sshra.s32 s18, $0x2;
	s17 =	sadd.s32 $0x8, s17;
	v35 =	vadd.f32 v38, v35;
	v32 =	vadd.f32 v32, v36;
	v36 =	vand.u32 v29, v0  }
0x9f: {  	v38 =	vshll.u32 v34, $0x10;
	v39 =	vadd.f32 v21, v25;
	v15 =	vld [tilespmem:s19+$0x13C00];
	p0 =	slt.u32 s17, $0x268;
	v37 =	vmax.f32 v37, $0.0e+00  }
0xa0: {  	v21 =	vshll.u32 v26, $0x10;
	v26 =	vand.u32 v34, v0;
	v28 =	vadd.f32 v28, v36;
	v25 =	vld [tilespmem:s19+$0x13C70]  }
0xa1: {  	v36 =	vadd.f32 v38, v21;
	v24 =	vadd.f32 v24, v35;
	v32 =	vmax.f32 v32, $0.0e+00;
	v34 =	vld [tilespmem:s19+$0x13C60]  }
0xa2: {  	v10 =	vshll.u32 v10, $0x10;
	v26 =	vadd.f32 v26, v30;
	v30 =	vmul.f32 v37, v1;
	v21 =	vld [tilespmem:s19+$0x13C30]  }
0xa3: {  	v3 =	vshll.u32 v3, $0x10;
	v20 =	vadd.f32 v23, v20;
	v7 =	vadd.f32 v7, v33;
	v35 =	vld [tilespmem:s19+$0x4F60]  }
0xa4: {  	v10 =	vadd.f32 v10, v27;
	v31 =	vadd.f32 v31, v36;
	v24 =	vmax.f32 v24, $0.0e+00;
	v23 =	vld [tilespmem:s19+$0x4F50]  }
0xa5: {  	v29 =	vshll.u32 v29, $0x10;
	v16 =	vadd.f32 v16, v19;
	v7 =	vmax.f32 v7, $0.0e+00;
	v27 =	vld [tilespmem:s19+$0x4F70]  }
0xa6: {  	v33 =	vmul.f32 v7, v2;
	v7 =	vadd.f32 v12, v10;
	v10 =	vadd.f32 v3, v20;
	v19 =	vld [tilespmem:s19+$0x4F20];
	v3 =	vmovc v34  }
0xa7: {  	v22 =	vadd.f32 v22, v29;
	v11 =	vadd.f32 v11, v26;
	v20 =	vmax.f32 v31, $0.0e+00;
	v12 =	vld [tilespmem:s19+$0x4F00]  }
0xa8: {  	v7 =	vmax.f32 v7, $0.0e+00;
	v26 =	vld [tilespmem:s19+$0x4F10];
	v29 =	vshrl.u32 v35, $0x10;
	v31 =	vand.u32 $0xFFFF, v35  }
0xa9: {  	v36 =	vmul.f32 v7, v2;
	v34 =	vld [tilespmem:s19+$0x4F40];
	v35 =	vshrl.u32 v23, $0x10;
	v23 =	vand.u32 $0xFFFF, v23  }
0xaa: {  	v8 =	vadd.f32 v8, v16;
	v37 =	vld [tilespmem:s19+$0x13C10];
	v38 =	vshrl.u32 v27, $0x10;
	v7 =	vand.u32 $0xFFFF, v27  }
0xab: {  	v9 =	vadd.f32 v9, v17;
	v4 =	vadd.f32 v4, v22;
	v27 =	vmul.f32 v32, v2;
	v16 =	vld [tilespmem:s19+$0x13C40]  }
0xac: {  	v5 =	vadd.f32 v5, v28;
	v22 =	vmax.f32 v39, $0.0e+00;
	v10 =	vmax.f32 v10, $0.0e+00;
	v17 =	vld [tilespmem:s19+$0x13C20]  }
0xad: {  	v14 =	vadd.f32 v14, v18;
	v28 =	vshrl.u32 v26, $0x10;
	v26 =	vand.u32 $0xFFFF, v26;
	v29 =	vld.idx.msk [tilespmem:v29+s6+$0x0], $0xffff  }
0xae: {  	v18 =	vshrl.u32 v19, $0x10;
	v32 =	vand.u32 $0xFFFF, v19;
	v19 =	vshrl.u32 v34, $0x10;
	v31 =	vld.idx.msk [tilespmem:v31+s5+$0x0], $0xffff  }
0xaf: {  	v22 =	vmul.f32 v22, v1;
	v8 =	vmax.f32 v8, $0.0e+00;
	v39 =	vshrl.u32 v12, $0x10  }
0xb0: {  	v8 =	vmul.f32 v8, v1;
	v40 =	vand.u32 $0xFFFF, v12;
	v34 =	vand.u32 $0xFFFF, v34;
	v41 =	vld.idx.msk [tilespmem:v7+s5+$0x0], $0xffff  }
0xb1: {  	v43 =	vmul.f32 v10, v2;
	v12 =	vmax.f32 v4, $0.0e+00;
	v7 =	vshll.u32 v17, $0x10;
	v42 =	vld [tilespmem:s19+$0x4F30]  }
0xb2: {  	v36 =	vadd.f32 v36, v22;
	v45 =	vmul.f32 v12, v2;
	v4 =	vshll.u32 v16, $0x10;
	v44 =	vld [tilespmem:s19+$0x13C50]  }
0xb3: {  	v8 =	vadd.f32 v43, v8;
	v12 =	vmax.f32 v5, $0.0e+00;
	v46 =	vshll.u32 v37, $0x10;
	v10 =	vld.idx.msk [tilespmem:v35+s6+$0x0], $0xffff  }
0xb4: {  	v11 =	vmax.f32 v11, $0.0e+00;
	v5 =	vand.u32 v0, v16;
	v16 =	vmul.f32 v20, v2;
	v22 =	vld.idx.msk [tilespmem:v38+s6+$0x0], $0xffff  }
0xb5: {  	v11 =	vmul.f32 v11, v1;
	v20 =	vadd.f32 v27, v30;
	v27 =	vmul.f32 v12, v1;
	v35 =	vld.idx.msk [tilespmem:v26+s5+$0x0], $0xffff  }
0xb6: {  	v14 =	vmax.f32 v14, $0.0e+00;
	v24 =	vmul.f32 v24, v1;
	[tilespmem:s16+$0x76E0] =	vst.add.f32.msk $0xffff, v8  }
0xb7: {  	v30 =	vadd.f32 v16, v11;
	v38 =	vmax.f32 v9, $0.0e+00;
	v12 =	vshll.u32 v44, $0x10;
	[tilespmem:s16+$0x76B0] =	vst.add.f32.msk $0xffff, v20  }
0xb8: {  	v33 =	vadd.f32 v33, v24;
	v11 =	vand.u32 v0, v15;
	v43 =	vand.u32 $0xFFFF, v42;
	v47 =	vld.idx.msk [tilespmem:v19+s6+$0x0], $0xffff  }
0xb9: {  	v49 =	vand.u32 v10, v0;
	v48 =	vld.idx.msk [tilespmem:v18+s6+$0x0], $0xffff;
	v18 =	vshrl.u32 v42, $0x10;
	v42 =	vand.u32 v0, v21  }
0xba: {  	v8 =	vand.u32 v0, v3;
	v19 =	vadd.f32 v45, v27;
	v26 =	vld.idx.msk [tilespmem:v40+s5+$0x0], $0xffff  }
0xbb: {  	v16 =	vand.u32 v29, v0;
	v9 =	vand.u32 v0, v25;
	v40 =	vmul.f32 v14, v2;
	v27 =	vld.idx.msk [tilespmem:v23+s5+$0x0], $0xffff  }
0xbc: {  	v13 =	vmax.f32 v13, $0.0e+00;
	v37 =	vand.u32 v0, v37;
	v20 =	vshll.u32 v31, $0x10;
	[tilespmem:s16+$0x76C0] =	vst.add.f32.msk $0xffff, v19  }
0xbd: {  	v13 =	vmul.f32 v13, v2;
	v24 =	vand.u32 v0, v17;
	v45 =	vshll.u32 v22, $0x10;
	[tilespmem:s16+$0x7680] =	vst.add.f32.msk $0xffff, v30  }
0xbe: {  	v17 =	vmul.f32 v38, v1;
	v23 =	vshll.u32 v29, $0x10;
	v19 =	vand.u32 v31, v0;
	v43 =	vld.idx.msk [tilespmem:v43+s5+$0x0], $0xffff  }
0xbf: {  	v6 =	vmax.f32 v6, $0.0e+00;
	v14 =	vshll.u32 v25, $0x10;
	v29 =	vld.idx.msk [tilespmem:v18+s6+$0x0], $0xffff;
	v18 =	vand.u32 v22, v0  }
0xc0: {  	v6 =	vmul.f32 v6, v1;
	v25 =	vand.u32 v41, v0;
	v30 =	vadd.f32 v40, v17;
	v31 =	vld.idx.msk [tilespmem:v28+s6+$0x0], $0xffff  }
0xc1: {  	v40 =	vshll.u32 v41, $0x10;
	v38 =	vld.idx.msk [tilespmem:v32+s5+$0x0], $0xffff;
	v32 =	vand.u32 v27, v0;
	v27 =	vshll.u32 v27, $0x10  }
0xc2: {  	v6 =	vadd.f32 v13, v6;
	v22 =	vshll.u32 v47, $0x10;
	v17 =	vadd.f32 v18, v25;
	[tilespmem:s16+$0x76D0] =	vst.add.f32.msk $0xffff, v36  }
0xc3: {  	v13 =	vshll.u32 v35, $0x10;
	v28 =	vand.u32 v47, v0;
	v25 =	vadd.f32 v49, v32;
	[tilespmem:s16+$0x76A0] =	vst.add.f32.msk $0xffff, v33  }
0xc4: {  	v18 =	vadd.f32 v45, v40;
	v33 =	vand.u32 v35, v0;
	v36 =	vand.u32 v43, v0;
	[tilespmem:s16+$0x7690] =	vst.add.f32.msk $0xffff, v6  }
0xc5: {  	v32 =	vshll.u32 v21, $0x10;
	v6 =	vand.u32 v29, v0;
	v40 =	vshll.u32 v29, $0x10;
	[tilespmem:s16+$0x76F0] =	vst.add.f32.msk $0xffff, v30;
	s16 =	smov.u32 s19  }
0xc6: {  	v41 =	vshll.u32 v48, $0x10;
	v21 =	vand.u32 v0, v44;
	v30 =	vand.u32 v26, v0;
	v29 =	vld.idx.msk [tilespmem:v34+s5+$0x0], $0xffff  }
.Ltmp1:
0xc7: {  	v35 =	vand.u32 v31, v0;
	v31 =	vshll.u32 v31, $0x10;
	v34 =	vld.idx.msk [tilespmem:v39+s6+$0x0], $0xffff;
	v39 =	vshll.u32 v43, $0x10;
	(pc) =	sbr.rel @p0 .LBB2_4-.Ltmp1, $4  }
0xc8: {  	v33 =	vadd.f32 v35, v33;
	v13 =	vadd.f32 v31, v13;
	v35 =	vand.u32 v38, v0  }
0xc9: {  	v44 =	vadd.f32 v6, v36;
	v43 =	vshll.u32 v38, $0x10;
	v36 =	vadd.f32 v40, v39  }
0xca: {  	v38 =	vand.u32 v48, v0;
	v6 =	vadd.f32 v37, v33;
	v13 =	vadd.f32 v46, v13  }
0xcb: {  	s18 =	sadd.s32 $0x200, s18;
	v31 =	vshll.u32 v15, $0x10;
	v33 =	vadd.f32 v41, v43;
	v37 =	vadd.f32 v42, v44  }
0xcc: {  	v15 =	vadd.f32 v38, v35;
	v32 =	vadd.f32 v32, v36;
	v51 =	vand.u32 v29, v0  }
0xcd: {  	v52 =	vshll.u32 v34, $0x10;
	v21 =	vadd.f32 v21, v25;
	v25 =	vshll.u32 v26, $0x10  }
0xce: {  	v26 =	vand.u32 v34, v0;
	v10 =	vshll.u32 v10, $0x10;
	v20 =	vadd.f32 v23, v20  }
0xcf: {  	v3 =	vshll.u32 v3, $0x10;
	v9 =	vadd.f32 v9, v17;
	v14 =	vadd.f32 v14, v18  }
0xd0: {  	v6 =	vmax.f32 v6, $0.0e+00;
	v28 =	vadd.f32 v28, v51;
	v25 =	vadd.f32 v52, v25  }
0xd1: {  	v37 =	vmax.f32 v37, $0.0e+00;
	v26 =	vadd.f32 v26, v30;
	v7 =	vadd.f32 v7, v33  }
0xd2: {  	v10 =	vadd.f32 v10, v27;
	v6 =	vmul.f32 v6, v1;
	v15 =	vadd.f32 v24, v15  }
0xd3: {  	v24 =	vmax.f32 v32, $0.0e+00;
	v30 =	vmul.f32 v37, v1;
	v3 =	vadd.f32 v3, v20  }
0xd4: {  	v9 =	vmax.f32 v9, $0.0e+00;
	v23 =	vadd.f32 v31, v25;
	v7 =	vmax.f32 v7, $0.0e+00  }
0xd5: {  	v25 =	vshll.u32 v29, $0x10;
	v10 =	vadd.f32 v12, v10;
	v12 =	vadd.f32 v16, v19  }
0xd6: {  	v11 =	vadd.f32 v11, v26;
	v5 =	vadd.f32 v5, v28;
	v15 =	vmax.f32 v15, $0.0e+00  }
0xd7: {  	v7 =	vmul.f32 v7, v2;
	v16 =	vadd.f32 v22, v25;
	v8 =	vadd.f32 v8, v12  }
0xd8: {  	v3 =	vmax.f32 v3, $0.0e+00;
	v19 =	vmax.f32 v23, $0.0e+00;
	v12 =	vmul.f32 v24, v2  }
0xd9: {  	v3 =	vmul.f32 v3, v2;
	v4 =	vadd.f32 v4, v16;
	v8 =	vmax.f32 v8, $0.0e+00  }
0xda: {  	v5 =	vmax.f32 v5, $0.0e+00;
	v15 =	vmul.f32 v15, v1;
	v8 =	vmul.f32 v8, v1  }
0xdb: {  	v5 =	vmul.f32 v5, v1;
	v12 =	vadd.f32 v12, v30;
	v4 =	vmax.f32 v4, $0.0e+00  }
0xdc: {  	v4 =	vmul.f32 v4, v2;
	v3 =	vadd.f32 v3, v8;
	v8 =	vmax.f32 v11, $0.0e+00  }
0xdd: {  	v10 =	vmax.f32 v10, $0.0e+00;
	v11 =	vmul.f32 v19, v2;
	v8 =	vmul.f32 v8, v1  }
0xde: {  	v10 =	vmul.f32 v10, v2;
	v16 =	vmax.f32 v21, $0.0e+00;
	[tilespmem:s16+$0x76B0] =	vst.add.f32.msk $0xffff, v12;
	v4 =	vadd.f32 v4, v5  }
0xdf: {  	v16 =	vmul.f32 v16, v1;
	[tilespmem:s16+$0x76E0] =	vst.add.f32.msk $0xffff, v3;
	v5 =	vadd.f32 v11, v8;
	v8 =	vmax.f32 v13, $0.0e+00  }
0xe0: {  	v7 =	vadd.f32 v7, v15;
	v3 =	vmax.f32 v14, $0.0e+00;
	[tilespmem:s16+$0x76C0] =	vst.add.f32.msk $0xffff, v4;
	v4 =	vmul.f32 v8, v2  }
0xe1: {  	v10 =	vadd.f32 v10, v16;
	v3 =	vmul.f32 v3, v2;
	[tilespmem:s16+$0x7680] =	vst.add.f32.msk $0xffff, v5;
	v5 =	vmul.f32 v9, v1  }
0xe2: {  	[tilespmem:s16+$0x76A0] =	vst.add.f32.msk $0xffff, v7;
	v4 =	vadd.f32 v4, v6  }
0xe3: {  	[tilespmem:s16+$0x76D0] =	vst.add.f32.msk $0xffff, v10;
	v3 =	vadd.f32 v3, v5  }
0xe4: {  	[tilespmem:s16+$0x7690] =	vst.add.f32.msk $0xffff, v4  }
0xe5: {  	[tilespmem:s16+$0x76F0] =	vst.add.f32.msk $0xffff, v3  }
0xe6: {  	v3 =	vld [tilespmem:$0x7600];
	_ =	sdelay $0x4  }
0xe7: {  	v4 =	vand.u32 $0xFFFF, v3  }
0xe8: {  	v3 =	vshrl.u32 v3, $0x10;
	_ =	sdelay $0x3  }
0xe9: {  	v4 =	vld.idx.msk [tilespmem:v4+s5+$0x0], $0xffff  }
0xea: {  	v3 =	vld.idx.msk [tilespmem:v3+s6+$0x0], $0xffff;
	_ =	sdelay $0x1  }
0xeb: {  	v5 =	vld [tilespmem:$0x16300];
	_ =	sdelay $0x1  }
0xec: {  	v6 =	vand.u32 v4, v0  }
0xed: {  	v4 =	vshll.u32 v4, $0x10;
	v7 =	vand.u32 v3, v0;
	v3 =	vshll.u32 v3, $0x10  }
0xee: {  	v6 =	vadd.f32 v7, v6;
	v3 =	vadd.f32 v3, v4  }
0xef: {  	v4 =	vand.u32 v0, v5;
	v5 =	vshll.u32 v5, $0x10  }
0xf0: {  	v4 =	vadd.f32 v4, v6;
	v3 =	vadd.f32 v5, v3;
	_ =	sdelay $0x1  }
0xf1: {  	v4 =	vmax.f32 v4, $0.0e+00;
	v3 =	vmax.f32 v3, $0.0e+00  }
0xf2: {  	v1 =	vmul.f32 v4, v1;
	v2 =	vmul.f32 v3, v2;
	_ =	sdelay $0x1  }
0xf3: {  	v1 =	vadd.f32 v2, v1;
	_ =	sdelay $0x1  }
0xf4: {  	s20 =	simm.s32 $0x0;
	s17 =	rddreg [dreg:$0xc];
	[tilespmem:s13+$0x0] =	vst.add.f32.msk $0xffff, v1  }
0xf5: {  	[tilespmem:s5], [sflag:$0x1] =	stream.linear.gather [hbm4b:s17+s20], $0x2710, $0x38;
	[tilespmem:$0x19400] =	vst v63  }
0xf6: {  	s21 =	rddreg [dreg:$0xd]  }
0xf7: {  	[tilespmem:s6], [sflag:$0x1] =	stream.linear.gather [hbm4b:s21+s20], $0x2710, $0x38;
	[tilespmem:$0x19400] =	vst v63  }
0xf8: {  	s22 =	rddreg [dreg:$0xe]  }
0xf9: {  	[tilespmem:s7], [sflag:$0x1] =	stream.linear.gather [hbm4b:s22+s20], $0x2710, $0x38;
	[tilespmem:$0x19400] =	vst v63  }
0xfa: {  	_ =	swait.ge [sflag:s14], $0x2710  }
0xfb: {  	[sflag:s14] =	ssyncset.done $0x0  }
0xfc: {  	[sflag:s14] =	ssyncadd.s32 $0xFFFFD8F0  }
0xfd: {  	_ =	swait.ge [sflag:s14], $0x2710  }
0xfe: {  	[sflag:s14] =	ssyncset.done $0x0  }
0xff: {  	[sflag:s14] =	ssyncadd.s32 $0xFFFFD8F0  }
0x100: {  	_ =	swait.ge [sflag:s14], $0x2710  }
0x101: {  	[sflag:s14] =	ssyncset.done $0x0  }
0x102: {  	s16 =	simm.s32 $0x0;
	[sflag:s14] =	ssyncadd.s32 $0xFFFFD8F0  }
0x103: {  	v15 =	vld [tilespmem:s16+$0x16380]  }
0x104: {  	v1 =	vld [tilespmem:s16+$0x163F0]  }
0x105: {  	v3 =	vld [tilespmem:s16+$0x163E0]  }
0x106: {  	v2 =	vld [tilespmem:s16+$0x163B0]  }
0x107: {  	v4 =	vld [tilespmem:s16+$0x4F60]  }
0x108: {  	v5 =	vld [tilespmem:s16+$0x4F50]  }
0x109: {  	v6 =	vld [tilespmem:s16+$0x4F70]  }
0x10a: {  	v7 =	vld [tilespmem:s16+$0x4F20]  }
0x10b: {  	v8 =	vld [tilespmem:s16+$0x4F00]  }
0x10c: {  	v9 =	vld [tilespmem:s16+$0x4F10]  }
0x10d: {  	v11 =	vld [tilespmem:s16+$0x4F40]  }
0x10e: {  	v13 =	vld [tilespmem:s16+$0x16390];
	v10 =	vshrl.u32 v4, $0x10  }
0x10f: {  	v12 =	vld [tilespmem:s16+$0x163C0];
	v4 =	vand.u32 $0xFFFF, v4  }
0x110: {  	v17 =	vld [tilespmem:s16+$0x163A0];
	v14 =	vshrl.u32 v5, $0x10  }
0x111: {  	v19 =	vld [tilespmem:s16+$0x4F30];
	v16 =	vand.u32 $0xFFFF, v6  }
0x112: {  	v29 =	vld [tilespmem:s16+$0x163D0];
	v6 =	vshrl.u32 v6, $0x10  }
0x113: {  	v20 =	vand.u32 $0xFFFF, v9;
	v18 =	vld.idx.msk [tilespmem:v10+s9+$0x0], $0xffff  }
0x114: {  	v22 =	vand.u32 $0xFFFF, v5;
	v21 =	vld.idx.msk [tilespmem:v4+s8+$0x0], $0xffff  }
0x115: {  	v23 =	vshrl.u32 v11, $0x10;
	v10 =	vld.idx.msk [tilespmem:v14+s9+$0x0], $0xffff  }
0x116: {  	v25 =	vshrl.u32 v9, $0x10;
	v9 =	vshrl.u32 v7, $0x10;
	v28 =	vand.u32 $0xFFFF, v7;
	v30 =	vld.idx.msk [tilespmem:v16+s8+$0x0], $0xffff  }
0x117: {  	v31 =	vshrl.u32 v8, $0x10;
	v26 =	vand.u32 $0xFFFF, v8;
	v53 =	vand.u32 $0xFFFF, v11;
	v6 =	vld.idx.msk [tilespmem:v6+s9+$0x0], $0xffff  }
0x118: {  	v7 =	vshll.u32 v17, $0x10;
	v54 =	vshll.u32 v13, $0x10;
	v5 =	vand.u32 v0, v12;
	v55 =	vld.idx.msk [tilespmem:v20+s8+$0x0], $0xffff  }
0x119: {  	v27 =	vshrl.u32 v19, $0x10;
	v11 =	vand.u32 v0, v15;
	v56 =	vand.u32 v0, v2;
	v22 =	vld.idx.msk [tilespmem:v22+s8+$0x0], $0xffff  }
0x11a: {  	v8 =	vand.u32 v0, v3;
	v13 =	vand.u32 v0, v13;
	v14 =	vand.u32 $0xFFFF, v19;
	v57 =	vld.idx.msk [tilespmem:v23+s9+$0x0], $0xffff  }
0x11b: {  	v24 =	vand.u32 v0, v17;
	v32 =	vshll.u32 v2, $0x10;
	v4 =	vshll.u32 v12, $0x10;
	v59 =	vld.idx.msk [tilespmem:v9+s9+$0x0], $0xffff  }
0x11c: {  	v12 =	vshll.u32 v29, $0x10;
	v9 =	vand.u32 v0, v1;
	v34 =	vld.idx.msk [tilespmem:v31+s9+$0x0], $0xffff;
	v31 =	vshll.u32 v15, $0x10  }
0x11d: {  	v41 =	vld.idx.msk [tilespmem:v25+s9+$0x0], $0xffff;
	v58 =	vand.u32 v10, v0;
	v16 =	vand.u32 v18, v0;
	v20 =	vshll.u32 v21, $0x10  }
0x11e: {  	v39 =	vshll.u32 v6, $0x10;
	v19 =	vand.u32 v21, v0;
	v23 =	vshll.u32 v18, $0x10;
	v21 =	vld.idx.msk [tilespmem:v27+s9+$0x0], $0xffff  }
0x11f: {  	v40 =	vld.idx.msk [tilespmem:v14+s8+$0x0], $0xffff;
	v6 =	vand.u32 v6, v0;
	v14 =	vshll.u32 v1, $0x10;
	v1 =	vand.u32 v30, v0  }
0x120: {  	v18 =	vand.u32 v22, v0;
	v27 =	vshll.u32 v22, $0x10;
	v30 =	vshll.u32 v30, $0x10  }
0x121: {  	v22 =	vshll.u32 v57, $0x10;
	v42 =	vshll.u32 v55, $0x10;
	v60 =	vand.u32 v55, v0  }
0x122: {  	v44 =	vshll.u32 v59, $0x10;
	v2 =	vand.u32 v41, v0;
	v17 =	vadd.f32 v6, v1;
	v6 =	vld.idx.msk [tilespmem:v28+s8+$0x0], $0xffff  }
0x123: {  	v38 =	vand.u32 v59, v0;
	v25 =	vadd.f32 v58, v18;
	v62 =	vand.u32 v21, v0  }
0x124: {  	v26 =	vld.idx.msk [tilespmem:v26+s8+$0x0], $0xffff;
	v43 =	vshll.u32 v21, $0x10;
	v21 =	vand.u32 v0, v29;
	v29 =	vshll.u32 v41, $0x10  }
0x125: {  	v28 =	vand.u32 v57, v0;
	v18 =	vadd.f32 v39, v30;
	v42 =	vadd.f32 v29, v42;
	v29 =	vld.idx.msk [tilespmem:v53+s8+$0x0], $0xffff  }
0x126: {  	v63 =	vadd.f32 v2, v60;
	v61 =	vand.u32 v40, v0;
	v40 =	vshll.u32 v40, $0x10  }
0x127: {  	v45 =	vshll.u32 v6, $0x10;
	v39 =	vadd.f32 v62, v61;
	v36 =	vadd.f32 v43, v40  }
0x128: {  	v1 =	vld [tilespmem:$0x18B80];
	v35 =	vand.u32 v6, v0;
	v6 =	vadd.f32 v13, v63;
	v33 =	vadd.f32 v44, v45  }
0x129: {  	s18 =	simm.s32 $0x200;
	s17 =	simm.s32 $0x0;
	v30 =	vand.u32 v26, v0;
	v2 =	vld [tilespmem:$0x18F80];
	v13 =	vadd.f32 v54, v42;
	v37 =	vadd.f32 v56, v39  }
.LBB2_6:
0x12a: {  	s19 =	sshra.s32 s18, $0x2;
	s17 =	sadd.s32 $0x8, s17;
	v35 =	vadd.f32 v38, v35;
	v32 =	vadd.f32 v32, v36;
	v36 =	vand.u32 v29, v0  }
0x12b: {  	v38 =	vshll.u32 v34, $0x10;
	v39 =	vadd.f32 v21, v25;
	v15 =	vld [tilespmem:s19+$0x16380];
	p0 =	slt.u32 s17, $0x268;
	v37 =	vmax.f32 v37, $0.0e+00  }
0x12c: {  	v21 =	vshll.u32 v26, $0x10;
	v26 =	vand.u32 v34, v0;
	v28 =	vadd.f32 v28, v36;
	v25 =	vld [tilespmem:s19+$0x163F0]  }
0x12d: {  	v36 =	vadd.f32 v38, v21;
	v24 =	vadd.f32 v24, v35;
	v32 =	vmax.f32 v32, $0.0e+00;
	v34 =	vld [tilespmem:s19+$0x163E0]  }
0x12e: {  	v10 =	vshll.u32 v10, $0x10;
	v26 =	vadd.f32 v26, v30;
	v30 =	vmul.f32 v37, v1;
	v21 =	vld [tilespmem:s19+$0x163B0]  }
0x12f: {  	v3 =	vshll.u32 v3, $0x10;
	v20 =	vadd.f32 v23, v20;
	v7 =	vadd.f32 v7, v33;
	v35 =	vld [tilespmem:s19+$0x4F60]  }
0x130: {  	v10 =	vadd.f32 v10, v27;
	v31 =	vadd.f32 v31, v36;
	v24 =	vmax.f32 v24, $0.0e+00;
	v23 =	vld [tilespmem:s19+$0x4F50]  }
0x131: {  	v29 =	vshll.u32 v29, $0x10;
	v16 =	vadd.f32 v16, v19;
	v7 =	vmax.f32 v7, $0.0e+00;
	v27 =	vld [tilespmem:s19+$0x4F70]  }
0x132: {  	v33 =	vmul.f32 v7, v2;
	v7 =	vadd.f32 v12, v10;
	v10 =	vadd.f32 v3, v20;
	v19 =	vld [tilespmem:s19+$0x4F20];
	v3 =	vmovc v34  }
0x133: {  	v22 =	vadd.f32 v22, v29;
	v11 =	vadd.f32 v11, v26;
	v20 =	vmax.f32 v31, $0.0e+00;
	v12 =	vld [tilespmem:s19+$0x4F00]  }
0x134: {  	v7 =	vmax.f32 v7, $0.0e+00;
	v26 =	vld [tilespmem:s19+$0x4F10];
	v29 =	vshrl.u32 v35, $0x10;
	v31 =	vand.u32 $0xFFFF, v35  }
0x135: {  	v36 =	vmul.f32 v7, v2;
	v34 =	vld [tilespmem:s19+$0x4F40];
	v35 =	vshrl.u32 v23, $0x10;
	v23 =	vand.u32 $0xFFFF, v23  }
0x136: {  	v8 =	vadd.f32 v8, v16;
	v37 =	vld [tilespmem:s19+$0x16390];
	v38 =	vshrl.u32 v27, $0x10;
	v7 =	vand.u32 $0xFFFF, v27  }
0x137: {  	v9 =	vadd.f32 v9, v17;
	v4 =	vadd.f32 v4, v22;
	v27 =	vmul.f32 v32, v2;
	v16 =	vld [tilespmem:s19+$0x163C0]  }
0x138: {  	v5 =	vadd.f32 v5, v28;
	v22 =	vmax.f32 v39, $0.0e+00;
	v10 =	vmax.f32 v10, $0.0e+00;
	v17 =	vld [tilespmem:s19+$0x163A0]  }
0x139: {  	v14 =	vadd.f32 v14, v18;
	v28 =	vshrl.u32 v26, $0x10;
	v26 =	vand.u32 $0xFFFF, v26;
	v29 =	vld.idx.msk [tilespmem:v29+s9+$0x0], $0xffff  }
0x13a: {  	v18 =	vshrl.u32 v19, $0x10;
	v32 =	vand.u32 $0xFFFF, v19;
	v19 =	vshrl.u32 v34, $0x10;
	v31 =	vld.idx.msk [tilespmem:v31+s8+$0x0], $0xffff  }
0x13b: {  	v22 =	vmul.f32 v22, v1;
	v8 =	vmax.f32 v8, $0.0e+00;
	v39 =	vshrl.u32 v12, $0x10  }
0x13c: {  	v8 =	vmul.f32 v8, v1;
	v40 =	vand.u32 $0xFFFF, v12;
	v34 =	vand.u32 $0xFFFF, v34;
	v41 =	vld.idx.msk [tilespmem:v7+s8+$0x0], $0xffff  }
0x13d: {  	v43 =	vmul.f32 v10, v2;
	v12 =	vmax.f32 v4, $0.0e+00;
	v7 =	vshll.u32 v17, $0x10;
	v42 =	vld [tilespmem:s19+$0x4F30]  }
0x13e: {  	v36 =	vadd.f32 v36, v22;
	v45 =	vmul.f32 v12, v2;
	v4 =	vshll.u32 v16, $0x10;
	v44 =	vld [tilespmem:s19+$0x163D0]  }
0x13f: {  	v8 =	vadd.f32 v43, v8;
	v12 =	vmax.f32 v5, $0.0e+00;
	v46 =	vshll.u32 v37, $0x10;
	v10 =	vld.idx.msk [tilespmem:v35+s9+$0x0], $0xffff  }
0x140: {  	v11 =	vmax.f32 v11, $0.0e+00;
	v5 =	vand.u32 v0, v16;
	v16 =	vmul.f32 v20, v2;
	v22 =	vld.idx.msk [tilespmem:v38+s9+$0x0], $0xffff  }
0x141: {  	v11 =	vmul.f32 v11, v1;
	v20 =	vadd.f32 v27, v30;
	v27 =	vmul.f32 v12, v1;
	v35 =	vld.idx.msk [tilespmem:v26+s8+$0x0], $0xffff  }
0x142: {  	v14 =	vmax.f32 v14, $0.0e+00;
	v24 =	vmul.f32 v24, v1;
	[tilespmem:s16+$0x76E0] =	vst.add.f32.msk $0xffff, v8  }
0x143: {  	v30 =	vadd.f32 v16, v11;
	v38 =	vmax.f32 v9, $0.0e+00;
	v12 =	vshll.u32 v44, $0x10;
	[tilespmem:s16+$0x76B0] =	vst.add.f32.msk $0xffff, v20  }
0x144: {  	v33 =	vadd.f32 v33, v24;
	v11 =	vand.u32 v0, v15;
	v43 =	vand.u32 $0xFFFF, v42;
	v47 =	vld.idx.msk [tilespmem:v19+s9+$0x0], $0xffff  }
0x145: {  	v49 =	vand.u32 v10, v0;
	v48 =	vld.idx.msk [tilespmem:v18+s9+$0x0], $0xffff;
	v18 =	vshrl.u32 v42, $0x10;
	v42 =	vand.u32 v0, v21  }
0x146: {  	v8 =	vand.u32 v0, v3;
	v19 =	vadd.f32 v45, v27;
	v26 =	vld.idx.msk [tilespmem:v40+s8+$0x0], $0xffff  }
0x147: {  	v16 =	vand.u32 v29, v0;
	v9 =	vand.u32 v0, v25;
	v40 =	vmul.f32 v14, v2;
	v27 =	vld.idx.msk [tilespmem:v23+s8+$0x0], $0xffff  }
0x148: {  	v13 =	vmax.f32 v13, $0.0e+00;
	v37 =	vand.u32 v0, v37;
	v20 =	vshll.u32 v31, $0x10;
	[tilespmem:s16+$0x76C0] =	vst.add.f32.msk $0xffff, v19  }
0x149: {  	v13 =	vmul.f32 v13, v2;
	v24 =	vand.u32 v0, v17;
	v45 =	vshll.u32 v22, $0x10;
	[tilespmem:s16+$0x7680] =	vst.add.f32.msk $0xffff, v30  }
0x14a: {  	v17 =	vmul.f32 v38, v1;
	v23 =	vshll.u32 v29, $0x10;
	v19 =	vand.u32 v31, v0;
	v43 =	vld.idx.msk [tilespmem:v43+s8+$0x0], $0xffff  }
0x14b: {  	v6 =	vmax.f32 v6, $0.0e+00;
	v14 =	vshll.u32 v25, $0x10;
	v29 =	vld.idx.msk [tilespmem:v18+s9+$0x0], $0xffff;
	v18 =	vand.u32 v22, v0  }
0x14c: {  	v6 =	vmul.f32 v6, v1;
	v25 =	vand.u32 v41, v0;
	v30 =	vadd.f32 v40, v17;
	v31 =	vld.idx.msk [tilespmem:v28+s9+$0x0], $0xffff  }
0x14d: {  	v40 =	vshll.u32 v41, $0x10;
	v38 =	vld.idx.msk [tilespmem:v32+s8+$0x0], $0xffff;
	v32 =	vand.u32 v27, v0;
	v27 =	vshll.u32 v27, $0x10  }
0x14e: {  	v6 =	vadd.f32 v13, v6;
	v22 =	vshll.u32 v47, $0x10;
	v17 =	vadd.f32 v18, v25;
	[tilespmem:s16+$0x76D0] =	vst.add.f32.msk $0xffff, v36  }
0x14f: {  	v13 =	vshll.u32 v35, $0x10;
	v28 =	vand.u32 v47, v0;
	v25 =	vadd.f32 v49, v32;
	[tilespmem:s16+$0x76A0] =	vst.add.f32.msk $0xffff, v33  }
0x150: {  	v18 =	vadd.f32 v45, v40;
	v33 =	vand.u32 v35, v0;
	v36 =	vand.u32 v43, v0;
	[tilespmem:s16+$0x7690] =	vst.add.f32.msk $0xffff, v6  }
0x151: {  	v32 =	vshll.u32 v21, $0x10;
	v6 =	vand.u32 v29, v0;
	v40 =	vshll.u32 v29, $0x10;
	[tilespmem:s16+$0x76F0] =	vst.add.f32.msk $0xffff, v30;
	s16 =	smov.u32 s19  }
0x152: {  	v41 =	vshll.u32 v48, $0x10;
	v21 =	vand.u32 v0, v44;
	v30 =	vand.u32 v26, v0;
	v29 =	vld.idx.msk [tilespmem:v34+s8+$0x0], $0xffff  }
.Ltmp2:
0x153: {  	v35 =	vand.u32 v31, v0;
	v31 =	vshll.u32 v31, $0x10;
	v34 =	vld.idx.msk [tilespmem:v39+s9+$0x0], $0xffff;
	v39 =	vshll.u32 v43, $0x10;
	(pc) =	sbr.rel @p0 .LBB2_6-.Ltmp2, $4  }
0x154: {  	v33 =	vadd.f32 v35, v33;
	v13 =	vadd.f32 v31, v13;
	v35 =	vand.u32 v38, v0  }
0x155: {  	v44 =	vadd.f32 v6, v36;
	v43 =	vshll.u32 v38, $0x10;
	v36 =	vadd.f32 v40, v39  }
0x156: {  	v38 =	vand.u32 v48, v0;
	v6 =	vadd.f32 v37, v33;
	v13 =	vadd.f32 v46, v13  }
0x157: {  	s18 =	sadd.s32 $0x200, s18;
	v31 =	vshll.u32 v15, $0x10;
	v33 =	vadd.f32 v41, v43;
	v37 =	vadd.f32 v42, v44  }
0x158: {  	v15 =	vadd.f32 v38, v35;
	v32 =	vadd.f32 v32, v36;
	v51 =	vand.u32 v29, v0  }
0x159: {  	v52 =	vshll.u32 v34, $0x10;
	v21 =	vadd.f32 v21, v25;
	v25 =	vshll.u32 v26, $0x10  }
0x15a: {  	v26 =	vand.u32 v34, v0;
	v10 =	vshll.u32 v10, $0x10;
	v20 =	vadd.f32 v23, v20  }
0x15b: {  	v3 =	vshll.u32 v3, $0x10;
	v9 =	vadd.f32 v9, v17;
	v14 =	vadd.f32 v14, v18  }
0x15c: {  	v6 =	vmax.f32 v6, $0.0e+00;
	v28 =	vadd.f32 v28, v51;
	v25 =	vadd.f32 v52, v25  }
0x15d: {  	v37 =	vmax.f32 v37, $0.0e+00;
	v26 =	vadd.f32 v26, v30;
	v7 =	vadd.f32 v7, v33  }
0x15e: {  	v10 =	vadd.f32 v10, v27;
	v6 =	vmul.f32 v6, v1;
	v15 =	vadd.f32 v24, v15  }
0x15f: {  	v24 =	vmax.f32 v32, $0.0e+00;
	v30 =	vmul.f32 v37, v1;
	v3 =	vadd.f32 v3, v20  }
0x160: {  	v9 =	vmax.f32 v9, $0.0e+00;
	v23 =	vadd.f32 v31, v25;
	v7 =	vmax.f32 v7, $0.0e+00  }
0x161: {  	v25 =	vshll.u32 v29, $0x10;
	v10 =	vadd.f32 v12, v10;
	v12 =	vadd.f32 v16, v19  }
0x162: {  	v11 =	vadd.f32 v11, v26;
	v5 =	vadd.f32 v5, v28;
	v15 =	vmax.f32 v15, $0.0e+00  }
0x163: {  	v7 =	vmul.f32 v7, v2;
	v16 =	vadd.f32 v22, v25;
	v8 =	vadd.f32 v8, v12  }
0x164: {  	v3 =	vmax.f32 v3, $0.0e+00;
	v19 =	vmax.f32 v23, $0.0e+00;
	v12 =	vmul.f32 v24, v2  }
0x165: {  	v3 =	vmul.f32 v3, v2;
	v4 =	vadd.f32 v4, v16;
	v8 =	vmax.f32 v8, $0.0e+00  }
0x166: {  	v5 =	vmax.f32 v5, $0.0e+00;
	v15 =	vmul.f32 v15, v1;
	v8 =	vmul.f32 v8, v1  }
0x167: {  	v5 =	vmul.f32 v5, v1;
	v12 =	vadd.f32 v12, v30;
	v4 =	vmax.f32 v4, $0.0e+00  }
0x168: {  	v4 =	vmul.f32 v4, v2;
	v3 =	vadd.f32 v3, v8;
	v8 =	vmax.f32 v11, $0.0e+00  }
0x169: {  	v10 =	vmax.f32 v10, $0.0e+00;
	v11 =	vmul.f32 v19, v2;
	v8 =	vmul.f32 v8, v1  }
0x16a: {  	v10 =	vmul.f32 v10, v2;
	v16 =	vmax.f32 v21, $0.0e+00;
	[tilespmem:s16+$0x76B0] =	vst.add.f32.msk $0xffff, v12;
	v4 =	vadd.f32 v4, v5  }
0x16b: {  	v16 =	vmul.f32 v16, v1;
	[tilespmem:s16+$0x76E0] =	vst.add.f32.msk $0xffff, v3;
	v5 =	vadd.f32 v11, v8;
	v8 =	vmax.f32 v13, $0.0e+00  }
0x16c: {  	v7 =	vadd.f32 v7, v15;
	v3 =	vmax.f32 v14, $0.0e+00;
	[tilespmem:s16+$0x76C0] =	vst.add.f32.msk $0xffff, v4;
	v4 =	vmul.f32 v8, v2  }
0x16d: {  	v10 =	vadd.f32 v10, v16;
	v3 =	vmul.f32 v3, v2;
	[tilespmem:s16+$0x7680] =	vst.add.f32.msk $0xffff, v5;
	v5 =	vmul.f32 v9, v1  }
0x16e: {  	[tilespmem:s16+$0x76A0] =	vst.add.f32.msk $0xffff, v7;
	v4 =	vadd.f32 v4, v6  }
0x16f: {  	[tilespmem:s16+$0x76D0] =	vst.add.f32.msk $0xffff, v10;
	v3 =	vadd.f32 v3, v5  }
0x170: {  	[tilespmem:s16+$0x7690] =	vst.add.f32.msk $0xffff, v4  }
0x171: {  	[tilespmem:s16+$0x76F0] =	vst.add.f32.msk $0xffff, v3  }
0x172: {  	v3 =	vld [tilespmem:$0x7600];
	_ =	sdelay $0x4  }
0x173: {  	v4 =	vand.u32 $0xFFFF, v3  }
0x174: {  	v3 =	vshrl.u32 v3, $0x10;
	_ =	sdelay $0x3  }
0x175: {  	v4 =	vld.idx.msk [tilespmem:v4+s8+$0x0], $0xffff  }
0x176: {  	v3 =	vld.idx.msk [tilespmem:v3+s9+$0x0], $0xffff;
	_ =	sdelay $0x1  }
0x177: {  	v5 =	vld [tilespmem:$0x18A80];
	_ =	sdelay $0x1  }
0x178: {  	v6 =	vand.u32 v4, v0  }
0x179: {  	v4 =	vshll.u32 v4, $0x10;
	v7 =	vand.u32 v3, v0;
	v3 =	vshll.u32 v3, $0x10  }
0x17a: {  	v6 =	vadd.f32 v7, v6;
	v3 =	vadd.f32 v3, v4  }
0x17b: {  	v4 =	vand.u32 v0, v5;
	v5 =	vshll.u32 v5, $0x10  }
0x17c: {  	v4 =	vadd.f32 v4, v6;
	v3 =	vadd.f32 v5, v3;
	_ =	sdelay $0x1  }
0x17d: {  	v4 =	vmax.f32 v4, $0.0e+00;
	v3 =	vmax.f32 v3, $0.0e+00  }
0x17e: {  	v1 =	vmul.f32 v4, v1;
	v2 =	vmul.f32 v3, v2;
	_ =	sdelay $0x1  }
0x17f: {  	v1 =	vadd.f32 v2, v1;
	_ =	sdelay $0x1  }
0x180: {  	s20 =	simm.s32 $0x0;
	s17 =	rddreg [dreg:$0xf];
	[tilespmem:s13+$0x0] =	vst.add.f32.msk $0xffff, v1  }
0x181: {  	[tilespmem:s8], [sflag:$0x2] =	stream.linear.gather [hbm4b:s17+s20], $0x2710, $0x38;
	[tilespmem:$0x19400] =	vst v63  }
0x182: {  	s21 =	rddreg [dreg:$0x10]  }
0x183: {  	[tilespmem:s9], [sflag:$0x2] =	stream.linear.gather [hbm4b:s21+s20], $0x2710, $0x38;
	[tilespmem:$0x19400] =	vst v63  }
0x184: {  	s22 =	rddreg [dreg:$0x11]  }
0x185: {  	[tilespmem:s11], [sflag:$0x2] =	stream.linear.gather [hbm4b:s22+s20], $0x2710, $0x38;
	[tilespmem:$0x19400] =	vst v63  }
0x186: {  	_ =	swait.ge [sflag:s12], $0x2710  }
0x187: {  	[sflag:s12] =	ssyncset.done $0x0  }
0x188: {  	[sflag:s12] =	ssyncadd.s32 $0xFFFFD8F0  }
0x189: {  	_ =	swait.ge [sflag:s12], $0x2710  }
0x18a: {  	[sflag:s12] =	ssyncset.done $0x0  }
0x18b: {  	[sflag:s12] =	ssyncadd.s32 $0xFFFFD8F0  }
0x18c: {  	_ =	swait.ge [sflag:s12], $0x2710  }
0x18d: {  	[sflag:s12] =	ssyncset.done $0x0  }
0x18e: {  	s16 =	simm.s32 $0x0;
	[sflag:s12] =	ssyncadd.s32 $0xFFFFD8F0  }
0x18f: {  	v15 =	vld [tilespmem:s16+$0x13C00]  }
0x190: {  	v1 =	vld [tilespmem:s16+$0x13C70]  }
0x191: {  	v3 =	vld [tilespmem:s16+$0x13C60]  }
0x192: {  	v2 =	vld [tilespmem:s16+$0x13C30]  }
0x193: {  	v4 =	vld [tilespmem:s16+$0x4F60]  }
0x194: {  	v5 =	vld [tilespmem:s16+$0x4F50]  }
0x195: {  	v6 =	vld [tilespmem:s16+$0x4F70]  }
0x196: {  	v7 =	vld [tilespmem:s16+$0x4F20]  }
0x197: {  	v8 =	vld [tilespmem:s16+$0x4F00]  }
0x198: {  	v9 =	vld [tilespmem:s16+$0x4F10]  }
0x199: {  	v11 =	vld [tilespmem:s16+$0x4F40]  }
0x19a: {  	v13 =	vld [tilespmem:s16+$0x13C10];
	v10 =	vshrl.u32 v4, $0x10  }
0x19b: {  	v12 =	vld [tilespmem:s16+$0x13C40];
	v4 =	vand.u32 $0xFFFF, v4  }
0x19c: {  	v17 =	vld [tilespmem:s16+$0x13C20];
	v14 =	vshrl.u32 v5, $0x10  }
0x19d: {  	v19 =	vld [tilespmem:s16+$0x4F30];
	v16 =	vand.u32 $0xFFFF, v6  }
0x19e: {  	v29 =	vld [tilespmem:s16+$0x13C50];
	v6 =	vshrl.u32 v6, $0x10  }
0x19f: {  	v20 =	vand.u32 $0xFFFF, v9;
	v18 =	vld.idx.msk [tilespmem:v10+s6+$0x0], $0xffff  }
0x1a0: {  	v22 =	vand.u32 $0xFFFF, v5;
	v21 =	vld.idx.msk [tilespmem:v4+s5+$0x0], $0xffff  }
0x1a1: {  	v23 =	vshrl.u32 v11, $0x10;
	v10 =	vld.idx.msk [tilespmem:v14+s6+$0x0], $0xffff  }
0x1a2: {  	v25 =	vshrl.u32 v9, $0x10;
	v9 =	vshrl.u32 v7, $0x10;
	v28 =	vand.u32 $0xFFFF, v7;
	v30 =	vld.idx.msk [tilespmem:v16+s5+$0x0], $0xffff  }
0x1a3: {  	v31 =	vshrl.u32 v8, $0x10;
	v26 =	vand.u32 $0xFFFF, v8;
	v53 =	vand.u32 $0xFFFF, v11;
	v6 =	vld.idx.msk [tilespmem:v6+s6+$0x0], $0xffff  }
0x1a4: {  	v7 =	vshll.u32 v17, $0x10;
	v54 =	vshll.u32 v13, $0x10;
	v5 =	vand.u32 v0, v12;
	v55 =	vld.idx.msk [tilespmem:v20+s5+$0x0], $0xffff  }
0x1a5: {  	v27 =	vshrl.u32 v19, $0x10;
	v11 =	vand.u32 v0, v15;
	v56 =	vand.u32 v0, v2;
	v22 =	vld.idx.msk [tilespmem:v22+s5+$0x0], $0xffff  }
0x1a6: {  	v8 =	vand.u32 v0, v3;
	v13 =	vand.u32 v0, v13;
	v14 =	vand.u32 $0xFFFF, v19;
	v57 =	vld.idx.msk [tilespmem:v23+s6+$0x0], $0xffff  }
0x1a7: {  	v24 =	vand.u32 v0, v17;
	v32 =	vshll.u32 v2, $0x10;
	v4 =	vshll.u32 v12, $0x10;
	v59 =	vld.idx.msk [tilespmem:v9+s6+$0x0], $0xffff  }
0x1a8: {  	v12 =	vshll.u32 v29, $0x10;
	v9 =	vand.u32 v0, v1;
	v34 =	vld.idx.msk [tilespmem:v31+s6+$0x0], $0xffff;
	v31 =	vshll.u32 v15, $0x10  }
0x1a9: {  	v41 =	vld.idx.msk [tilespmem:v25+s6+$0x0], $0xffff;
	v58 =	vand.u32 v10, v0;
	v16 =	vand.u32 v18, v0;
	v20 =	vshll.u32 v21, $0x10  }
0x1aa: {  	v39 =	vshll.u32 v6, $0x10;
	v19 =	vand.u32 v21, v0;
	v23 =	vshll.u32 v18, $0x10;
	v21 =	vld.idx.msk [tilespmem:v27+s6+$0x0], $0xffff  }
0x1ab: {  	v40 =	vld.idx.msk [tilespmem:v14+s5+$0x0], $0xffff;
	v6 =	vand.u32 v6, v0;
	v14 =	vshll.u32 v1, $0x10;
	v1 =	vand.u32 v30, v0  }
0x1ac: {  	v18 =	vand.u32 v22, v0;
	v27 =	vshll.u32 v22, $0x10;
	v30 =	vshll.u32 v30, $0x10  }
0x1ad: {  	v22 =	vshll.u32 v57, $0x10;
	v42 =	vshll.u32 v55, $0x10;
	v60 =	vand.u32 v55, v0  }
0x1ae: {  	v44 =	vshll.u32 v59, $0x10;
	v2 =	vand.u32 v41, v0;
	v17 =	vadd.f32 v6, v1;
	v6 =	vld.idx.msk [tilespmem:v28+s5+$0x0], $0xffff  }
0x1af: {  	v38 =	vand.u32 v59, v0;
	v25 =	vadd.f32 v58, v18;
	v62 =	vand.u32 v21, v0  }
0x1b0: {  	v26 =	vld.idx.msk [tilespmem:v26+s5+$0x0], $0xffff;
	v43 =	vshll.u32 v21, $0x10;
	v21 =	vand.u32 v0, v29;
	v29 =	vshll.u32 v41, $0x10  }
0x1b1: {  	v28 =	vand.u32 v57, v0;
	v18 =	vadd.f32 v39, v30;
	v42 =	vadd.f32 v29, v42;
	v29 =	vld.idx.msk [tilespmem:v53+s5+$0x0], $0xffff  }
0x1b2: {  	v63 =	vadd.f32 v2, v60;
	v61 =	vand.u32 v40, v0;
	v40 =	vshll.u32 v40, $0x10  }
0x1b3: {  	v45 =	vshll.u32 v6, $0x10;
	v39 =	vadd.f32 v62, v61;
	v36 =	vadd.f32 v43, v40  }
0x1b4: {  	v1 =	vld [tilespmem:$0x18C00];
	v35 =	vand.u32 v6, v0;
	v6 =	vadd.f32 v13, v63;
	v33 =	vadd.f32 v44, v45  }
0x1b5: {  	s18 =	simm.s32 $0x200;
	s17 =	simm.s32 $0x0;
	v30 =	vand.u32 v26, v0;
	v2 =	vld [tilespmem:$0x19000];
	v13 =	vadd.f32 v54, v42;
	v37 =	vadd.f32 v56, v39  }
.LBB2_8:
0x1b6: {  	s19 =	sshra.s32 s18, $0x2;
	s17 =	sadd.s32 $0x8, s17;
	v35 =	vadd.f32 v38, v35;
	v32 =	vadd.f32 v32, v36;
	v36 =	vand.u32 v29, v0  }
0x1b7: {  	v38 =	vshll.u32 v34, $0x10;
	v39 =	vadd.f32 v21, v25;
	v15 =	vld [tilespmem:s19+$0x13C00];
	p0 =	slt.u32 s17, $0x268;
	v37 =	vmax.f32 v37, $0.0e+00  }
0x1b8: {  	v21 =	vshll.u32 v26, $0x10;
	v26 =	vand.u32 v34, v0;
	v28 =	vadd.f32 v28, v36;
	v25 =	vld [tilespmem:s19+$0x13C70]  }
0x1b9: {  	v36 =	vadd.f32 v38, v21;
	v24 =	vadd.f32 v24, v35;
	v32 =	vmax.f32 v32, $0.0e+00;
	v34 =	vld [tilespmem:s19+$0x13C60]  }
0x1ba: {  	v10 =	vshll.u32 v10, $0x10;
	v26 =	vadd.f32 v26, v30;
	v30 =	vmul.f32 v37, v1;
	v21 =	vld [tilespmem:s19+$0x13C30]  }
0x1bb: {  	v3 =	vshll.u32 v3, $0x10;
	v20 =	vadd.f32 v23, v20;
	v7 =	vadd.f32 v7, v33;
	v35 =	vld [tilespmem:s19+$0x4F60]  }
0x1bc: {  	v10 =	vadd.f32 v10, v27;
	v31 =	vadd.f32 v31, v36;
	v24 =	vmax.f32 v24, $0.0e+00;
	v23 =	vld [tilespmem:s19+$0x4F50]  }
0x1bd: {  	v29 =	vshll.u32 v29, $0x10;
	v16 =	vadd.f32 v16, v19;
	v7 =	vmax.f32 v7, $0.0e+00;
	v27 =	vld [tilespmem:s19+$0x4F70]  }
0x1be: {  	v33 =	vmul.f32 v7, v2;
	v7 =	vadd.f32 v12, v10;
	v10 =	vadd.f32 v3, v20;
	v19 =	vld [tilespmem:s19+$0x4F20];
	v3 =	vmovc v34  }
0x1bf: {  	v22 =	vadd.f32 v22, v29;
	v11 =	vadd.f32 v11, v26;
	v20 =	vmax.f32 v31, $0.0e+00;
	v12 =	vld [tilespmem:s19+$0x4F00]  }
0x1c0: {  	v7 =	vmax.f32 v7, $0.0e+00;
	v26 =	vld [tilespmem:s19+$0x4F10];
	v29 =	vshrl.u32 v35, $0x10;
	v31 =	vand.u32 $0xFFFF, v35  }
0x1c1: {  	v36 =	vmul.f32 v7, v2;
	v34 =	vld [tilespmem:s19+$0x4F40];
	v35 =	vshrl.u32 v23, $0x10;
	v23 =	vand.u32 $0xFFFF, v23  }
0x1c2: {  	v8 =	vadd.f32 v8, v16;
	v37 =	vld [tilespmem:s19+$0x13C10];
	v38 =	vshrl.u32 v27, $0x10;
	v7 =	vand.u32 $0xFFFF, v27  }
0x1c3: {  	v9 =	vadd.f32 v9, v17;
	v4 =	vadd.f32 v4, v22;
	v27 =	vmul.f32 v32, v2;
	v16 =	vld [tilespmem:s19+$0x13C40]  }
0x1c4: {  	v5 =	vadd.f32 v5, v28;
	v22 =	vmax.f32 v39, $0.0e+00;
	v10 =	vmax.f32 v10, $0.0e+00;
	v17 =	vld [tilespmem:s19+$0x13C20]  }
0x1c5: {  	v14 =	vadd.f32 v14, v18;
	v28 =	vshrl.u32 v26, $0x10;
	v26 =	vand.u32 $0xFFFF, v26;
	v29 =	vld.idx.msk [tilespmem:v29+s6+$0x0], $0xffff  }
0x1c6: {  	v18 =	vshrl.u32 v19, $0x10;
	v32 =	vand.u32 $0xFFFF, v19;
	v19 =	vshrl.u32 v34, $0x10;
	v31 =	vld.idx.msk [tilespmem:v31+s5+$0x0], $0xffff  }
0x1c7: {  	v22 =	vmul.f32 v22, v1;
	v8 =	vmax.f32 v8, $0.0e+00;
	v39 =	vshrl.u32 v12, $0x10  }
0x1c8: {  	v8 =	vmul.f32 v8, v1;
	v40 =	vand.u32 $0xFFFF, v12;
	v34 =	vand.u32 $0xFFFF, v34;
	v41 =	vld.idx.msk [tilespmem:v7+s5+$0x0], $0xffff  }
0x1c9: {  	v43 =	vmul.f32 v10, v2;
	v12 =	vmax.f32 v4, $0.0e+00;
	v7 =	vshll.u32 v17, $0x10;
	v42 =	vld [tilespmem:s19+$0x4F30]  }
0x1ca: {  	v36 =	vadd.f32 v36, v22;
	v45 =	vmul.f32 v12, v2;
	v4 =	vshll.u32 v16, $0x10;
	v44 =	vld [tilespmem:s19+$0x13C50]  }
0x1cb: {  	v8 =	vadd.f32 v43, v8;
	v12 =	vmax.f32 v5, $0.0e+00;
	v46 =	vshll.u32 v37, $0x10;
	v10 =	vld.idx.msk [tilespmem:v35+s6+$0x0], $0xffff  }
0x1cc: {  	v11 =	vmax.f32 v11, $0.0e+00;
	v5 =	vand.u32 v0, v16;
	v16 =	vmul.f32 v20, v2;
	v22 =	vld.idx.msk [tilespmem:v38+s6+$0x0], $0xffff  }
0x1cd: {  	v11 =	vmul.f32 v11, v1;
	v20 =	vadd.f32 v27, v30;
	v27 =	vmul.f32 v12, v1;
	v35 =	vld.idx.msk [tilespmem:v26+s5+$0x0], $0xffff  }
0x1ce: {  	v14 =	vmax.f32 v14, $0.0e+00;
	v24 =	vmul.f32 v24, v1;
	[tilespmem:s16+$0x76E0] =	vst.add.f32.msk $0xffff, v8  }
0x1cf: {  	v30 =	vadd.f32 v16, v11;
	v38 =	vmax.f32 v9, $0.0e+00;
	v12 =	vshll.u32 v44, $0x10;
	[tilespmem:s16+$0x76B0] =	vst.add.f32.msk $0xffff, v20  }
0x1d0: {  	v33 =	vadd.f32 v33, v24;
	v11 =	vand.u32 v0, v15;
	v43 =	vand.u32 $0xFFFF, v42;
	v47 =	vld.idx.msk [tilespmem:v19+s6+$0x0], $0xffff  }
0x1d1: {  	v49 =	vand.u32 v10, v0;
	v48 =	vld.idx.msk [tilespmem:v18+s6+$0x0], $0xffff;
	v18 =	vshrl.u32 v42, $0x10;
	v42 =	vand.u32 v0, v21  }
0x1d2: {  	v8 =	vand.u32 v0, v3;
	v19 =	vadd.f32 v45, v27;
	v26 =	vld.idx.msk [tilespmem:v40+s5+$0x0], $0xffff  }
0x1d3: {  	v16 =	vand.u32 v29, v0;
	v9 =	vand.u32 v0, v25;
	v40 =	vmul.f32 v14, v2;
	v27 =	vld.idx.msk [tilespmem:v23+s5+$0x0], $0xffff  }
0x1d4: {  	v13 =	vmax.f32 v13, $0.0e+00;
	v37 =	vand.u32 v0, v37;
	v20 =	vshll.u32 v31, $0x10;
	[tilespmem:s16+$0x76C0] =	vst.add.f32.msk $0xffff, v19  }
0x1d5: {  	v13 =	vmul.f32 v13, v2;
	v24 =	vand.u32 v0, v17;
	v45 =	vshll.u32 v22, $0x10;
	[tilespmem:s16+$0x7680] =	vst.add.f32.msk $0xffff, v30  }
0x1d6: {  	v17 =	vmul.f32 v38, v1;
	v23 =	vshll.u32 v29, $0x10;
	v19 =	vand.u32 v31, v0;
	v43 =	vld.idx.msk [tilespmem:v43+s5+$0x0], $0xffff  }
0x1d7: {  	v6 =	vmax.f32 v6, $0.0e+00;
	v14 =	vshll.u32 v25, $0x10;
	v29 =	vld.idx.msk [tilespmem:v18+s6+$0x0], $0xffff;
	v18 =	vand.u32 v22, v0  }
0x1d8: {  	v6 =	vmul.f32 v6, v1;
	v25 =	vand.u32 v41, v0;
	v30 =	vadd.f32 v40, v17;
	v31 =	vld.idx.msk [tilespmem:v28+s6+$0x0], $0xffff  }
0x1d9: {  	v40 =	vshll.u32 v41, $0x10;
	v38 =	vld.idx.msk [tilespmem:v32+s5+$0x0], $0xffff;
	v32 =	vand.u32 v27, v0;
	v27 =	vshll.u32 v27, $0x10  }
0x1da: {  	v6 =	vadd.f32 v13, v6;
	v22 =	vshll.u32 v47, $0x10;
	v17 =	vadd.f32 v18, v25;
	[tilespmem:s16+$0x76D0] =	vst.add.f32.msk $0xffff, v36  }
0x1db: {  	v13 =	vshll.u32 v35, $0x10;
	v28 =	vand.u32 v47, v0;
	v25 =	vadd.f32 v49, v32;
	[tilespmem:s16+$0x76A0] =	vst.add.f32.msk $0xffff, v33  }
0x1dc: {  	v18 =	vadd.f32 v45, v40;
	v33 =	vand.u32 v35, v0;
	v36 =	vand.u32 v43, v0;
	[tilespmem:s16+$0x7690] =	vst.add.f32.msk $0xffff, v6  }
0x1dd: {  	v32 =	vshll.u32 v21, $0x10;
	v6 =	vand.u32 v29, v0;
	v40 =	vshll.u32 v29, $0x10;
	[tilespmem:s16+$0x76F0] =	vst.add.f32.msk $0xffff, v30;
	s16 =	smov.u32 s19  }
0x1de: {  	v41 =	vshll.u32 v48, $0x10;
	v21 =	vand.u32 v0, v44;
	v30 =	vand.u32 v26, v0;
	v29 =	vld.idx.msk [tilespmem:v34+s5+$0x0], $0xffff  }
.Ltmp3:
0x1df: {  	v35 =	vand.u32 v31, v0;
	v31 =	vshll.u32 v31, $0x10;
	v34 =	vld.idx.msk [tilespmem:v39+s6+$0x0], $0xffff;
	v39 =	vshll.u32 v43, $0x10;
	(pc) =	sbr.rel @p0 .LBB2_8-.Ltmp3, $4  }
0x1e0: {  	v33 =	vadd.f32 v35, v33;
	v13 =	vadd.f32 v31, v13;
	v35 =	vand.u32 v38, v0  }
0x1e1: {  	v44 =	vadd.f32 v6, v36;
	v43 =	vshll.u32 v38, $0x10;
	v36 =	vadd.f32 v40, v39  }
0x1e2: {  	v38 =	vand.u32 v48, v0;
	v6 =	vadd.f32 v37, v33;
	v13 =	vadd.f32 v46, v13  }
0x1e3: {  	s18 =	sadd.s32 $0x200, s18;
	v31 =	vshll.u32 v15, $0x10;
	v33 =	vadd.f32 v41, v43;
	v37 =	vadd.f32 v42, v44  }
0x1e4: {  	v15 =	vadd.f32 v38, v35;
	v32 =	vadd.f32 v32, v36;
	v51 =	vand.u32 v29, v0  }
0x1e5: {  	v52 =	vshll.u32 v34, $0x10;
	v21 =	vadd.f32 v21, v25;
	v25 =	vshll.u32 v26, $0x10  }
0x1e6: {  	v26 =	vand.u32 v34, v0;
	v10 =	vshll.u32 v10, $0x10;
	v20 =	vadd.f32 v23, v20  }
0x1e7: {  	v3 =	vshll.u32 v3, $0x10;
	v9 =	vadd.f32 v9, v17;
	v14 =	vadd.f32 v14, v18  }
0x1e8: {  	v6 =	vmax.f32 v6, $0.0e+00;
	v28 =	vadd.f32 v28, v51;
	v25 =	vadd.f32 v52, v25  }
0x1e9: {  	v37 =	vmax.f32 v37, $0.0e+00;
	v26 =	vadd.f32 v26, v30;
	v7 =	vadd.f32 v7, v33  }
0x1ea: {  	v10 =	vadd.f32 v10, v27;
	v6 =	vmul.f32 v6, v1;
	v15 =	vadd.f32 v24, v15  }
0x1eb: {  	v24 =	vmax.f32 v32, $0.0e+00;
	v30 =	vmul.f32 v37, v1;
	v3 =	vadd.f32 v3, v20  }
0x1ec: {  	v9 =	vmax.f32 v9, $0.0e+00;
	v23 =	vadd.f32 v31, v25;
	v7 =	vmax.f32 v7, $0.0e+00  }
0x1ed: {  	v25 =	vshll.u32 v29, $0x10;
	v10 =	vadd.f32 v12, v10;
	v12 =	vadd.f32 v16, v19  }
0x1ee: {  	v11 =	vadd.f32 v11, v26;
	v5 =	vadd.f32 v5, v28;
	v15 =	vmax.f32 v15, $0.0e+00  }
0x1ef: {  	v7 =	vmul.f32 v7, v2;
	v16 =	vadd.f32 v22, v25;
	v8 =	vadd.f32 v8, v12  }
0x1f0: {  	v3 =	vmax.f32 v3, $0.0e+00;
	v19 =	vmax.f32 v23, $0.0e+00;
	v12 =	vmul.f32 v24, v2  }
0x1f1: {  	v3 =	vmul.f32 v3, v2;
	v4 =	vadd.f32 v4, v16;
	v8 =	vmax.f32 v8, $0.0e+00  }
0x1f2: {  	v5 =	vmax.f32 v5, $0.0e+00;
	v15 =	vmul.f32 v15, v1;
	v8 =	vmul.f32 v8, v1  }
0x1f3: {  	v5 =	vmul.f32 v5, v1;
	v12 =	vadd.f32 v12, v30;
	v4 =	vmax.f32 v4, $0.0e+00  }
0x1f4: {  	v4 =	vmul.f32 v4, v2;
	v3 =	vadd.f32 v3, v8;
	v8 =	vmax.f32 v11, $0.0e+00  }
0x1f5: {  	v10 =	vmax.f32 v10, $0.0e+00;
	v11 =	vmul.f32 v19, v2;
	v8 =	vmul.f32 v8, v1  }
0x1f6: {  	v10 =	vmul.f32 v10, v2;
	v16 =	vmax.f32 v21, $0.0e+00;
	[tilespmem:s16+$0x76B0] =	vst.add.f32.msk $0xffff, v12;
	v4 =	vadd.f32 v4, v5  }
0x1f7: {  	v16 =	vmul.f32 v16, v1;
	[tilespmem:s16+$0x76E0] =	vst.add.f32.msk $0xffff, v3;
	v5 =	vadd.f32 v11, v8;
	v8 =	vmax.f32 v13, $0.0e+00  }
0x1f8: {  	v7 =	vadd.f32 v7, v15;
	v3 =	vmax.f32 v14, $0.0e+00;
	[tilespmem:s16+$0x76C0] =	vst.add.f32.msk $0xffff, v4;
	v4 =	vmul.f32 v8, v2  }
0x1f9: {  	v10 =	vadd.f32 v10, v16;
	v3 =	vmul.f32 v3, v2;
	[tilespmem:s16+$0x7680] =	vst.add.f32.msk $0xffff, v5;
	v5 =	vmul.f32 v9, v1  }
0x1fa: {  	[tilespmem:s16+$0x76A0] =	vst.add.f32.msk $0xffff, v7;
	v4 =	vadd.f32 v4, v6  }
0x1fb: {  	[tilespmem:s16+$0x76D0] =	vst.add.f32.msk $0xffff, v10;
	v3 =	vadd.f32 v3, v5  }
0x1fc: {  	[tilespmem:s16+$0x7690] =	vst.add.f32.msk $0xffff, v4  }
0x1fd: {  	[tilespmem:s16+$0x76F0] =	vst.add.f32.msk $0xffff, v3  }
0x1fe: {  	v3 =	vld [tilespmem:$0x7600];
	_ =	sdelay $0x4  }
0x1ff: {  	v4 =	vand.u32 $0xFFFF, v3  }
0x200: {  	v3 =	vshrl.u32 v3, $0x10;
	_ =	sdelay $0x3  }
0x201: {  	v4 =	vld.idx.msk [tilespmem:v4+s5+$0x0], $0xffff  }
0x202: {  	v3 =	vld.idx.msk [tilespmem:v3+s6+$0x0], $0xffff;
	_ =	sdelay $0x1  }
0x203: {  	v5 =	vld [tilespmem:$0x16300];
	_ =	sdelay $0x1  }
0x204: {  	v6 =	vand.u32 v4, v0  }
0x205: {  	v4 =	vshll.u32 v4, $0x10;
	v7 =	vand.u32 v3, v0;
	v3 =	vshll.u32 v3, $0x10  }
0x206: {  	v6 =	vadd.f32 v7, v6;
	v3 =	vadd.f32 v3, v4  }
0x207: {  	v4 =	vand.u32 v0, v5;
	v5 =	vshll.u32 v5, $0x10  }
0x208: {  	v4 =	vadd.f32 v4, v6;
	v3 =	vadd.f32 v5, v3;
	_ =	sdelay $0x1  }
0x209: {  	v4 =	vmax.f32 v4, $0.0e+00;
	v3 =	vmax.f32 v3, $0.0e+00  }
0x20a: {  	v1 =	vmul.f32 v4, v1;
	v2 =	vmul.f32 v3, v2;
	_ =	sdelay $0x1  }
0x20b: {  	v1 =	vadd.f32 v2, v1;
	_ =	sdelay $0x1  }
0x20c: {  	s20 =	simm.s32 $0x0;
	s17 =	rddreg [dreg:$0x12];
	[tilespmem:s13+$0x0] =	vst.add.f32.msk $0xffff, v1  }
0x20d: {  	[tilespmem:s5], [sflag:$0x1] =	stream.linear.gather [hbm4b:s17+s20], $0x2710, $0x38;
	[tilespmem:$0x19400] =	vst v63  }
0x20e: {  	s21 =	rddreg [dreg:$0x13]  }
0x20f: {  	[tilespmem:s6], [sflag:$0x1] =	stream.linear.gather [hbm4b:s21+s20], $0x2710, $0x38;
	[tilespmem:$0x19400] =	vst v63  }
0x210: {  	s22 =	rddreg [dreg:$0x14]  }
0x211: {  	[tilespmem:s7], [sflag:$0x1] =	stream.linear.gather [hbm4b:s22+s20], $0x2710, $0x38;
	[tilespmem:$0x19400] =	vst v63  }
0x212: {  	_ =	swait.ge [sflag:s14], $0x2710  }
0x213: {  	[sflag:s14] =	ssyncset.done $0x0  }
0x214: {  	[sflag:s14] =	ssyncadd.s32 $0xFFFFD8F0  }
0x215: {  	_ =	swait.ge [sflag:s14], $0x2710  }
0x216: {  	[sflag:s14] =	ssyncset.done $0x0  }
0x217: {  	[sflag:s14] =	ssyncadd.s32 $0xFFFFD8F0  }
0x218: {  	_ =	swait.ge [sflag:s14], $0x2710  }
0x219: {  	[sflag:s14] =	ssyncset.done $0x0  }
0x21a: {  	s16 =	simm.s32 $0x0;
	[sflag:s14] =	ssyncadd.s32 $0xFFFFD8F0  }
0x21b: {  	v15 =	vld [tilespmem:s16+$0x16380]  }
0x21c: {  	v1 =	vld [tilespmem:s16+$0x163F0]  }
0x21d: {  	v3 =	vld [tilespmem:s16+$0x163E0]  }
0x21e: {  	v2 =	vld [tilespmem:s16+$0x163B0]  }
0x21f: {  	v4 =	vld [tilespmem:s16+$0x4F60]  }
0x220: {  	v5 =	vld [tilespmem:s16+$0x4F50]  }
0x221: {  	v6 =	vld [tilespmem:s16+$0x4F70]  }
0x222: {  	v7 =	vld [tilespmem:s16+$0x4F20]  }
0x223: {  	v8 =	vld [tilespmem:s16+$0x4F00]  }
0x224: {  	v9 =	vld [tilespmem:s16+$0x4F10]  }
0x225: {  	v11 =	vld [tilespmem:s16+$0x4F40]  }
0x226: {  	v13 =	vld [tilespmem:s16+$0x16390];
	v10 =	vshrl.u32 v4, $0x10  }
0x227: {  	v12 =	vld [tilespmem:s16+$0x163C0];
	v4 =	vand.u32 $0xFFFF, v4  }
0x228: {  	v17 =	vld [tilespmem:s16+$0x163A0];
	v14 =	vshrl.u32 v5, $0x10  }
0x229: {  	v19 =	vld [tilespmem:s16+$0x4F30];
	v16 =	vand.u32 $0xFFFF, v6  }
0x22a: {  	v29 =	vld [tilespmem:s16+$0x163D0];
	v6 =	vshrl.u32 v6, $0x10  }
0x22b: {  	v20 =	vand.u32 $0xFFFF, v9;
	v18 =	vld.idx.msk [tilespmem:v10+s9+$0x0], $0xffff  }
0x22c: {  	v22 =	vand.u32 $0xFFFF, v5;
	v21 =	vld.idx.msk [tilespmem:v4+s8+$0x0], $0xffff  }
0x22d: {  	v23 =	vshrl.u32 v11, $0x10;
	v10 =	vld.idx.msk [tilespmem:v14+s9+$0x0], $0xffff  }
0x22e: {  	v25 =	vshrl.u32 v9, $0x10;
	v9 =	vshrl.u32 v7, $0x10;
	v28 =	vand.u32 $0xFFFF, v7;
	v30 =	vld.idx.msk [tilespmem:v16+s8+$0x0], $0xffff  }
0x22f: {  	v31 =	vshrl.u32 v8, $0x10;
	v26 =	vand.u32 $0xFFFF, v8;
	v53 =	vand.u32 $0xFFFF, v11;
	v6 =	vld.idx.msk [tilespmem:v6+s9+$0x0], $0xffff  }
0x230: {  	v7 =	vshll.u32 v17, $0x10;
	v54 =	vshll.u32 v13, $0x10;
	v5 =	vand.u32 v0, v12;
	v55 =	vld.idx.msk [tilespmem:v20+s8+$0x0], $0xffff  }
0x231: {  	v27 =	vshrl.u32 v19, $0x10;
	v11 =	vand.u32 v0, v15;
	v56 =	vand.u32 v0, v2;
	v22 =	vld.idx.msk [tilespmem:v22+s8+$0x0], $0xffff  }
0x232: {  	v8 =	vand.u32 v0, v3;
	v13 =	vand.u32 v0, v13;
	v14 =	vand.u32 $0xFFFF, v19;
	v57 =	vld.idx.msk [tilespmem:v23+s9+$0x0], $0xffff  }
0x233: {  	v24 =	vand.u32 v0, v17;
	v32 =	vshll.u32 v2, $0x10;
	v4 =	vshll.u32 v12, $0x10;
	v59 =	vld.idx.msk [tilespmem:v9+s9+$0x0], $0xffff  }
0x234: {  	v12 =	vshll.u32 v29, $0x10;
	v9 =	vand.u32 v0, v1;
	v34 =	vld.idx.msk [tilespmem:v31+s9+$0x0], $0xffff;
	v31 =	vshll.u32 v15, $0x10  }
0x235: {  	v41 =	vld.idx.msk [tilespmem:v25+s9+$0x0], $0xffff;
	v58 =	vand.u32 v10, v0;
	v16 =	vand.u32 v18, v0;
	v20 =	vshll.u32 v21, $0x10  }
0x236: {  	v39 =	vshll.u32 v6, $0x10;
	v19 =	vand.u32 v21, v0;
	v23 =	vshll.u32 v18, $0x10;
	v21 =	vld.idx.msk [tilespmem:v27+s9+$0x0], $0xffff  }
0x237: {  	v40 =	vld.idx.msk [tilespmem:v14+s8+$0x0], $0xffff;
	v6 =	vand.u32 v6, v0;
	v14 =	vshll.u32 v1, $0x10;
	v1 =	vand.u32 v30, v0  }
0x238: {  	v18 =	vand.u32 v22, v0;
	v27 =	vshll.u32 v22, $0x10;
	v30 =	vshll.u32 v30, $0x10  }
0x239: {  	v22 =	vshll.u32 v57, $0x10;
	v42 =	vshll.u32 v55, $0x10;
	v60 =	vand.u32 v55, v0  }
0x23a: {  	v44 =	vshll.u32 v59, $0x10;
	v2 =	vand.u32 v41, v0;
	v17 =	vadd.f32 v6, v1;
	v6 =	vld.idx.msk [tilespmem:v28+s8+$0x0], $0xffff  }
0x23b: {  	v38 =	vand.u32 v59, v0;
	v25 =	vadd.f32 v58, v18;
	v62 =	vand.u32 v21, v0  }
0x23c: {  	v26 =	vld.idx.msk [tilespmem:v26+s8+$0x0], $0xffff;
	v43 =	vshll.u32 v21, $0x10;
	v21 =	vand.u32 v0, v29;
	v29 =	vshll.u32 v41, $0x10  }
0x23d: {  	v28 =	vand.u32 v57, v0;
	v18 =	vadd.f32 v39, v30;
	v42 =	vadd.f32 v29, v42;
	v29 =	vld.idx.msk [tilespmem:v53+s8+$0x0], $0xffff  }
0x23e: {  	v63 =	vadd.f32 v2, v60;
	v61 =	vand.u32 v40, v0;
	v40 =	vshll.u32 v40, $0x10  }
0x23f: {  	v45 =	vshll.u32 v6, $0x10;
	v39 =	vadd.f32 v62, v61;
	v36 =	vadd.f32 v43, v40  }
0x240: {  	v1 =	vld [tilespmem:$0x18C80];
	v35 =	vand.u32 v6, v0;
	v6 =	vadd.f32 v13, v63;
	v33 =	vadd.f32 v44, v45  }
0x241: {  	s18 =	simm.s32 $0x200;
	s17 =	simm.s32 $0x0;
	v30 =	vand.u32 v26, v0;
	v2 =	vld [tilespmem:$0x19080];
	v13 =	vadd.f32 v54, v42;
	v37 =	vadd.f32 v56, v39  }
.LBB2_10:
0x242: {  	s19 =	sshra.s32 s18, $0x2;
	s17 =	sadd.s32 $0x8, s17;
	v35 =	vadd.f32 v38, v35;
	v32 =	vadd.f32 v32, v36;
	v36 =	vand.u32 v29, v0  }
0x243: {  	v38 =	vshll.u32 v34, $0x10;
	v39 =	vadd.f32 v21, v25;
	v15 =	vld [tilespmem:s19+$0x16380];
	p0 =	slt.u32 s17, $0x268;
	v37 =	vmax.f32 v37, $0.0e+00  }
0x244: {  	v21 =	vshll.u32 v26, $0x10;
	v26 =	vand.u32 v34, v0;
	v28 =	vadd.f32 v28, v36;
	v25 =	vld [tilespmem:s19+$0x163F0]  }
0x245: {  	v36 =	vadd.f32 v38, v21;
	v24 =	vadd.f32 v24, v35;
	v32 =	vmax.f32 v32, $0.0e+00;
	v34 =	vld [tilespmem:s19+$0x163E0]  }
0x246: {  	v10 =	vshll.u32 v10, $0x10;
	v26 =	vadd.f32 v26, v30;
	v30 =	vmul.f32 v37, v1;
	v21 =	vld [tilespmem:s19+$0x163B0]  }
0x247: {  	v3 =	vshll.u32 v3, $0x10;
	v20 =	vadd.f32 v23, v20;
	v7 =	vadd.f32 v7, v33;
	v35 =	vld [tilespmem:s19+$0x4F60]  }
0x248: {  	v10 =	vadd.f32 v10, v27;
	v31 =	vadd.f32 v31, v36;
	v24 =	vmax.f32 v24, $0.0e+00;
	v23 =	vld [tilespmem:s19+$0x4F50]  }
0x249: {  	v29 =	vshll.u32 v29, $0x10;
	v16 =	vadd.f32 v16, v19;
	v7 =	vmax.f32 v7, $0.0e+00;
	v27 =	vld [tilespmem:s19+$0x4F70]  }
0x24a: {  	v33 =	vmul.f32 v7, v2;
	v7 =	vadd.f32 v12, v10;
	v10 =	vadd.f32 v3, v20;
	v19 =	vld [tilespmem:s19+$0x4F20];
	v3 =	vmovc v34  }
0x24b: {  	v22 =	vadd.f32 v22, v29;
	v11 =	vadd.f32 v11, v26;
	v20 =	vmax.f32 v31, $0.0e+00;
	v12 =	vld [tilespmem:s19+$0x4F00]  }
0x24c: {  	v7 =	vmax.f32 v7, $0.0e+00;
	v26 =	vld [tilespmem:s19+$0x4F10];
	v29 =	vshrl.u32 v35, $0x10;
	v31 =	vand.u32 $0xFFFF, v35  }
0x24d: {  	v36 =	vmul.f32 v7, v2;
	v34 =	vld [tilespmem:s19+$0x4F40];
	v35 =	vshrl.u32 v23, $0x10;
	v23 =	vand.u32 $0xFFFF, v23  }
0x24e: {  	v8 =	vadd.f32 v8, v16;
	v37 =	vld [tilespmem:s19+$0x16390];
	v38 =	vshrl.u32 v27, $0x10;
	v7 =	vand.u32 $0xFFFF, v27  }
0x24f: {  	v9 =	vadd.f32 v9, v17;
	v4 =	vadd.f32 v4, v22;
	v27 =	vmul.f32 v32, v2;
	v16 =	vld [tilespmem:s19+$0x163C0]  }
0x250: {  	v5 =	vadd.f32 v5, v28;
	v22 =	vmax.f32 v39, $0.0e+00;
	v10 =	vmax.f32 v10, $0.0e+00;
	v17 =	vld [tilespmem:s19+$0x163A0]  }
0x251: {  	v14 =	vadd.f32 v14, v18;
	v28 =	vshrl.u32 v26, $0x10;
	v26 =	vand.u32 $0xFFFF, v26;
	v29 =	vld.idx.msk [tilespmem:v29+s9+$0x0], $0xffff  }
0x252: {  	v18 =	vshrl.u32 v19, $0x10;
	v32 =	vand.u32 $0xFFFF, v19;
	v19 =	vshrl.u32 v34, $0x10;
	v31 =	vld.idx.msk [tilespmem:v31+s8+$0x0], $0xffff  }
0x253: {  	v22 =	vmul.f32 v22, v1;
	v8 =	vmax.f32 v8, $0.0e+00;
	v39 =	vshrl.u32 v12, $0x10  }
0x254: {  	v8 =	vmul.f32 v8, v1;
	v40 =	vand.u32 $0xFFFF, v12;
	v34 =	vand.u32 $0xFFFF, v34;
	v41 =	vld.idx.msk [tilespmem:v7+s8+$0x0], $0xffff  }
0x255: {  	v43 =	vmul.f32 v10, v2;
	v12 =	vmax.f32 v4, $0.0e+00;
	v7 =	vshll.u32 v17, $0x10;
	v42 =	vld [tilespmem:s19+$0x4F30]  }
0x256: {  	v36 =	vadd.f32 v36, v22;
	v45 =	vmul.f32 v12, v2;
	v4 =	vshll.u32 v16, $0x10;
	v44 =	vld [tilespmem:s19+$0x163D0]  }
0x257: {  	v8 =	vadd.f32 v43, v8;
	v12 =	vmax.f32 v5, $0.0e+00;
	v46 =	vshll.u32 v37, $0x10;
	v10 =	vld.idx.msk [tilespmem:v35+s9+$0x0], $0xffff  }
0x258: {  	v11 =	vmax.f32 v11, $0.0e+00;
	v5 =	vand.u32 v0, v16;
	v16 =	vmul.f32 v20, v2;
	v22 =	vld.idx.msk [tilespmem:v38+s9+$0x0], $0xffff  }
0x259: {  	v11 =	vmul.f32 v11, v1;
	v20 =	vadd.f32 v27, v30;
	v27 =	vmul.f32 v12, v1;
	v35 =	vld.idx.msk [tilespmem:v26+s8+$0x0], $0xffff  }
0x25a: {  	v14 =	vmax.f32 v14, $0.0e+00;
	v24 =	vmul.f32 v24, v1;
	[tilespmem:s16+$0x76E0] =	vst.add.f32.msk $0xffff, v8  }
0x25b: {  	v30 =	vadd.f32 v16, v11;
	v38 =	vmax.f32 v9, $0.0e+00;
	v12 =	vshll.u32 v44, $0x10;
	[tilespmem:s16+$0x76B0] =	vst.add.f32.msk $0xffff, v20  }
0x25c: {  	v33 =	vadd.f32 v33, v24;
	v11 =	vand.u32 v0, v15;
	v43 =	vand.u32 $0xFFFF, v42;
	v47 =	vld.idx.msk [tilespmem:v19+s9+$0x0], $0xffff  }
0x25d: {  	v49 =	vand.u32 v10, v0;
	v48 =	vld.idx.msk [tilespmem:v18+s9+$0x0], $0xffff;
	v18 =	vshrl.u32 v42, $0x10;
	v42 =	vand.u32 v0, v21  }
0x25e: {  	v8 =	vand.u32 v0, v3;
	v19 =	vadd.f32 v45, v27;
	v26 =	vld.idx.msk [tilespmem:v40+s8+$0x0], $0xffff  }
0x25f: {  	v16 =	vand.u32 v29, v0;
	v9 =	vand.u32 v0, v25;
	v40 =	vmul.f32 v14, v2;
	v27 =	vld.idx.msk [tilespmem:v23+s8+$0x0], $0xffff  }
0x260: {  	v13 =	vmax.f32 v13, $0.0e+00;
	v37 =	vand.u32 v0, v37;
	v20 =	vshll.u32 v31, $0x10;
	[tilespmem:s16+$0x76C0] =	vst.add.f32.msk $0xffff, v19  }
0x261: {  	v13 =	vmul.f32 v13, v2;
	v24 =	vand.u32 v0, v17;
	v45 =	vshll.u32 v22, $0x10;
	[tilespmem:s16+$0x7680] =	vst.add.f32.msk $0xffff, v30  }
0x262: {  	v17 =	vmul.f32 v38, v1;
	v23 =	vshll.u32 v29, $0x10;
	v19 =	vand.u32 v31, v0;
	v43 =	vld.idx.msk [tilespmem:v43+s8+$0x0], $0xffff  }
0x263: {  	v6 =	vmax.f32 v6, $0.0e+00;
	v14 =	vshll.u32 v25, $0x10;
	v29 =	vld.idx.msk [tilespmem:v18+s9+$0x0], $0xffff;
	v18 =	vand.u32 v22, v0  }
0x264: {  	v6 =	vmul.f32 v6, v1;
	v25 =	vand.u32 v41, v0;
	v30 =	vadd.f32 v40, v17;
	v31 =	vld.idx.msk [tilespmem:v28+s9+$0x0], $0xffff  }
0x265: {  	v40 =	vshll.u32 v41, $0x10;
	v38 =	vld.idx.msk [tilespmem:v32+s8+$0x0], $0xffff;
	v32 =	vand.u32 v27, v0;
	v27 =	vshll.u32 v27, $0x10  }
0x266: {  	v6 =	vadd.f32 v13, v6;
	v22 =	vshll.u32 v47, $0x10;
	v17 =	vadd.f32 v18, v25;
	[tilespmem:s16+$0x76D0] =	vst.add.f32.msk $0xffff, v36  }
0x267: {  	v13 =	vshll.u32 v35, $0x10;
	v28 =	vand.u32 v47, v0;
	v25 =	vadd.f32 v49, v32;
	[tilespmem:s16+$0x76A0] =	vst.add.f32.msk $0xffff, v33  }
0x268: {  	v18 =	vadd.f32 v45, v40;
	v33 =	vand.u32 v35, v0;
	v36 =	vand.u32 v43, v0;
	[tilespmem:s16+$0x7690] =	vst.add.f32.msk $0xffff, v6  }
0x269: {  	v32 =	vshll.u32 v21, $0x10;
	v6 =	vand.u32 v29, v0;
	v40 =	vshll.u32 v29, $0x10;
	[tilespmem:s16+$0x76F0] =	vst.add.f32.msk $0xffff, v30;
	s16 =	smov.u32 s19  }
0x26a: {  	v41 =	vshll.u32 v48, $0x10;
	v21 =	vand.u32 v0, v44;
	v30 =	vand.u32 v26, v0;
	v29 =	vld.idx.msk [tilespmem:v34+s8+$0x0], $0xffff  }
.Ltmp4:
0x26b: {  	v35 =	vand.u32 v31, v0;
	v31 =	vshll.u32 v31, $0x10;
	v34 =	vld.idx.msk [tilespmem:v39+s9+$0x0], $0xffff;
	v39 =	vshll.u32 v43, $0x10;
	(pc) =	sbr.rel @p0 .LBB2_10-.Ltmp4, $4  }
0x26c: {  	v33 =	vadd.f32 v35, v33;
	v13 =	vadd.f32 v31, v13;
	v35 =	vand.u32 v38, v0  }
0x26d: {  	v44 =	vadd.f32 v6, v36;
	v43 =	vshll.u32 v38, $0x10;
	v36 =	vadd.f32 v40, v39  }
0x26e: {  	v38 =	vand.u32 v48, v0;
	v6 =	vadd.f32 v37, v33;
	v13 =	vadd.f32 v46, v13  }
0x26f: {  	s18 =	sadd.s32 $0x200, s18;
	v31 =	vshll.u32 v15, $0x10;
	v33 =	vadd.f32 v41, v43;
	v37 =	vadd.f32 v42, v44  }
0x270: {  	v15 =	vadd.f32 v38, v35;
	v32 =	vadd.f32 v32, v36;
	v51 =	vand.u32 v29, v0  }
0x271: {  	v52 =	vshll.u32 v34, $0x10;
	v21 =	vadd.f32 v21, v25;
	v25 =	vshll.u32 v26, $0x10  }
0x272: {  	v26 =	vand.u32 v34, v0;
	v10 =	vshll.u32 v10, $0x10;
	v20 =	vadd.f32 v23, v20  }
0x273: {  	v3 =	vshll.u32 v3, $0x10;
	v9 =	vadd.f32 v9, v17;
	v14 =	vadd.f32 v14, v18  }
0x274: {  	v6 =	vmax.f32 v6, $0.0e+00;
	v28 =	vadd.f32 v28, v51;
	v25 =	vadd.f32 v52, v25  }
0x275: {  	v37 =	vmax.f32 v37, $0.0e+00;
	v26 =	vadd.f32 v26, v30;
	v7 =	vadd.f32 v7, v33  }
0x276: {  	v10 =	vadd.f32 v10, v27;
	v6 =	vmul.f32 v6, v1;
	v15 =	vadd.f32 v24, v15  }
0x277: {  	v24 =	vmax.f32 v32, $0.0e+00;
	v30 =	vmul.f32 v37, v1;
	v3 =	vadd.f32 v3, v20  }
0x278: {  	v9 =	vmax.f32 v9, $0.0e+00;
	v23 =	vadd.f32 v31, v25;
	v7 =	vmax.f32 v7, $0.0e+00  }
0x279: {  	v25 =	vshll.u32 v29, $0x10;
	v10 =	vadd.f32 v12, v10;
	v12 =	vadd.f32 v16, v19  }
0x27a: {  	v11 =	vadd.f32 v11, v26;
	v5 =	vadd.f32 v5, v28;
	v15 =	vmax.f32 v15, $0.0e+00  }
0x27b: {  	v7 =	vmul.f32 v7, v2;
	v16 =	vadd.f32 v22, v25;
	v8 =	vadd.f32 v8, v12  }
0x27c: {  	v3 =	vmax.f32 v3, $0.0e+00;
	v19 =	vmax.f32 v23, $0.0e+00;
	v12 =	vmul.f32 v24, v2  }
0x27d: {  	v3 =	vmul.f32 v3, v2;
	v4 =	vadd.f32 v4, v16;
	v8 =	vmax.f32 v8, $0.0e+00  }
0x27e: {  	v5 =	vmax.f32 v5, $0.0e+00;
	v15 =	vmul.f32 v15, v1;
	v8 =	vmul.f32 v8, v1  }
0x27f: {  	v5 =	vmul.f32 v5, v1;
	v12 =	vadd.f32 v12, v30;
	v4 =	vmax.f32 v4, $0.0e+00  }
0x280: {  	v4 =	vmul.f32 v4, v2;
	v3 =	vadd.f32 v3, v8;
	v8 =	vmax.f32 v11, $0.0e+00  }
0x281: {  	v10 =	vmax.f32 v10, $0.0e+00;
	v11 =	vmul.f32 v19, v2;
	v8 =	vmul.f32 v8, v1  }
0x282: {  	v10 =	vmul.f32 v10, v2;
	v16 =	vmax.f32 v21, $0.0e+00;
	[tilespmem:s16+$0x76B0] =	vst.add.f32.msk $0xffff, v12;
	v4 =	vadd.f32 v4, v5  }
0x283: {  	v16 =	vmul.f32 v16, v1;
	[tilespmem:s16+$0x76E0] =	vst.add.f32.msk $0xffff, v3;
	v5 =	vadd.f32 v11, v8;
	v8 =	vmax.f32 v13, $0.0e+00  }
0x284: {  	v7 =	vadd.f32 v7, v15;
	v3 =	vmax.f32 v14, $0.0e+00;
	[tilespmem:s16+$0x76C0] =	vst.add.f32.msk $0xffff, v4;
	v4 =	vmul.f32 v8, v2  }
0x285: {  	v10 =	vadd.f32 v10, v16;
	v3 =	vmul.f32 v3, v2;
	[tilespmem:s16+$0x7680] =	vst.add.f32.msk $0xffff, v5;
	v5 =	vmul.f32 v9, v1  }
0x286: {  	[tilespmem:s16+$0x76A0] =	vst.add.f32.msk $0xffff, v7;
	v4 =	vadd.f32 v4, v6  }
0x287: {  	[tilespmem:s16+$0x76D0] =	vst.add.f32.msk $0xffff, v10;
	v3 =	vadd.f32 v3, v5  }
0x288: {  	[tilespmem:s16+$0x7690] =	vst.add.f32.msk $0xffff, v4  }
0x289: {  	[tilespmem:s16+$0x76F0] =	vst.add.f32.msk $0xffff, v3  }
0x28a: {  	v3 =	vld [tilespmem:$0x7600];
	_ =	sdelay $0x4  }
0x28b: {  	v4 =	vand.u32 $0xFFFF, v3  }
0x28c: {  	v3 =	vshrl.u32 v3, $0x10;
	_ =	sdelay $0x3  }
0x28d: {  	v4 =	vld.idx.msk [tilespmem:v4+s8+$0x0], $0xffff  }
0x28e: {  	v3 =	vld.idx.msk [tilespmem:v3+s9+$0x0], $0xffff;
	_ =	sdelay $0x1  }
0x28f: {  	v5 =	vld [tilespmem:$0x18A80];
	_ =	sdelay $0x1  }
0x290: {  	v6 =	vand.u32 v4, v0  }
0x291: {  	v4 =	vshll.u32 v4, $0x10;
	v7 =	vand.u32 v3, v0;
	v3 =	vshll.u32 v3, $0x10  }
0x292: {  	v6 =	vadd.f32 v7, v6;
	v3 =	vadd.f32 v3, v4  }
0x293: {  	v4 =	vand.u32 v0, v5;
	v5 =	vshll.u32 v5, $0x10  }
0x294: {  	v4 =	vadd.f32 v4, v6;
	v3 =	vadd.f32 v5, v3;
	_ =	sdelay $0x1  }
0x295: {  	v4 =	vmax.f32 v4, $0.0e+00;
	v3 =	vmax.f32 v3, $0.0e+00  }
0x296: {  	v1 =	vmul.f32 v4, v1;
	v2 =	vmul.f32 v3, v2;
	_ =	sdelay $0x1  }
0x297: {  	v1 =	vadd.f32 v2, v1;
	_ =	sdelay $0x1  }
0x298: {  	s22 =	simm.s32 $0x0;
	[tilespmem:s13+$0x0] =	vst.add.f32.msk $0xffff, v1  }
0x299: {  	[tilespmem:s8], [sflag:$0x2] =	stream.linear.gather [hbm4b:s23+s22], $0x2710, $0x38;
	[tilespmem:$0x19400] =	vst v63  }
0x29a: {  	_ = 	snop  }
0x29b: {  	[tilespmem:s9], [sflag:$0x2] =	stream.linear.gather [hbm4b:s24+s22], $0x2710, $0x38;
	[tilespmem:$0x19400] =	vst v63  }
0x29c: {  	_ = 	snop  }
0x29d: {  	[tilespmem:s11], [sflag:$0x2] =	stream.linear.gather [hbm4b:s26+s22], $0x2710, $0x38;
	[tilespmem:$0x19400] =	vst v63  }
0x29e: {  	_ =	swait.ge [sflag:s12], $0x2710  }
0x29f: {  	[sflag:s12] =	ssyncset.done $0x0  }
0x2a0: {  	[sflag:s12] =	ssyncadd.s32 $0xFFFFD8F0  }
0x2a1: {  	_ =	swait.ge [sflag:s12], $0x2710  }
0x2a2: {  	[sflag:s12] =	ssyncset.done $0x0  }
0x2a3: {  	[sflag:s12] =	ssyncadd.s32 $0xFFFFD8F0  }
0x2a4: {  	_ =	swait.ge [sflag:s12], $0x2710  }
0x2a5: {  	[sflag:s12] =	ssyncset.done $0x0  }
0x2a6: {  	s16 =	simm.s32 $0x0;
	[sflag:s12] =	ssyncadd.s32 $0xFFFFD8F0  }
0x2a7: {  	v15 =	vld [tilespmem:s16+$0x13C00]  }
0x2a8: {  	v1 =	vld [tilespmem:s16+$0x13C70]  }
0x2a9: {  	v3 =	vld [tilespmem:s16+$0x13C60]  }
0x2aa: {  	v2 =	vld [tilespmem:s16+$0x13C30]  }
0x2ab: {  	v4 =	vld [tilespmem:s16+$0x4F60]  }
0x2ac: {  	v5 =	vld [tilespmem:s16+$0x4F50]  }
0x2ad: {  	v6 =	vld [tilespmem:s16+$0x4F70]  }
0x2ae: {  	v7 =	vld [tilespmem:s16+$0x4F20]  }
0x2af: {  	v8 =	vld [tilespmem:s16+$0x4F00]  }
0x2b0: {  	v9 =	vld [tilespmem:s16+$0x4F10]  }
0x2b1: {  	v11 =	vld [tilespmem:s16+$0x4F40]  }
0x2b2: {  	v13 =	vld [tilespmem:s16+$0x13C10];
	v10 =	vshrl.u32 v4, $0x10  }
0x2b3: {  	v12 =	vld [tilespmem:s16+$0x13C40];
	v4 =	vand.u32 $0xFFFF, v4  }
0x2b4: {  	v17 =	vld [tilespmem:s16+$0x13C20];
	v14 =	vshrl.u32 v5, $0x10  }
0x2b5: {  	v19 =	vld [tilespmem:s16+$0x4F30];
	v16 =	vand.u32 $0xFFFF, v6  }
0x2b6: {  	v29 =	vld [tilespmem:s16+$0x13C50];
	v6 =	vshrl.u32 v6, $0x10  }
0x2b7: {  	v20 =	vand.u32 $0xFFFF, v9;
	v18 =	vld.idx.msk [tilespmem:v10+s6+$0x0], $0xffff  }
0x2b8: {  	v22 =	vand.u32 $0xFFFF, v5;
	v21 =	vld.idx.msk [tilespmem:v4+s5+$0x0], $0xffff  }
0x2b9: {  	v23 =	vshrl.u32 v11, $0x10;
	v10 =	vld.idx.msk [tilespmem:v14+s6+$0x0], $0xffff  }
0x2ba: {  	v25 =	vshrl.u32 v9, $0x10;
	v9 =	vshrl.u32 v7, $0x10;
	v28 =	vand.u32 $0xFFFF, v7;
	v30 =	vld.idx.msk [tilespmem:v16+s5+$0x0], $0xffff  }
0x2bb: {  	v31 =	vshrl.u32 v8, $0x10;
	v26 =	vand.u32 $0xFFFF, v8;
	v53 =	vand.u32 $0xFFFF, v11;
	v6 =	vld.idx.msk [tilespmem:v6+s6+$0x0], $0xffff  }
0x2bc: {  	v7 =	vshll.u32 v17, $0x10;
	v54 =	vshll.u32 v13, $0x10;
	v5 =	vand.u32 v0, v12;
	v55 =	vld.idx.msk [tilespmem:v20+s5+$0x0], $0xffff  }
0x2bd: {  	v27 =	vshrl.u32 v19, $0x10;
	v11 =	vand.u32 v0, v15;
	v56 =	vand.u32 v0, v2;
	v22 =	vld.idx.msk [tilespmem:v22+s5+$0x0], $0xffff  }
0x2be: {  	v8 =	vand.u32 v0, v3;
	v13 =	vand.u32 v0, v13;
	v14 =	vand.u32 $0xFFFF, v19;
	v57 =	vld.idx.msk [tilespmem:v23+s6+$0x0], $0xffff  }
0x2bf: {  	v24 =	vand.u32 v0, v17;
	v32 =	vshll.u32 v2, $0x10;
	v4 =	vshll.u32 v12, $0x10;
	v59 =	vld.idx.msk [tilespmem:v9+s6+$0x0], $0xffff  }
0x2c0: {  	v12 =	vshll.u32 v29, $0x10;
	v9 =	vand.u32 v0, v1;
	v34 =	vld.idx.msk [tilespmem:v31+s6+$0x0], $0xffff;
	v31 =	vshll.u32 v15, $0x10  }
0x2c1: {  	v41 =	vld.idx.msk [tilespmem:v25+s6+$0x0], $0xffff;
	v58 =	vand.u32 v10, v0;
	v16 =	vand.u32 v18, v0;
	v20 =	vshll.u32 v21, $0x10  }
0x2c2: {  	v39 =	vshll.u32 v6, $0x10;
	v19 =	vand.u32 v21, v0;
	v23 =	vshll.u32 v18, $0x10;
	v21 =	vld.idx.msk [tilespmem:v27+s6+$0x0], $0xffff  }
0x2c3: {  	v40 =	vld.idx.msk [tilespmem:v14+s5+$0x0], $0xffff;
	v6 =	vand.u32 v6, v0;
	v14 =	vshll.u32 v1, $0x10;
	v1 =	vand.u32 v30, v0  }
0x2c4: {  	v18 =	vand.u32 v22, v0;
	v27 =	vshll.u32 v22, $0x10;
	v30 =	vshll.u32 v30, $0x10  }
0x2c5: {  	v22 =	vshll.u32 v57, $0x10;
	v42 =	vshll.u32 v55, $0x10;
	v60 =	vand.u32 v55, v0  }
0x2c6: {  	v44 =	vshll.u32 v59, $0x10;
	v2 =	vand.u32 v41, v0;
	v17 =	vadd.f32 v6, v1;
	v6 =	vld.idx.msk [tilespmem:v28+s5+$0x0], $0xffff  }
0x2c7: {  	v38 =	vand.u32 v59, v0;
	v25 =	vadd.f32 v58, v18;
	v62 =	vand.u32 v21, v0  }
0x2c8: {  	v26 =	vld.idx.msk [tilespmem:v26+s5+$0x0], $0xffff;
	v43 =	vshll.u32 v21, $0x10;
	v21 =	vand.u32 v0, v29;
	v29 =	vshll.u32 v41, $0x10  }
0x2c9: {  	v28 =	vand.u32 v57, v0;
	v18 =	vadd.f32 v39, v30;
	v42 =	vadd.f32 v29, v42;
	v29 =	vld.idx.msk [tilespmem:v53+s5+$0x0], $0xffff  }
0x2ca: {  	v63 =	vadd.f32 v2, v60;
	v61 =	vand.u32 v40, v0;
	v40 =	vshll.u32 v40, $0x10  }
0x2cb: {  	v45 =	vshll.u32 v6, $0x10;
	v39 =	vadd.f32 v62, v61;
	v36 =	vadd.f32 v43, v40  }
0x2cc: {  	v1 =	vld [tilespmem:$0x18D00];
	v35 =	vand.u32 v6, v0;
	v6 =	vadd.f32 v13, v63;
	v33 =	vadd.f32 v44, v45  }
0x2cd: {  	s17 =	simm.s32 $0x0;
	s18 =	simm.s32 $0x200;
	v30 =	vand.u32 v26, v0;
	v2 =	vld [tilespmem:$0x19100];
	v13 =	vadd.f32 v54, v42;
	v37 =	vadd.f32 v56, v39  }
.LBB2_12:
0x2ce: {  	s19 =	sshra.s32 s18, $0x2;
	s17 =	sadd.s32 $0x8, s17;
	v35 =	vadd.f32 v38, v35;
	v32 =	vadd.f32 v32, v36;
	v36 =	vand.u32 v29, v0  }
0x2cf: {  	v38 =	vshll.u32 v34, $0x10;
	v39 =	vadd.f32 v21, v25;
	v15 =	vld [tilespmem:s19+$0x13C00];
	p0 =	slt.u32 s17, $0x268;
	v37 =	vmax.f32 v37, $0.0e+00  }
0x2d0: {  	v21 =	vshll.u32 v26, $0x10;
	v26 =	vand.u32 v34, v0;
	v28 =	vadd.f32 v28, v36;
	v25 =	vld [tilespmem:s19+$0x13C70]  }
0x2d1: {  	v36 =	vadd.f32 v38, v21;
	v24 =	vadd.f32 v24, v35;
	v32 =	vmax.f32 v32, $0.0e+00;
	v34 =	vld [tilespmem:s19+$0x13C60]  }
0x2d2: {  	v10 =	vshll.u32 v10, $0x10;
	v26 =	vadd.f32 v26, v30;
	v30 =	vmul.f32 v37, v1;
	v21 =	vld [tilespmem:s19+$0x13C30]  }
0x2d3: {  	v3 =	vshll.u32 v3, $0x10;
	v20 =	vadd.f32 v23, v20;
	v7 =	vadd.f32 v7, v33;
	v35 =	vld [tilespmem:s19+$0x4F60]  }
0x2d4: {  	v10 =	vadd.f32 v10, v27;
	v31 =	vadd.f32 v31, v36;
	v24 =	vmax.f32 v24, $0.0e+00;
	v23 =	vld [tilespmem:s19+$0x4F50]  }
0x2d5: {  	v29 =	vshll.u32 v29, $0x10;
	v16 =	vadd.f32 v16, v19;
	v7 =	vmax.f32 v7, $0.0e+00;
	v27 =	vld [tilespmem:s19+$0x4F70]  }
0x2d6: {  	v33 =	vmul.f32 v7, v2;
	v7 =	vadd.f32 v12, v10;
	v10 =	vadd.f32 v3, v20;
	v19 =	vld [tilespmem:s19+$0x4F20];
	v3 =	vmovc v34  }
0x2d7: {  	v22 =	vadd.f32 v22, v29;
	v11 =	vadd.f32 v11, v26;
	v20 =	vmax.f32 v31, $0.0e+00;
	v12 =	vld [tilespmem:s19+$0x4F00]  }
0x2d8: {  	v7 =	vmax.f32 v7, $0.0e+00;
	v26 =	vld [tilespmem:s19+$0x4F10];
	v29 =	vshrl.u32 v35, $0x10;
	v31 =	vand.u32 $0xFFFF, v35  }
0x2d9: {  	v36 =	vmul.f32 v7, v2;
	v34 =	vld [tilespmem:s19+$0x4F40];
	v35 =	vshrl.u32 v23, $0x10;
	v23 =	vand.u32 $0xFFFF, v23  }
0x2da: {  	v8 =	vadd.f32 v8, v16;
	v37 =	vld [tilespmem:s19+$0x13C10];
	v38 =	vshrl.u32 v27, $0x10;
	v7 =	vand.u32 $0xFFFF, v27  }
0x2db: {  	v9 =	vadd.f32 v9, v17;
	v4 =	vadd.f32 v4, v22;
	v27 =	vmul.f32 v32, v2;
	v16 =	vld [tilespmem:s19+$0x13C40]  }
0x2dc: {  	v5 =	vadd.f32 v5, v28;
	v22 =	vmax.f32 v39, $0.0e+00;
	v10 =	vmax.f32 v10, $0.0e+00;
	v17 =	vld [tilespmem:s19+$0x13C20]  }
0x2dd: {  	v14 =	vadd.f32 v14, v18;
	v28 =	vshrl.u32 v26, $0x10;
	v26 =	vand.u32 $0xFFFF, v26;
	v29 =	vld.idx.msk [tilespmem:v29+s6+$0x0], $0xffff  }
0x2de: {  	v18 =	vshrl.u32 v19, $0x10;
	v32 =	vand.u32 $0xFFFF, v19;
	v19 =	vshrl.u32 v34, $0x10;
	v31 =	vld.idx.msk [tilespmem:v31+s5+$0x0], $0xffff  }
0x2df: {  	v22 =	vmul.f32 v22, v1;
	v8 =	vmax.f32 v8, $0.0e+00;
	v39 =	vshrl.u32 v12, $0x10  }
0x2e0: {  	v8 =	vmul.f32 v8, v1;
	v40 =	vand.u32 $0xFFFF, v12;
	v34 =	vand.u32 $0xFFFF, v34;
	v41 =	vld.idx.msk [tilespmem:v7+s5+$0x0], $0xffff  }
0x2e1: {  	v43 =	vmul.f32 v10, v2;
	v12 =	vmax.f32 v4, $0.0e+00;
	v7 =	vshll.u32 v17, $0x10;
	v42 =	vld [tilespmem:s19+$0x4F30]  }
0x2e2: {  	v36 =	vadd.f32 v36, v22;
	v45 =	vmul.f32 v12, v2;
	v4 =	vshll.u32 v16, $0x10;
	v44 =	vld [tilespmem:s19+$0x13C50]  }
0x2e3: {  	v8 =	vadd.f32 v43, v8;
	v12 =	vmax.f32 v5, $0.0e+00;
	v46 =	vshll.u32 v37, $0x10;
	v10 =	vld.idx.msk [tilespmem:v35+s6+$0x0], $0xffff  }
0x2e4: {  	v11 =	vmax.f32 v11, $0.0e+00;
	v5 =	vand.u32 v0, v16;
	v16 =	vmul.f32 v20, v2;
	v22 =	vld.idx.msk [tilespmem:v38+s6+$0x0], $0xffff  }
0x2e5: {  	v11 =	vmul.f32 v11, v1;
	v20 =	vadd.f32 v27, v30;
	v27 =	vmul.f32 v12, v1;
	v35 =	vld.idx.msk [tilespmem:v26+s5+$0x0], $0xffff  }
0x2e6: {  	v14 =	vmax.f32 v14, $0.0e+00;
	v24 =	vmul.f32 v24, v1;
	[tilespmem:s16+$0x76E0] =	vst.add.f32.msk $0xffff, v8  }
0x2e7: {  	v30 =	vadd.f32 v16, v11;
	v38 =	vmax.f32 v9, $0.0e+00;
	v12 =	vshll.u32 v44, $0x10;
	[tilespmem:s16+$0x76B0] =	vst.add.f32.msk $0xffff, v20  }
0x2e8: {  	v33 =	vadd.f32 v33, v24;
	v11 =	vand.u32 v0, v15;
	v43 =	vand.u32 $0xFFFF, v42;
	v47 =	vld.idx.msk [tilespmem:v19+s6+$0x0], $0xffff  }
0x2e9: {  	v49 =	vand.u32 v10, v0;
	v48 =	vld.idx.msk [tilespmem:v18+s6+$0x0], $0xffff;
	v18 =	vshrl.u32 v42, $0x10;
	v42 =	vand.u32 v0, v21  }
0x2ea: {  	v8 =	vand.u32 v0, v3;
	v19 =	vadd.f32 v45, v27;
	v26 =	vld.idx.msk [tilespmem:v40+s5+$0x0], $0xffff  }
0x2eb: {  	v16 =	vand.u32 v29, v0;
	v9 =	vand.u32 v0, v25;
	v40 =	vmul.f32 v14, v2;
	v27 =	vld.idx.msk [tilespmem:v23+s5+$0x0], $0xffff  }
0x2ec: {  	v13 =	vmax.f32 v13, $0.0e+00;
	v37 =	vand.u32 v0, v37;
	v20 =	vshll.u32 v31, $0x10;
	[tilespmem:s16+$0x76C0] =	vst.add.f32.msk $0xffff, v19  }
0x2ed: {  	v13 =	vmul.f32 v13, v2;
	v24 =	vand.u32 v0, v17;
	v45 =	vshll.u32 v22, $0x10;
	[tilespmem:s16+$0x7680] =	vst.add.f32.msk $0xffff, v30  }
0x2ee: {  	v17 =	vmul.f32 v38, v1;
	v23 =	vshll.u32 v29, $0x10;
	v19 =	vand.u32 v31, v0;
	v43 =	vld.idx.msk [tilespmem:v43+s5+$0x0], $0xffff  }
0x2ef: {  	v6 =	vmax.f32 v6, $0.0e+00;
	v14 =	vshll.u32 v25, $0x10;
	v29 =	vld.idx.msk [tilespmem:v18+s6+$0x0], $0xffff;
	v18 =	vand.u32 v22, v0  }
0x2f0: {  	v6 =	vmul.f32 v6, v1;
	v25 =	vand.u32 v41, v0;
	v30 =	vadd.f32 v40, v17;
	v31 =	vld.idx.msk [tilespmem:v28+s6+$0x0], $0xffff  }
0x2f1: {  	v40 =	vshll.u32 v41, $0x10;
	v38 =	vld.idx.msk [tilespmem:v32+s5+$0x0], $0xffff;
	v32 =	vand.u32 v27, v0;
	v27 =	vshll.u32 v27, $0x10  }
0x2f2: {  	v6 =	vadd.f32 v13, v6;
	v22 =	vshll.u32 v47, $0x10;
	v17 =	vadd.f32 v18, v25;
	[tilespmem:s16+$0x76D0] =	vst.add.f32.msk $0xffff, v36  }
0x2f3: {  	v13 =	vshll.u32 v35, $0x10;
	v28 =	vand.u32 v47, v0;
	v25 =	vadd.f32 v49, v32;
	[tilespmem:s16+$0x76A0] =	vst.add.f32.msk $0xffff, v33  }
0x2f4: {  	v18 =	vadd.f32 v45, v40;
	v33 =	vand.u32 v35, v0;
	v36 =	vand.u32 v43, v0;
	[tilespmem:s16+$0x7690] =	vst.add.f32.msk $0xffff, v6  }
0x2f5: {  	v32 =	vshll.u32 v21, $0x10;
	v6 =	vand.u32 v29, v0;
	v40 =	vshll.u32 v29, $0x10;
	[tilespmem:s16+$0x76F0] =	vst.add.f32.msk $0xffff, v30;
	s16 =	smov.u32 s19  }
0x2f6: {  	v41 =	vshll.u32 v48, $0x10;
	v21 =	vand.u32 v0, v44;
	v30 =	vand.u32 v26, v0;
	v29 =	vld.idx.msk [tilespmem:v34+s5+$0x0], $0xffff  }
.Ltmp5:
0x2f7: {  	v35 =	vand.u32 v31, v0;
	v31 =	vshll.u32 v31, $0x10;
	v34 =	vld.idx.msk [tilespmem:v39+s6+$0x0], $0xffff;
	v39 =	vshll.u32 v43, $0x10;
	(pc) =	sbr.rel @p0 .LBB2_12-.Ltmp5, $4  }
0x2f8: {  	v33 =	vadd.f32 v35, v33;
	v13 =	vadd.f32 v31, v13;
	v35 =	vand.u32 v38, v0  }
0x2f9: {  	v44 =	vadd.f32 v6, v36;
	v43 =	vshll.u32 v38, $0x10;
	v36 =	vadd.f32 v40, v39  }
0x2fa: {  	v38 =	vand.u32 v48, v0;
	v6 =	vadd.f32 v37, v33;
	v13 =	vadd.f32 v46, v13  }
0x2fb: {  	s18 =	sadd.s32 $0x200, s18;
	v31 =	vshll.u32 v15, $0x10;
	v33 =	vadd.f32 v41, v43;
	v37 =	vadd.f32 v42, v44  }
0x2fc: {  	v15 =	vadd.f32 v38, v35;
	v32 =	vadd.f32 v32, v36;
	v51 =	vand.u32 v29, v0  }
0x2fd: {  	v52 =	vshll.u32 v34, $0x10;
	v21 =	vadd.f32 v21, v25;
	v25 =	vshll.u32 v26, $0x10  }
0x2fe: {  	v26 =	vand.u32 v34, v0;
	v10 =	vshll.u32 v10, $0x10;
	v20 =	vadd.f32 v23, v20  }
0x2ff: {  	v3 =	vshll.u32 v3, $0x10;
	v9 =	vadd.f32 v9, v17;
	v14 =	vadd.f32 v14, v18  }
0x300: {  	v6 =	vmax.f32 v6, $0.0e+00;
	v28 =	vadd.f32 v28, v51;
	v25 =	vadd.f32 v52, v25  }
0x301: {  	v37 =	vmax.f32 v37, $0.0e+00;
	v26 =	vadd.f32 v26, v30;
	v7 =	vadd.f32 v7, v33  }
0x302: {  	v10 =	vadd.f32 v10, v27;
	v6 =	vmul.f32 v6, v1;
	v15 =	vadd.f32 v24, v15  }
0x303: {  	v24 =	vmax.f32 v32, $0.0e+00;
	v30 =	vmul.f32 v37, v1;
	v3 =	vadd.f32 v3, v20  }
0x304: {  	v9 =	vmax.f32 v9, $0.0e+00;
	v23 =	vadd.f32 v31, v25;
	v7 =	vmax.f32 v7, $0.0e+00  }
0x305: {  	v25 =	vshll.u32 v29, $0x10;
	v10 =	vadd.f32 v12, v10;
	v12 =	vadd.f32 v16, v19  }
0x306: {  	v11 =	vadd.f32 v11, v26;
	v5 =	vadd.f32 v5, v28;
	v15 =	vmax.f32 v15, $0.0e+00  }
0x307: {  	v7 =	vmul.f32 v7, v2;
	v16 =	vadd.f32 v22, v25;
	v8 =	vadd.f32 v8, v12  }
0x308: {  	v3 =	vmax.f32 v3, $0.0e+00;
	v19 =	vmax.f32 v23, $0.0e+00;
	v12 =	vmul.f32 v24, v2  }
0x309: {  	v3 =	vmul.f32 v3, v2;
	v4 =	vadd.f32 v4, v16;
	v8 =	vmax.f32 v8, $0.0e+00  }
0x30a: {  	v5 =	vmax.f32 v5, $0.0e+00;
	v15 =	vmul.f32 v15, v1;
	v8 =	vmul.f32 v8, v1  }
0x30b: {  	v5 =	vmul.f32 v5, v1;
	v12 =	vadd.f32 v12, v30;
	v4 =	vmax.f32 v4, $0.0e+00  }
0x30c: {  	v4 =	vmul.f32 v4, v2;
	v3 =	vadd.f32 v3, v8;
	v8 =	vmax.f32 v11, $0.0e+00  }
0x30d: {  	v10 =	vmax.f32 v10, $0.0e+00;
	v11 =	vmul.f32 v19, v2;
	v8 =	vmul.f32 v8, v1  }
0x30e: {  	v10 =	vmul.f32 v10, v2;
	v16 =	vmax.f32 v21, $0.0e+00;
	[tilespmem:s16+$0x76B0] =	vst.add.f32.msk $0xffff, v12;
	v4 =	vadd.f32 v4, v5  }
0x30f: {  	v16 =	vmul.f32 v16, v1;
	[tilespmem:s16+$0x76E0] =	vst.add.f32.msk $0xffff, v3;
	v5 =	vadd.f32 v11, v8;
	v8 =	vmax.f32 v13, $0.0e+00  }
0x310: {  	v7 =	vadd.f32 v7, v15;
	v3 =	vmax.f32 v14, $0.0e+00;
	[tilespmem:s16+$0x76C0] =	vst.add.f32.msk $0xffff, v4;
	v4 =	vmul.f32 v8, v2  }
0x311: {  	v10 =	vadd.f32 v10, v16;
	v3 =	vmul.f32 v3, v2;
	[tilespmem:s16+$0x7680] =	vst.add.f32.msk $0xffff, v5;
	v5 =	vmul.f32 v9, v1  }
0x312: {  	[tilespmem:s16+$0x76A0] =	vst.add.f32.msk $0xffff, v7;
	v4 =	vadd.f32 v4, v6  }
0x313: {  	[tilespmem:s16+$0x76D0] =	vst.add.f32.msk $0xffff, v10;
	v3 =	vadd.f32 v3, v5  }
0x314: {  	[tilespmem:s16+$0x7690] =	vst.add.f32.msk $0xffff, v4  }
0x315: {  	[tilespmem:s16+$0x76F0] =	vst.add.f32.msk $0xffff, v3  }
0x316: {  	v3 =	vld [tilespmem:$0x7600];
	_ =	sdelay $0x4  }
0x317: {  	v4 =	vand.u32 $0xFFFF, v3  }
0x318: {  	v3 =	vshrl.u32 v3, $0x10;
	_ =	sdelay $0x3  }
0x319: {  	v4 =	vld.idx.msk [tilespmem:v4+s5+$0x0], $0xffff  }
0x31a: {  	v3 =	vld.idx.msk [tilespmem:v3+s6+$0x0], $0xffff;
	_ =	sdelay $0x1  }
0x31b: {  	v5 =	vld [tilespmem:$0x16300];
	_ =	sdelay $0x1  }
0x31c: {  	v6 =	vand.u32 v4, v0  }
0x31d: {  	v4 =	vshll.u32 v4, $0x10;
	v7 =	vand.u32 v3, v0;
	v3 =	vshll.u32 v3, $0x10  }
0x31e: {  	v6 =	vadd.f32 v7, v6;
	v3 =	vadd.f32 v3, v4  }
0x31f: {  	v4 =	vand.u32 v0, v5;
	v5 =	vshll.u32 v5, $0x10  }
0x320: {  	v4 =	vadd.f32 v4, v6;
	v3 =	vadd.f32 v5, v3;
	_ =	sdelay $0x1  }
0x321: {  	v4 =	vmax.f32 v4, $0.0e+00;
	v3 =	vmax.f32 v3, $0.0e+00  }
0x322: {  	v1 =	vmul.f32 v4, v1;
	v2 =	vmul.f32 v3, v2;
	_ =	sdelay $0x1  }
0x323: {  	v1 =	vadd.f32 v2, v1;
	_ =	sdelay $0x1  }
0x324: {  	s22 =	simm.s32 $0x0;
	[tilespmem:s13+$0x0] =	vst.add.f32.msk $0xffff, v1  }
0x325: {  	[tilespmem:s5], [sflag:$0x1] =	stream.linear.gather [hbm4b:s28+s22], $0x2710, $0x38;
	[tilespmem:$0x19400] =	vst v63  }
0x326: {  	_ = 	snop  }
0x327: {  	[tilespmem:s6], [sflag:$0x1] =	stream.linear.gather [hbm4b:s29+s22], $0x2710, $0x38;
	[tilespmem:$0x19400] =	vst v63  }
0x328: {  	_ = 	snop  }
0x329: {  	[tilespmem:s7], [sflag:$0x1] =	stream.linear.gather [hbm4b:s30+s22], $0x2710, $0x38;
	[tilespmem:$0x19400] =	vst v63  }
0x32a: {  	_ =	swait.ge [sflag:s14], $0x2710  }
0x32b: {  	[sflag:s14] =	ssyncset.done $0x0  }
0x32c: {  	[sflag:s14] =	ssyncadd.s32 $0xFFFFD8F0  }
0x32d: {  	_ =	swait.ge [sflag:s14], $0x2710  }
0x32e: {  	[sflag:s14] =	ssyncset.done $0x0  }
0x32f: {  	[sflag:s14] =	ssyncadd.s32 $0xFFFFD8F0  }
0x330: {  	_ =	swait.ge [sflag:s14], $0x2710  }
0x331: {  	[sflag:s14] =	ssyncset.done $0x0  }
0x332: {  	s16 =	simm.s32 $0x0;
	[sflag:s14] =	ssyncadd.s32 $0xFFFFD8F0  }
0x333: {  	v15 =	vld [tilespmem:s16+$0x16380]  }
0x334: {  	v1 =	vld [tilespmem:s16+$0x163F0]  }
0x335: {  	v3 =	vld [tilespmem:s16+$0x163E0]  }
0x336: {  	v2 =	vld [tilespmem:s16+$0x163B0]  }
0x337: {  	v4 =	vld [tilespmem:s16+$0x4F60]  }
0x338: {  	v5 =	vld [tilespmem:s16+$0x4F50]  }
0x339: {  	v6 =	vld [tilespmem:s16+$0x4F70]  }
0x33a: {  	v7 =	vld [tilespmem:s16+$0x4F20]  }
0x33b: {  	v8 =	vld [tilespmem:s16+$0x4F00]  }
0x33c: {  	v9 =	vld [tilespmem:s16+$0x4F10]  }
0x33d: {  	v11 =	vld [tilespmem:s16+$0x4F40]  }
0x33e: {  	v13 =	vld [tilespmem:s16+$0x16390];
	v10 =	vshrl.u32 v4, $0x10  }
0x33f: {  	v12 =	vld [tilespmem:s16+$0x163C0];
	v4 =	vand.u32 $0xFFFF, v4  }
0x340: {  	v17 =	vld [tilespmem:s16+$0x163A0];
	v14 =	vshrl.u32 v5, $0x10  }
0x341: {  	v19 =	vld [tilespmem:s16+$0x4F30];
	v16 =	vand.u32 $0xFFFF, v6  }
0x342: {  	v29 =	vld [tilespmem:s16+$0x163D0];
	v6 =	vshrl.u32 v6, $0x10  }
0x343: {  	v20 =	vand.u32 $0xFFFF, v9;
	v18 =	vld.idx.msk [tilespmem:v10+s9+$0x0], $0xffff  }
0x344: {  	v22 =	vand.u32 $0xFFFF, v5;
	v21 =	vld.idx.msk [tilespmem:v4+s8+$0x0], $0xffff  }
0x345: {  	v23 =	vshrl.u32 v11, $0x10;
	v10 =	vld.idx.msk [tilespmem:v14+s9+$0x0], $0xffff  }
0x346: {  	v25 =	vshrl.u32 v9, $0x10;
	v9 =	vshrl.u32 v7, $0x10;
	v28 =	vand.u32 $0xFFFF, v7;
	v30 =	vld.idx.msk [tilespmem:v16+s8+$0x0], $0xffff  }
0x347: {  	v31 =	vshrl.u32 v8, $0x10;
	v26 =	vand.u32 $0xFFFF, v8;
	v53 =	vand.u32 $0xFFFF, v11;
	v6 =	vld.idx.msk [tilespmem:v6+s9+$0x0], $0xffff  }
0x348: {  	v7 =	vshll.u32 v17, $0x10;
	v54 =	vshll.u32 v13, $0x10;
	v5 =	vand.u32 v0, v12;
	v55 =	vld.idx.msk [tilespmem:v20+s8+$0x0], $0xffff  }
0x349: {  	v27 =	vshrl.u32 v19, $0x10;
	v11 =	vand.u32 v0, v15;
	v56 =	vand.u32 v0, v2;
	v22 =	vld.idx.msk [tilespmem:v22+s8+$0x0], $0xffff  }
0x34a: {  	v8 =	vand.u32 v0, v3;
	v13 =	vand.u32 v0, v13;
	v14 =	vand.u32 $0xFFFF, v19;
	v57 =	vld.idx.msk [tilespmem:v23+s9+$0x0], $0xffff  }
0x34b: {  	v24 =	vand.u32 v0, v17;
	v32 =	vshll.u32 v2, $0x10;
	v4 =	vshll.u32 v12, $0x10;
	v59 =	vld.idx.msk [tilespmem:v9+s9+$0x0], $0xffff  }
0x34c: {  	v12 =	vshll.u32 v29, $0x10;
	v9 =	vand.u32 v0, v1;
	v34 =	vld.idx.msk [tilespmem:v31+s9+$0x0], $0xffff;
	v31 =	vshll.u32 v15, $0x10  }
0x34d: {  	v41 =	vld.idx.msk [tilespmem:v25+s9+$0x0], $0xffff;
	v58 =	vand.u32 v10, v0;
	v16 =	vand.u32 v18, v0;
	v20 =	vshll.u32 v21, $0x10  }
0x34e: {  	v39 =	vshll.u32 v6, $0x10;
	v19 =	vand.u32 v21, v0;
	v23 =	vshll.u32 v18, $0x10;
	v21 =	vld.idx.msk [tilespmem:v27+s9+$0x0], $0xffff  }
0x34f: {  	v40 =	vld.idx.msk [tilespmem:v14+s8+$0x0], $0xffff;
	v6 =	vand.u32 v6, v0;
	v14 =	vshll.u32 v1, $0x10;
	v1 =	vand.u32 v30, v0  }
0x350: {  	v18 =	vand.u32 v22, v0;
	v27 =	vshll.u32 v22, $0x10;
	v30 =	vshll.u32 v30, $0x10  }
0x351: {  	v22 =	vshll.u32 v57, $0x10;
	v42 =	vshll.u32 v55, $0x10;
	v60 =	vand.u32 v55, v0  }
0x352: {  	v44 =	vshll.u32 v59, $0x10;
	v2 =	vand.u32 v41, v0;
	v17 =	vadd.f32 v6, v1;
	v6 =	vld.idx.msk [tilespmem:v28+s8+$0x0], $0xffff  }
0x353: {  	v38 =	vand.u32 v59, v0;
	v25 =	vadd.f32 v58, v18;
	v62 =	vand.u32 v21, v0  }
0x354: {  	v26 =	vld.idx.msk [tilespmem:v26+s8+$0x0], $0xffff;
	v43 =	vshll.u32 v21, $0x10;
	v21 =	vand.u32 v0, v29;
	v29 =	vshll.u32 v41, $0x10  }
0x355: {  	v28 =	vand.u32 v57, v0;
	v18 =	vadd.f32 v39, v30;
	v42 =	vadd.f32 v29, v42;
	v29 =	vld.idx.msk [tilespmem:v53+s8+$0x0], $0xffff  }
0x356: {  	v63 =	vadd.f32 v2, v60;
	v61 =	vand.u32 v40, v0;
	v40 =	vshll.u32 v40, $0x10  }
0x357: {  	v45 =	vshll.u32 v6, $0x10;
	v39 =	vadd.f32 v62, v61;
	v36 =	vadd.f32 v43, v40  }
0x358: {  	v1 =	vld [tilespmem:$0x18D80];
	v35 =	vand.u32 v6, v0;
	v6 =	vadd.f32 v13, v63;
	v33 =	vadd.f32 v44, v45  }
0x359: {  	s17 =	simm.s32 $0x0;
	s18 =	simm.s32 $0x200;
	v30 =	vand.u32 v26, v0;
	v2 =	vld [tilespmem:$0x19180];
	v13 =	vadd.f32 v54, v42;
	v37 =	vadd.f32 v56, v39  }
.LBB2_14:
0x35a: {  	s19 =	sshra.s32 s18, $0x2;
	s17 =	sadd.s32 $0x8, s17;
	v35 =	vadd.f32 v38, v35;
	v32 =	vadd.f32 v32, v36;
	v36 =	vand.u32 v29, v0  }
0x35b: {  	v38 =	vshll.u32 v34, $0x10;
	v39 =	vadd.f32 v21, v25;
	v15 =	vld [tilespmem:s19+$0x16380];
	p0 =	slt.u32 s17, $0x268;
	v37 =	vmax.f32 v37, $0.0e+00  }
0x35c: {  	v21 =	vshll.u32 v26, $0x10;
	v26 =	vand.u32 v34, v0;
	v28 =	vadd.f32 v28, v36;
	v25 =	vld [tilespmem:s19+$0x163F0]  }
0x35d: {  	v36 =	vadd.f32 v38, v21;
	v24 =	vadd.f32 v24, v35;
	v32 =	vmax.f32 v32, $0.0e+00;
	v34 =	vld [tilespmem:s19+$0x163E0]  }
0x35e: {  	v10 =	vshll.u32 v10, $0x10;
	v26 =	vadd.f32 v26, v30;
	v30 =	vmul.f32 v37, v1;
	v21 =	vld [tilespmem:s19+$0x163B0]  }
0x35f: {  	v3 =	vshll.u32 v3, $0x10;
	v20 =	vadd.f32 v23, v20;
	v7 =	vadd.f32 v7, v33;
	v35 =	vld [tilespmem:s19+$0x4F60]  }
0x360: {  	v10 =	vadd.f32 v10, v27;
	v31 =	vadd.f32 v31, v36;
	v24 =	vmax.f32 v24, $0.0e+00;
	v23 =	vld [tilespmem:s19+$0x4F50]  }
0x361: {  	v29 =	vshll.u32 v29, $0x10;
	v16 =	vadd.f32 v16, v19;
	v7 =	vmax.f32 v7, $0.0e+00;
	v27 =	vld [tilespmem:s19+$0x4F70]  }
0x362: {  	v33 =	vmul.f32 v7, v2;
	v7 =	vadd.f32 v12, v10;
	v10 =	vadd.f32 v3, v20;
	v19 =	vld [tilespmem:s19+$0x4F20];
	v3 =	vmovc v34  }
0x363: {  	v22 =	vadd.f32 v22, v29;
	v11 =	vadd.f32 v11, v26;
	v20 =	vmax.f32 v31, $0.0e+00;
	v12 =	vld [tilespmem:s19+$0x4F00]  }
0x364: {  	v7 =	vmax.f32 v7, $0.0e+00;
	v26 =	vld [tilespmem:s19+$0x4F10];
	v29 =	vshrl.u32 v35, $0x10;
	v31 =	vand.u32 $0xFFFF, v35  }
0x365: {  	v36 =	vmul.f32 v7, v2;
	v34 =	vld [tilespmem:s19+$0x4F40];
	v35 =	vshrl.u32 v23, $0x10;
	v23 =	vand.u32 $0xFFFF, v23  }
0x366: {  	v8 =	vadd.f32 v8, v16;
	v37 =	vld [tilespmem:s19+$0x16390];
	v38 =	vshrl.u32 v27, $0x10;
	v7 =	vand.u32 $0xFFFF, v27  }
0x367: {  	v9 =	vadd.f32 v9, v17;
	v4 =	vadd.f32 v4, v22;
	v27 =	vmul.f32 v32, v2;
	v16 =	vld [tilespmem:s19+$0x163C0]  }
0x368: {  	v5 =	vadd.f32 v5, v28;
	v22 =	vmax.f32 v39, $0.0e+00;
	v10 =	vmax.f32 v10, $0.0e+00;
	v17 =	vld [tilespmem:s19+$0x163A0]  }
0x369: {  	v14 =	vadd.f32 v14, v18;
	v28 =	vshrl.u32 v26, $0x10;
	v26 =	vand.u32 $0xFFFF, v26;
	v29 =	vld.idx.msk [tilespmem:v29+s9+$0x0], $0xffff  }
0x36a: {  	v18 =	vshrl.u32 v19, $0x10;
	v32 =	vand.u32 $0xFFFF, v19;
	v19 =	vshrl.u32 v34, $0x10;
	v31 =	vld.idx.msk [tilespmem:v31+s8+$0x0], $0xffff  }
0x36b: {  	v22 =	vmul.f32 v22, v1;
	v8 =	vmax.f32 v8, $0.0e+00;
	v39 =	vshrl.u32 v12, $0x10  }
0x36c: {  	v8 =	vmul.f32 v8, v1;
	v40 =	vand.u32 $0xFFFF, v12;
	v34 =	vand.u32 $0xFFFF, v34;
	v41 =	vld.idx.msk [tilespmem:v7+s8+$0x0], $0xffff  }
0x36d: {  	v43 =	vmul.f32 v10, v2;
	v12 =	vmax.f32 v4, $0.0e+00;
	v7 =	vshll.u32 v17, $0x10;
	v42 =	vld [tilespmem:s19+$0x4F30]  }
0x36e: {  	v36 =	vadd.f32 v36, v22;
	v45 =	vmul.f32 v12, v2;
	v4 =	vshll.u32 v16, $0x10;
	v44 =	vld [tilespmem:s19+$0x163D0]  }
0x36f: {  	v8 =	vadd.f32 v43, v8;
	v12 =	vmax.f32 v5, $0.0e+00;
	v46 =	vshll.u32 v37, $0x10;
	v10 =	vld.idx.msk [tilespmem:v35+s9+$0x0], $0xffff  }
0x370: {  	v11 =	vmax.f32 v11, $0.0e+00;
	v5 =	vand.u32 v0, v16;
	v16 =	vmul.f32 v20, v2;
	v22 =	vld.idx.msk [tilespmem:v38+s9+$0x0], $0xffff  }
0x371: {  	v11 =	vmul.f32 v11, v1;
	v20 =	vadd.f32 v27, v30;
	v27 =	vmul.f32 v12, v1;
	v35 =	vld.idx.msk [tilespmem:v26+s8+$0x0], $0xffff  }
0x372: {  	v14 =	vmax.f32 v14, $0.0e+00;
	v24 =	vmul.f32 v24, v1;
	[tilespmem:s16+$0x76E0] =	vst.add.f32.msk $0xffff, v8  }
0x373: {  	v30 =	vadd.f32 v16, v11;
	v38 =	vmax.f32 v9, $0.0e+00;
	v12 =	vshll.u32 v44, $0x10;
	[tilespmem:s16+$0x76B0] =	vst.add.f32.msk $0xffff, v20  }
0x374: {  	v33 =	vadd.f32 v33, v24;
	v11 =	vand.u32 v0, v15;
	v43 =	vand.u32 $0xFFFF, v42;
	v47 =	vld.idx.msk [tilespmem:v19+s9+$0x0], $0xffff  }
0x375: {  	v49 =	vand.u32 v10, v0;
	v48 =	vld.idx.msk [tilespmem:v18+s9+$0x0], $0xffff;
	v18 =	vshrl.u32 v42, $0x10;
	v42 =	vand.u32 v0, v21  }
0x376: {  	v8 =	vand.u32 v0, v3;
	v19 =	vadd.f32 v45, v27;
	v26 =	vld.idx.msk [tilespmem:v40+s8+$0x0], $0xffff  }
0x377: {  	v16 =	vand.u32 v29, v0;
	v9 =	vand.u32 v0, v25;
	v40 =	vmul.f32 v14, v2;
	v27 =	vld.idx.msk [tilespmem:v23+s8+$0x0], $0xffff  }
0x378: {  	v13 =	vmax.f32 v13, $0.0e+00;
	v37 =	vand.u32 v0, v37;
	v20 =	vshll.u32 v31, $0x10;
	[tilespmem:s16+$0x76C0] =	vst.add.f32.msk $0xffff, v19  }
0x379: {  	v13 =	vmul.f32 v13, v2;
	v24 =	vand.u32 v0, v17;
	v45 =	vshll.u32 v22, $0x10;
	[tilespmem:s16+$0x7680] =	vst.add.f32.msk $0xffff, v30  }
0x37a: {  	v17 =	vmul.f32 v38, v1;
	v23 =	vshll.u32 v29, $0x10;
	v19 =	vand.u32 v31, v0;
	v43 =	vld.idx.msk [tilespmem:v43+s8+$0x0], $0xffff  }
0x37b: {  	v6 =	vmax.f32 v6, $0.0e+00;
	v14 =	vshll.u32 v25, $0x10;
	v29 =	vld.idx.msk [tilespmem:v18+s9+$0x0], $0xffff;
	v18 =	vand.u32 v22, v0  }
0x37c: {  	v6 =	vmul.f32 v6, v1;
	v25 =	vand.u32 v41, v0;
	v30 =	vadd.f32 v40, v17;
	v31 =	vld.idx.msk [tilespmem:v28+s9+$0x0], $0xffff  }
0x37d: {  	v40 =	vshll.u32 v41, $0x10;
	v38 =	vld.idx.msk [tilespmem:v32+s8+$0x0], $0xffff;
	v32 =	vand.u32 v27, v0;
	v27 =	vshll.u32 v27, $0x10  }
0x37e: {  	v6 =	vadd.f32 v13, v6;
	v22 =	vshll.u32 v47, $0x10;
	v17 =	vadd.f32 v18, v25;
	[tilespmem:s16+$0x76D0] =	vst.add.f32.msk $0xffff, v36  }
0x37f: {  	v13 =	vshll.u32 v35, $0x10;
	v28 =	vand.u32 v47, v0;
	v25 =	vadd.f32 v49, v32;
	[tilespmem:s16+$0x76A0] =	vst.add.f32.msk $0xffff, v33  }
0x380: {  	v18 =	vadd.f32 v45, v40;
	v33 =	vand.u32 v35, v0;
	v36 =	vand.u32 v43, v0;
	[tilespmem:s16+$0x7690] =	vst.add.f32.msk $0xffff, v6  }
0x381: {  	v32 =	vshll.u32 v21, $0x10;
	v6 =	vand.u32 v29, v0;
	v40 =	vshll.u32 v29, $0x10;
	[tilespmem:s16+$0x76F0] =	vst.add.f32.msk $0xffff, v30;
	s16 =	smov.u32 s19  }
0x382: {  	v41 =	vshll.u32 v48, $0x10;
	v21 =	vand.u32 v0, v44;
	v30 =	vand.u32 v26, v0;
	v29 =	vld.idx.msk [tilespmem:v34+s8+$0x0], $0xffff  }
.Ltmp6:
0x383: {  	v35 =	vand.u32 v31, v0;
	v31 =	vshll.u32 v31, $0x10;
	v34 =	vld.idx.msk [tilespmem:v39+s9+$0x0], $0xffff;
	v39 =	vshll.u32 v43, $0x10;
	(pc) =	sbr.rel @p0 .LBB2_14-.Ltmp6, $4  }
0x384: {  	v33 =	vadd.f32 v35, v33;
	v13 =	vadd.f32 v31, v13;
	v35 =	vand.u32 v38, v0  }
0x385: {  	v44 =	vadd.f32 v6, v36;
	v43 =	vshll.u32 v38, $0x10;
	v36 =	vadd.f32 v40, v39  }
0x386: {  	v38 =	vand.u32 v48, v0;
	v6 =	vadd.f32 v37, v33;
	v13 =	vadd.f32 v46, v13  }
0x387: {  	s18 =	sadd.s32 $0x200, s18;
	v31 =	vshll.u32 v15, $0x10;
	v33 =	vadd.f32 v41, v43;
	v37 =	vadd.f32 v42, v44  }
0x388: {  	v15 =	vadd.f32 v38, v35;
	v32 =	vadd.f32 v32, v36;
	v51 =	vand.u32 v29, v0  }
0x389: {  	v52 =	vshll.u32 v34, $0x10;
	v21 =	vadd.f32 v21, v25;
	v25 =	vshll.u32 v26, $0x10  }
0x38a: {  	v26 =	vand.u32 v34, v0;
	v10 =	vshll.u32 v10, $0x10;
	v20 =	vadd.f32 v23, v20  }
0x38b: {  	v3 =	vshll.u32 v3, $0x10;
	v9 =	vadd.f32 v9, v17;
	v14 =	vadd.f32 v14, v18  }
0x38c: {  	v6 =	vmax.f32 v6, $0.0e+00;
	v28 =	vadd.f32 v28, v51;
	v25 =	vadd.f32 v52, v25  }
0x38d: {  	v37 =	vmax.f32 v37, $0.0e+00;
	v26 =	vadd.f32 v26, v30;
	v7 =	vadd.f32 v7, v33  }
0x38e: {  	v10 =	vadd.f32 v10, v27;
	v6 =	vmul.f32 v6, v1;
	v15 =	vadd.f32 v24, v15  }
0x38f: {  	v24 =	vmax.f32 v32, $0.0e+00;
	v30 =	vmul.f32 v37, v1;
	v3 =	vadd.f32 v3, v20  }
0x390: {  	v9 =	vmax.f32 v9, $0.0e+00;
	v23 =	vadd.f32 v31, v25;
	v7 =	vmax.f32 v7, $0.0e+00  }
0x391: {  	v25 =	vshll.u32 v29, $0x10;
	v10 =	vadd.f32 v12, v10;
	v12 =	vadd.f32 v16, v19  }
0x392: {  	v11 =	vadd.f32 v11, v26;
	v5 =	vadd.f32 v5, v28;
	v15 =	vmax.f32 v15, $0.0e+00  }
0x393: {  	v7 =	vmul.f32 v7, v2;
	v16 =	vadd.f32 v22, v25;
	v8 =	vadd.f32 v8, v12  }
0x394: {  	v3 =	vmax.f32 v3, $0.0e+00;
	v19 =	vmax.f32 v23, $0.0e+00;
	v12 =	vmul.f32 v24, v2  }
0x395: {  	v3 =	vmul.f32 v3, v2;
	v4 =	vadd.f32 v4, v16;
	v8 =	vmax.f32 v8, $0.0e+00  }
0x396: {  	v5 =	vmax.f32 v5, $0.0e+00;
	v15 =	vmul.f32 v15, v1;
	v8 =	vmul.f32 v8, v1  }
0x397: {  	v5 =	vmul.f32 v5, v1;
	v12 =	vadd.f32 v12, v30;
	v4 =	vmax.f32 v4, $0.0e+00  }
0x398: {  	v4 =	vmul.f32 v4, v2;
	v3 =	vadd.f32 v3, v8;
	v8 =	vmax.f32 v11, $0.0e+00  }
0x399: {  	v10 =	vmax.f32 v10, $0.0e+00;
	v11 =	vmul.f32 v19, v2;
	v8 =	vmul.f32 v8, v1  }
0x39a: {  	v10 =	vmul.f32 v10, v2;
	v16 =	vmax.f32 v21, $0.0e+00;
	[tilespmem:s16+$0x76B0] =	vst.add.f32.msk $0xffff, v12;
	v4 =	vadd.f32 v4, v5  }
0x39b: {  	v16 =	vmul.f32 v16, v1;
	[tilespmem:s16+$0x76E0] =	vst.add.f32.msk $0xffff, v3;
	v5 =	vadd.f32 v11, v8;
	v8 =	vmax.f32 v13, $0.0e+00  }
0x39c: {  	v7 =	vadd.f32 v7, v15;
	v3 =	vmax.f32 v14, $0.0e+00;
	[tilespmem:s16+$0x76C0] =	vst.add.f32.msk $0xffff, v4;
	v4 =	vmul.f32 v8, v2  }
0x39d: {  	v10 =	vadd.f32 v10, v16;
	v3 =	vmul.f32 v3, v2;
	[tilespmem:s16+$0x7680] =	vst.add.f32.msk $0xffff, v5;
	v5 =	vmul.f32 v9, v1  }
0x39e: {  	[tilespmem:s16+$0x76A0] =	vst.add.f32.msk $0xffff, v7;
	v4 =	vadd.f32 v4, v6  }
0x39f: {  	[tilespmem:s16+$0x76D0] =	vst.add.f32.msk $0xffff, v10;
	v3 =	vadd.f32 v3, v5  }
0x3a0: {  	[tilespmem:s16+$0x7690] =	vst.add.f32.msk $0xffff, v4  }
0x3a1: {  	[tilespmem:s16+$0x76F0] =	vst.add.f32.msk $0xffff, v3  }
0x3a2: {  	v3 =	vld [tilespmem:$0x7600];
	_ =	sdelay $0x4  }
0x3a3: {  	v4 =	vand.u32 $0xFFFF, v3  }
0x3a4: {  	v3 =	vshrl.u32 v3, $0x10;
	_ =	sdelay $0x3  }
0x3a5: {  	v4 =	vld.idx.msk [tilespmem:v4+s8+$0x0], $0xffff  }
0x3a6: {  	v3 =	vld.idx.msk [tilespmem:v3+s9+$0x0], $0xffff;
	_ =	sdelay $0x1  }
0x3a7: {  	v5 =	vld [tilespmem:$0x18A80];
	_ =	sdelay $0x1  }
0x3a8: {  	v6 =	vand.u32 v4, v0  }
0x3a9: {  	v4 =	vshll.u32 v4, $0x10;
	v7 =	vand.u32 v3, v0;
	v3 =	vshll.u32 v3, $0x10  }
0x3aa: {  	v6 =	vadd.f32 v7, v6;
	v3 =	vadd.f32 v3, v4  }
0x3ab: {  	v4 =	vand.u32 v0, v5;
	v5 =	vshll.u32 v5, $0x10  }
0x3ac: {  	v4 =	vadd.f32 v4, v6;
	v3 =	vadd.f32 v5, v3;
	_ =	sdelay $0x1  }
0x3ad: {  	v4 =	vmax.f32 v4, $0.0e+00;
	v3 =	vmax.f32 v3, $0.0e+00  }
0x3ae: {  	v1 =	vmul.f32 v4, v1;
	v2 =	vmul.f32 v3, v2;
	_ =	sdelay $0x1  }
0x3af: {  	v1 =	vadd.f32 v2, v1;
	_ =	sdelay $0x1  }
0x3b0: {  	s22 =	simm.s32 $0x0;
	[tilespmem:s13+$0x0] =	vst.add.f32.msk $0xffff, v1  }
0x3b1: {  	[tilespmem:s8], [sflag:$0x2] =	stream.linear.gather [hbm4b:s31+s22], $0x2710, $0x38;
	[tilespmem:$0x19400] =	vst v63  }
0x3b2: {  	_ = 	snop  }
0x3b3: {  	[tilespmem:s9], [sflag:$0x2] =	stream.linear.gather [hbm4b:s0+s22], $0x2710, $0x38;
	[tilespmem:$0x19400] =	vst v63  }
0x3b4: {  	_ = 	snop  }
0x3b5: {  	[tilespmem:s11], [sflag:$0x2] =	stream.linear.gather [hbm4b:s1+s22], $0x2710, $0x38;
	[tilespmem:$0x19400] =	vst v63  }
0x3b6: {  	_ =	swait.ge [sflag:s12], $0x2710  }
0x3b7: {  	[sflag:s12] =	ssyncset.done $0x0  }
0x3b8: {  	[sflag:s12] =	ssyncadd.s32 $0xFFFFD8F0  }
0x3b9: {  	_ =	swait.ge [sflag:s12], $0x2710  }
0x3ba: {  	[sflag:s12] =	ssyncset.done $0x0  }
0x3bb: {  	[sflag:s12] =	ssyncadd.s32 $0xFFFFD8F0  }
0x3bc: {  	_ =	swait.ge [sflag:s12], $0x2710  }
0x3bd: {  	[sflag:s12] =	ssyncset.done $0x0  }
0x3be: {  	s16 =	simm.s32 $0x0;
	[sflag:s12] =	ssyncadd.s32 $0xFFFFD8F0  }
0x3bf: {  	v15 =	vld [tilespmem:s16+$0x13C00]  }
0x3c0: {  	v1 =	vld [tilespmem:s16+$0x13C70]  }
0x3c1: {  	v3 =	vld [tilespmem:s16+$0x13C60]  }
0x3c2: {  	v2 =	vld [tilespmem:s16+$0x13C30]  }
0x3c3: {  	v4 =	vld [tilespmem:s16+$0x4F60]  }
0x3c4: {  	v5 =	vld [tilespmem:s16+$0x4F50]  }
0x3c5: {  	v6 =	vld [tilespmem:s16+$0x4F70]  }
0x3c6: {  	v7 =	vld [tilespmem:s16+$0x4F20]  }
0x3c7: {  	v8 =	vld [tilespmem:s16+$0x4F00]  }
0x3c8: {  	v9 =	vld [tilespmem:s16+$0x4F10]  }
0x3c9: {  	v11 =	vld [tilespmem:s16+$0x4F40]  }
0x3ca: {  	v13 =	vld [tilespmem:s16+$0x13C10];
	v10 =	vshrl.u32 v4, $0x10  }
0x3cb: {  	v12 =	vld [tilespmem:s16+$0x13C40];
	v4 =	vand.u32 $0xFFFF, v4  }
0x3cc: {  	v17 =	vld [tilespmem:s16+$0x13C20];
	v14 =	vshrl.u32 v5, $0x10  }
0x3cd: {  	v19 =	vld [tilespmem:s16+$0x4F30];
	v16 =	vand.u32 $0xFFFF, v6  }
0x3ce: {  	v29 =	vld [tilespmem:s16+$0x13C50];
	v6 =	vshrl.u32 v6, $0x10  }
0x3cf: {  	v20 =	vand.u32 $0xFFFF, v9;
	v18 =	vld.idx.msk [tilespmem:v10+s6+$0x0], $0xffff  }
0x3d0: {  	v22 =	vand.u32 $0xFFFF, v5;
	v21 =	vld.idx.msk [tilespmem:v4+s5+$0x0], $0xffff  }
0x3d1: {  	v23 =	vshrl.u32 v11, $0x10;
	v10 =	vld.idx.msk [tilespmem:v14+s6+$0x0], $0xffff  }
0x3d2: {  	v25 =	vshrl.u32 v9, $0x10;
	v9 =	vshrl.u32 v7, $0x10;
	v28 =	vand.u32 $0xFFFF, v7;
	v30 =	vld.idx.msk [tilespmem:v16+s5+$0x0], $0xffff  }
0x3d3: {  	v31 =	vshrl.u32 v8, $0x10;
	v26 =	vand.u32 $0xFFFF, v8;
	v53 =	vand.u32 $0xFFFF, v11;
	v6 =	vld.idx.msk [tilespmem:v6+s6+$0x0], $0xffff  }
0x3d4: {  	v7 =	vshll.u32 v17, $0x10;
	v54 =	vshll.u32 v13, $0x10;
	v5 =	vand.u32 v0, v12;
	v55 =	vld.idx.msk [tilespmem:v20+s5+$0x0], $0xffff  }
0x3d5: {  	v27 =	vshrl.u32 v19, $0x10;
	v11 =	vand.u32 v0, v15;
	v56 =	vand.u32 v0, v2;
	v22 =	vld.idx.msk [tilespmem:v22+s5+$0x0], $0xffff  }
0x3d6: {  	v8 =	vand.u32 v0, v3;
	v13 =	vand.u32 v0, v13;
	v14 =	vand.u32 $0xFFFF, v19;
	v57 =	vld.idx.msk [tilespmem:v23+s6+$0x0], $0xffff  }
0x3d7: {  	v24 =	vand.u32 v0, v17;
	v32 =	vshll.u32 v2, $0x10;
	v4 =	vshll.u32 v12, $0x10;
	v59 =	vld.idx.msk [tilespmem:v9+s6+$0x0], $0xffff  }
0x3d8: {  	v12 =	vshll.u32 v29, $0x10;
	v9 =	vand.u32 v0, v1;
	v34 =	vld.idx.msk [tilespmem:v31+s6+$0x0], $0xffff;
	v31 =	vshll.u32 v15, $0x10  }
0x3d9: {  	v41 =	vld.idx.msk [tilespmem:v25+s6+$0x0], $0xffff;
	v58 =	vand.u32 v10, v0;
	v16 =	vand.u32 v18, v0;
	v20 =	vshll.u32 v21, $0x10  }
0x3da: {  	v39 =	vshll.u32 v6, $0x10;
	v19 =	vand.u32 v21, v0;
	v23 =	vshll.u32 v18, $0x10;
	v21 =	vld.idx.msk [tilespmem:v27+s6+$0x0], $0xffff  }
0x3db: {  	v40 =	vld.idx.msk [tilespmem:v14+s5+$0x0], $0xffff;
	v6 =	vand.u32 v6, v0;
	v14 =	vshll.u32 v1, $0x10;
	v1 =	vand.u32 v30, v0  }
0x3dc: {  	v18 =	vand.u32 v22, v0;
	v27 =	vshll.u32 v22, $0x10;
	v30 =	vshll.u32 v30, $0x10  }
0x3dd: {  	v22 =	vshll.u32 v57, $0x10;
	v42 =	vshll.u32 v55, $0x10;
	v60 =	vand.u32 v55, v0  }
0x3de: {  	v44 =	vshll.u32 v59, $0x10;
	v2 =	vand.u32 v41, v0;
	v17 =	vadd.f32 v6, v1;
	v6 =	vld.idx.msk [tilespmem:v28+s5+$0x0], $0xffff  }
0x3df: {  	v38 =	vand.u32 v59, v0;
	v25 =	vadd.f32 v58, v18;
	v62 =	vand.u32 v21, v0  }
0x3e0: {  	v26 =	vld.idx.msk [tilespmem:v26+s5+$0x0], $0xffff;
	v43 =	vshll.u32 v21, $0x10;
	v21 =	vand.u32 v0, v29;
	v29 =	vshll.u32 v41, $0x10  }
0x3e1: {  	v28 =	vand.u32 v57, v0;
	v18 =	vadd.f32 v39, v30;
	v42 =	vadd.f32 v29, v42;
	v29 =	vld.idx.msk [tilespmem:v53+s5+$0x0], $0xffff  }
0x3e2: {  	v63 =	vadd.f32 v2, v60;
	v61 =	vand.u32 v40, v0;
	v40 =	vshll.u32 v40, $0x10  }
0x3e3: {  	v45 =	vshll.u32 v6, $0x10;
	v39 =	vadd.f32 v62, v61;
	v36 =	vadd.f32 v43, v40  }
0x3e4: {  	v1 =	vld [tilespmem:$0x18E00];
	v35 =	vand.u32 v6, v0;
	v6 =	vadd.f32 v13, v63;
	v33 =	vadd.f32 v44, v45  }
0x3e5: {  	s17 =	simm.s32 $0x0;
	s18 =	simm.s32 $0x200;
	v30 =	vand.u32 v26, v0;
	v2 =	vld [tilespmem:$0x19200];
	v13 =	vadd.f32 v54, v42;
	v37 =	vadd.f32 v56, v39  }
.LBB2_16:
0x3e6: {  	s19 =	sshra.s32 s18, $0x2;
	s17 =	sadd.s32 $0x8, s17;
	v35 =	vadd.f32 v38, v35;
	v32 =	vadd.f32 v32, v36;
	v36 =	vand.u32 v29, v0  }
0x3e7: {  	v38 =	vshll.u32 v34, $0x10;
	v39 =	vadd.f32 v21, v25;
	v15 =	vld [tilespmem:s19+$0x13C00];
	p0 =	slt.u32 s17, $0x268;
	v37 =	vmax.f32 v37, $0.0e+00  }
0x3e8: {  	v21 =	vshll.u32 v26, $0x10;
	v26 =	vand.u32 v34, v0;
	v28 =	vadd.f32 v28, v36;
	v25 =	vld [tilespmem:s19+$0x13C70]  }
0x3e9: {  	v36 =	vadd.f32 v38, v21;
	v24 =	vadd.f32 v24, v35;
	v32 =	vmax.f32 v32, $0.0e+00;
	v34 =	vld [tilespmem:s19+$0x13C60]  }
0x3ea: {  	v10 =	vshll.u32 v10, $0x10;
	v26 =	vadd.f32 v26, v30;
	v30 =	vmul.f32 v37, v1;
	v21 =	vld [tilespmem:s19+$0x13C30]  }
0x3eb: {  	v3 =	vshll.u32 v3, $0x10;
	v20 =	vadd.f32 v23, v20;
	v7 =	vadd.f32 v7, v33;
	v35 =	vld [tilespmem:s19+$0x4F60]  }
0x3ec: {  	v10 =	vadd.f32 v10, v27;
	v31 =	vadd.f32 v31, v36;
	v24 =	vmax.f32 v24, $0.0e+00;
	v23 =	vld [tilespmem:s19+$0x4F50]  }
0x3ed: {  	v29 =	vshll.u32 v29, $0x10;
	v16 =	vadd.f32 v16, v19;
	v7 =	vmax.f32 v7, $0.0e+00;
	v27 =	vld [tilespmem:s19+$0x4F70]  }
0x3ee: {  	v33 =	vmul.f32 v7, v2;
	v7 =	vadd.f32 v12, v10;
	v10 =	vadd.f32 v3, v20;
	v19 =	vld [tilespmem:s19+$0x4F20];
	v3 =	vmovc v34  }
0x3ef: {  	v22 =	vadd.f32 v22, v29;
	v11 =	vadd.f32 v11, v26;
	v20 =	vmax.f32 v31, $0.0e+00;
	v12 =	vld [tilespmem:s19+$0x4F00]  }
0x3f0: {  	v7 =	vmax.f32 v7, $0.0e+00;
	v26 =	vld [tilespmem:s19+$0x4F10];
	v29 =	vshrl.u32 v35, $0x10;
	v31 =	vand.u32 $0xFFFF, v35  }
0x3f1: {  	v36 =	vmul.f32 v7, v2;
	v34 =	vld [tilespmem:s19+$0x4F40];
	v35 =	vshrl.u32 v23, $0x10;
	v23 =	vand.u32 $0xFFFF, v23  }
0x3f2: {  	v8 =	vadd.f32 v8, v16;
	v37 =	vld [tilespmem:s19+$0x13C10];
	v38 =	vshrl.u32 v27, $0x10;
	v7 =	vand.u32 $0xFFFF, v27  }
0x3f3: {  	v9 =	vadd.f32 v9, v17;
	v4 =	vadd.f32 v4, v22;
	v27 =	vmul.f32 v32, v2;
	v16 =	vld [tilespmem:s19+$0x13C40]  }
0x3f4: {  	v5 =	vadd.f32 v5, v28;
	v22 =	vmax.f32 v39, $0.0e+00;
	v10 =	vmax.f32 v10, $0.0e+00;
	v17 =	vld [tilespmem:s19+$0x13C20]  }
0x3f5: {  	v14 =	vadd.f32 v14, v18;
	v28 =	vshrl.u32 v26, $0x10;
	v26 =	vand.u32 $0xFFFF, v26;
	v29 =	vld.idx.msk [tilespmem:v29+s6+$0x0], $0xffff  }
0x3f6: {  	v18 =	vshrl.u32 v19, $0x10;
	v32 =	vand.u32 $0xFFFF, v19;
	v19 =	vshrl.u32 v34, $0x10;
	v31 =	vld.idx.msk [tilespmem:v31+s5+$0x0], $0xffff  }
0x3f7: {  	v22 =	vmul.f32 v22, v1;
	v8 =	vmax.f32 v8, $0.0e+00;
	v39 =	vshrl.u32 v12, $0x10  }
0x3f8: {  	v8 =	vmul.f32 v8, v1;
	v40 =	vand.u32 $0xFFFF, v12;
	v34 =	vand.u32 $0xFFFF, v34;
	v41 =	vld.idx.msk [tilespmem:v7+s5+$0x0], $0xffff  }
0x3f9: {  	v43 =	vmul.f32 v10, v2;
	v12 =	vmax.f32 v4, $0.0e+00;
	v7 =	vshll.u32 v17, $0x10;
	v42 =	vld [tilespmem:s19+$0x4F30]  }
0x3fa: {  	v36 =	vadd.f32 v36, v22;
	v45 =	vmul.f32 v12, v2;
	v4 =	vshll.u32 v16, $0x10;
	v44 =	vld [tilespmem:s19+$0x13C50]  }
0x3fb: {  	v8 =	vadd.f32 v43, v8;
	v12 =	vmax.f32 v5, $0.0e+00;
	v46 =	vshll.u32 v37, $0x10;
	v10 =	vld.idx.msk [tilespmem:v35+s6+$0x0], $0xffff  }
0x3fc: {  	v11 =	vmax.f32 v11, $0.0e+00;
	v5 =	vand.u32 v0, v16;
	v16 =	vmul.f32 v20, v2;
	v22 =	vld.idx.msk [tilespmem:v38+s6+$0x0], $0xffff  }
0x3fd: {  	v11 =	vmul.f32 v11, v1;
	v20 =	vadd.f32 v27, v30;
	v27 =	vmul.f32 v12, v1;
	v35 =	vld.idx.msk [tilespmem:v26+s5+$0x0], $0xffff  }
0x3fe: {  	v14 =	vmax.f32 v14, $0.0e+00;
	v24 =	vmul.f32 v24, v1;
	[tilespmem:s16+$0x76E0] =	vst.add.f32.msk $0xffff, v8  }
0x3ff: {  	v30 =	vadd.f32 v16, v11;
	v38 =	vmax.f32 v9, $0.0e+00;
	v12 =	vshll.u32 v44, $0x10;
	[tilespmem:s16+$0x76B0] =	vst.add.f32.msk $0xffff, v20  }
0x400: {  	v33 =	vadd.f32 v33, v24;
	v11 =	vand.u32 v0, v15;
	v43 =	vand.u32 $0xFFFF, v42;
	v47 =	vld.idx.msk [tilespmem:v19+s6+$0x0], $0xffff  }
0x401: {  	v49 =	vand.u32 v10, v0;
	v48 =	vld.idx.msk [tilespmem:v18+s6+$0x0], $0xffff;
	v18 =	vshrl.u32 v42, $0x10;
	v42 =	vand.u32 v0, v21  }
0x402: {  	v8 =	vand.u32 v0, v3;
	v19 =	vadd.f32 v45, v27;
	v26 =	vld.idx.msk [tilespmem:v40+s5+$0x0], $0xffff  }
0x403: {  	v16 =	vand.u32 v29, v0;
	v9 =	vand.u32 v0, v25;
	v40 =	vmul.f32 v14, v2;
	v27 =	vld.idx.msk [tilespmem:v23+s5+$0x0], $0xffff  }
0x404: {  	v13 =	vmax.f32 v13, $0.0e+00;
	v37 =	vand.u32 v0, v37;
	v20 =	vshll.u32 v31, $0x10;
	[tilespmem:s16+$0x76C0] =	vst.add.f32.msk $0xffff, v19  }
0x405: {  	v13 =	vmul.f32 v13, v2;
	v24 =	vand.u32 v0, v17;
	v45 =	vshll.u32 v22, $0x10;
	[tilespmem:s16+$0x7680] =	vst.add.f32.msk $0xffff, v30  }
0x406: {  	v17 =	vmul.f32 v38, v1;
	v23 =	vshll.u32 v29, $0x10;
	v19 =	vand.u32 v31, v0;
	v43 =	vld.idx.msk [tilespmem:v43+s5+$0x0], $0xffff  }
0x407: {  	v6 =	vmax.f32 v6, $0.0e+00;
	v14 =	vshll.u32 v25, $0x10;
	v29 =	vld.idx.msk [tilespmem:v18+s6+$0x0], $0xffff;
	v18 =	vand.u32 v22, v0  }
0x408: {  	v6 =	vmul.f32 v6, v1;
	v25 =	vand.u32 v41, v0;
	v30 =	vadd.f32 v40, v17;
	v31 =	vld.idx.msk [tilespmem:v28+s6+$0x0], $0xffff  }
0x409: {  	v40 =	vshll.u32 v41, $0x10;
	v38 =	vld.idx.msk [tilespmem:v32+s5+$0x0], $0xffff;
	v32 =	vand.u32 v27, v0;
	v27 =	vshll.u32 v27, $0x10  }
0x40a: {  	v6 =	vadd.f32 v13, v6;
	v22 =	vshll.u32 v47, $0x10;
	v17 =	vadd.f32 v18, v25;
	[tilespmem:s16+$0x76D0] =	vst.add.f32.msk $0xffff, v36  }
0x40b: {  	v13 =	vshll.u32 v35, $0x10;
	v28 =	vand.u32 v47, v0;
	v25 =	vadd.f32 v49, v32;
	[tilespmem:s16+$0x76A0] =	vst.add.f32.msk $0xffff, v33  }
0x40c: {  	v18 =	vadd.f32 v45, v40;
	v33 =	vand.u32 v35, v0;
	v36 =	vand.u32 v43, v0;
	[tilespmem:s16+$0x7690] =	vst.add.f32.msk $0xffff, v6  }
0x40d: {  	v32 =	vshll.u32 v21, $0x10;
	v6 =	vand.u32 v29, v0;
	v40 =	vshll.u32 v29, $0x10;
	[tilespmem:s16+$0x76F0] =	vst.add.f32.msk $0xffff, v30;
	s16 =	smov.u32 s19  }
0x40e: {  	v41 =	vshll.u32 v48, $0x10;
	v21 =	vand.u32 v0, v44;
	v30 =	vand.u32 v26, v0;
	v29 =	vld.idx.msk [tilespmem:v34+s5+$0x0], $0xffff  }
.Ltmp7:
0x40f: {  	v35 =	vand.u32 v31, v0;
	v31 =	vshll.u32 v31, $0x10;
	v34 =	vld.idx.msk [tilespmem:v39+s6+$0x0], $0xffff;
	v39 =	vshll.u32 v43, $0x10;
	(pc) =	sbr.rel @p0 .LBB2_16-.Ltmp7, $4  }
0x410: {  	v33 =	vadd.f32 v35, v33;
	v13 =	vadd.f32 v31, v13;
	v35 =	vand.u32 v38, v0  }
0x411: {  	v44 =	vadd.f32 v6, v36;
	v43 =	vshll.u32 v38, $0x10;
	v36 =	vadd.f32 v40, v39  }
0x412: {  	v38 =	vand.u32 v48, v0;
	v6 =	vadd.f32 v37, v33;
	v13 =	vadd.f32 v46, v13  }
0x413: {  	s18 =	sadd.s32 $0x200, s18;
	v31 =	vshll.u32 v15, $0x10;
	v33 =	vadd.f32 v41, v43;
	v37 =	vadd.f32 v42, v44  }
0x414: {  	v15 =	vadd.f32 v38, v35;
	v32 =	vadd.f32 v32, v36;
	v51 =	vand.u32 v29, v0  }
0x415: {  	v52 =	vshll.u32 v34, $0x10;
	v21 =	vadd.f32 v21, v25;
	v25 =	vshll.u32 v26, $0x10  }
0x416: {  	v26 =	vand.u32 v34, v0;
	v10 =	vshll.u32 v10, $0x10;
	v20 =	vadd.f32 v23, v20  }
0x417: {  	v3 =	vshll.u32 v3, $0x10;
	v9 =	vadd.f32 v9, v17;
	v14 =	vadd.f32 v14, v18  }
0x418: {  	v6 =	vmax.f32 v6, $0.0e+00;
	v28 =	vadd.f32 v28, v51;
	v25 =	vadd.f32 v52, v25  }
0x419: {  	v37 =	vmax.f32 v37, $0.0e+00;
	v26 =	vadd.f32 v26, v30;
	v7 =	vadd.f32 v7, v33  }
0x41a: {  	v10 =	vadd.f32 v10, v27;
	v6 =	vmul.f32 v6, v1;
	v15 =	vadd.f32 v24, v15  }
0x41b: {  	v24 =	vmax.f32 v32, $0.0e+00;
	v30 =	vmul.f32 v37, v1;
	v3 =	vadd.f32 v3, v20  }
0x41c: {  	v9 =	vmax.f32 v9, $0.0e+00;
	v23 =	vadd.f32 v31, v25;
	v7 =	vmax.f32 v7, $0.0e+00  }
0x41d: {  	v25 =	vshll.u32 v29, $0x10;
	v10 =	vadd.f32 v12, v10;
	v12 =	vadd.f32 v16, v19  }
0x41e: {  	v11 =	vadd.f32 v11, v26;
	v5 =	vadd.f32 v5, v28;
	v15 =	vmax.f32 v15, $0.0e+00  }
0x41f: {  	v7 =	vmul.f32 v7, v2;
	v16 =	vadd.f32 v22, v25;
	v8 =	vadd.f32 v8, v12  }
0x420: {  	v3 =	vmax.f32 v3, $0.0e+00;
	v19 =	vmax.f32 v23, $0.0e+00;
	v12 =	vmul.f32 v24, v2  }
0x421: {  	v3 =	vmul.f32 v3, v2;
	v4 =	vadd.f32 v4, v16;
	v8 =	vmax.f32 v8, $0.0e+00  }
0x422: {  	v5 =	vmax.f32 v5, $0.0e+00;
	v15 =	vmul.f32 v15, v1;
	v8 =	vmul.f32 v8, v1  }
0x423: {  	v5 =	vmul.f32 v5, v1;
	v12 =	vadd.f32 v12, v30;
	v4 =	vmax.f32 v4, $0.0e+00  }
0x424: {  	v4 =	vmul.f32 v4, v2;
	v3 =	vadd.f32 v3, v8;
	v8 =	vmax.f32 v11, $0.0e+00  }
0x425: {  	v10 =	vmax.f32 v10, $0.0e+00;
	v11 =	vmul.f32 v19, v2;
	v8 =	vmul.f32 v8, v1  }
0x426: {  	v10 =	vmul.f32 v10, v2;
	v16 =	vmax.f32 v21, $0.0e+00;
	[tilespmem:s16+$0x76B0] =	vst.add.f32.msk $0xffff, v12;
	v4 =	vadd.f32 v4, v5  }
0x427: {  	v16 =	vmul.f32 v16, v1;
	[tilespmem:s16+$0x76E0] =	vst.add.f32.msk $0xffff, v3;
	v5 =	vadd.f32 v11, v8;
	v8 =	vmax.f32 v13, $0.0e+00  }
0x428: {  	v7 =	vadd.f32 v7, v15;
	v3 =	vmax.f32 v14, $0.0e+00;
	[tilespmem:s16+$0x76C0] =	vst.add.f32.msk $0xffff, v4;
	v4 =	vmul.f32 v8, v2  }
0x429: {  	v10 =	vadd.f32 v10, v16;
	v3 =	vmul.f32 v3, v2;
	[tilespmem:s16+$0x7680] =	vst.add.f32.msk $0xffff, v5;
	v5 =	vmul.f32 v9, v1  }
0x42a: {  	[tilespmem:s16+$0x76A0] =	vst.add.f32.msk $0xffff, v7;
	v4 =	vadd.f32 v4, v6  }
0x42b: {  	[tilespmem:s16+$0x76D0] =	vst.add.f32.msk $0xffff, v10;
	v3 =	vadd.f32 v3, v5  }
0x42c: {  	[tilespmem:s16+$0x7690] =	vst.add.f32.msk $0xffff, v4  }
0x42d: {  	[tilespmem:s16+$0x76F0] =	vst.add.f32.msk $0xffff, v3  }
0x42e: {  	v3 =	vld [tilespmem:$0x7600];
	_ =	sdelay $0x4  }
0x42f: {  	v4 =	vand.u32 $0xFFFF, v3  }
0x430: {  	v3 =	vshrl.u32 v3, $0x10;
	_ =	sdelay $0x3  }
0x431: {  	v4 =	vld.idx.msk [tilespmem:v4+s5+$0x0], $0xffff  }
0x432: {  	v3 =	vld.idx.msk [tilespmem:v3+s6+$0x0], $0xffff;
	_ =	sdelay $0x1  }
0x433: {  	v5 =	vld [tilespmem:$0x16300];
	_ =	sdelay $0x1  }
0x434: {  	v6 =	vand.u32 v4, v0  }
0x435: {  	v4 =	vshll.u32 v4, $0x10;
	v7 =	vand.u32 v3, v0;
	v3 =	vshll.u32 v3, $0x10  }
0x436: {  	v6 =	vadd.f32 v7, v6;
	v3 =	vadd.f32 v3, v4  }
0x437: {  	v4 =	vand.u32 v0, v5;
	v5 =	vshll.u32 v5, $0x10  }
0x438: {  	v4 =	vadd.f32 v4, v6;
	v3 =	vadd.f32 v5, v3;
	_ =	sdelay $0x1  }
0x439: {  	v4 =	vmax.f32 v4, $0.0e+00;
	v3 =	vmax.f32 v3, $0.0e+00  }
0x43a: {  	v1 =	vmul.f32 v4, v1;
	v2 =	vmul.f32 v3, v2;
	_ =	sdelay $0x1  }
0x43b: {  	v1 =	vadd.f32 v2, v1;
	_ =	sdelay $0x1  }
0x43c: {  	[tilespmem:s13+$0x0] =	vst.add.f32.msk $0xffff, v1  }
0x43d: {  	_ =	swait.ge [sflag:s14], $0x2710  }
0x43e: {  	[sflag:s14] =	ssyncset.done $0x0  }
0x43f: {  	[sflag:s14] =	ssyncadd.s32 $0xFFFFD8F0  }
0x440: {  	_ =	swait.ge [sflag:s14], $0x2710  }
0x441: {  	[sflag:s14] =	ssyncset.done $0x0  }
0x442: {  	[sflag:s14] =	ssyncadd.s32 $0xFFFFD8F0  }
0x443: {  	_ =	swait.ge [sflag:s14], $0x2710  }
0x444: {  	[sflag:s14] =	ssyncset.done $0x0  }
0x445: {  	s16 =	simm.s32 $0x0;
	[sflag:s14] =	ssyncadd.s32 $0xFFFFD8F0  }
0x446: {  	v15 =	vld [tilespmem:s16+$0x16380]  }
0x447: {  	v1 =	vld [tilespmem:s16+$0x163F0]  }
0x448: {  	v3 =	vld [tilespmem:s16+$0x163E0]  }
0x449: {  	v2 =	vld [tilespmem:s16+$0x163B0]  }
0x44a: {  	v4 =	vld [tilespmem:s16+$0x4F60]  }
0x44b: {  	v5 =	vld [tilespmem:s16+$0x4F50]  }
0x44c: {  	v6 =	vld [tilespmem:s16+$0x4F70]  }
0x44d: {  	v7 =	vld [tilespmem:s16+$0x4F20]  }
0x44e: {  	v8 =	vld [tilespmem:s16+$0x4F00]  }
0x44f: {  	v9 =	vld [tilespmem:s16+$0x4F10]  }
0x450: {  	v11 =	vld [tilespmem:s16+$0x4F40]  }
0x451: {  	v13 =	vld [tilespmem:s16+$0x16390];
	v10 =	vshrl.u32 v4, $0x10  }
0x452: {  	v12 =	vld [tilespmem:s16+$0x163C0];
	v4 =	vand.u32 $0xFFFF, v4  }
0x453: {  	v17 =	vld [tilespmem:s16+$0x163A0];
	v14 =	vshrl.u32 v5, $0x10  }
0x454: {  	v19 =	vld [tilespmem:s16+$0x4F30];
	v16 =	vand.u32 $0xFFFF, v6  }
0x455: {  	v29 =	vld [tilespmem:s16+$0x163D0];
	v6 =	vshrl.u32 v6, $0x10  }
0x456: {  	v20 =	vand.u32 $0xFFFF, v9;
	v18 =	vld.idx.msk [tilespmem:v10+s9+$0x0], $0xffff  }
0x457: {  	v22 =	vand.u32 $0xFFFF, v5;
	v21 =	vld.idx.msk [tilespmem:v4+s8+$0x0], $0xffff  }
0x458: {  	v23 =	vshrl.u32 v11, $0x10;
	v10 =	vld.idx.msk [tilespmem:v14+s9+$0x0], $0xffff  }
0x459: {  	v25 =	vshrl.u32 v9, $0x10;
	v9 =	vshrl.u32 v7, $0x10;
	v28 =	vand.u32 $0xFFFF, v7;
	v30 =	vld.idx.msk [tilespmem:v16+s8+$0x0], $0xffff  }
0x45a: {  	v31 =	vshrl.u32 v8, $0x10;
	v26 =	vand.u32 $0xFFFF, v8;
	v53 =	vand.u32 $0xFFFF, v11;
	v6 =	vld.idx.msk [tilespmem:v6+s9+$0x0], $0xffff  }
0x45b: {  	v7 =	vshll.u32 v17, $0x10;
	v54 =	vshll.u32 v13, $0x10;
	v5 =	vand.u32 v0, v12;
	v55 =	vld.idx.msk [tilespmem:v20+s8+$0x0], $0xffff  }
0x45c: {  	v27 =	vshrl.u32 v19, $0x10;
	v11 =	vand.u32 v0, v15;
	v56 =	vand.u32 v0, v2;
	v22 =	vld.idx.msk [tilespmem:v22+s8+$0x0], $0xffff  }
0x45d: {  	v8 =	vand.u32 v0, v3;
	v13 =	vand.u32 v0, v13;
	v14 =	vand.u32 $0xFFFF, v19;
	v57 =	vld.idx.msk [tilespmem:v23+s9+$0x0], $0xffff  }
0x45e: {  	v24 =	vand.u32 v0, v17;
	v32 =	vshll.u32 v2, $0x10;
	v4 =	vshll.u32 v12, $0x10;
	v59 =	vld.idx.msk [tilespmem:v9+s9+$0x0], $0xffff  }
0x45f: {  	v12 =	vshll.u32 v29, $0x10;
	v9 =	vand.u32 v0, v1;
	v34 =	vld.idx.msk [tilespmem:v31+s9+$0x0], $0xffff;
	v31 =	vshll.u32 v15, $0x10  }
0x460: {  	v41 =	vld.idx.msk [tilespmem:v25+s9+$0x0], $0xffff;
	v58 =	vand.u32 v10, v0;
	v16 =	vand.u32 v18, v0;
	v20 =	vshll.u32 v21, $0x10  }
0x461: {  	v39 =	vshll.u32 v6, $0x10;
	v19 =	vand.u32 v21, v0;
	v23 =	vshll.u32 v18, $0x10;
	v21 =	vld.idx.msk [tilespmem:v27+s9+$0x0], $0xffff  }
0x462: {  	v40 =	vld.idx.msk [tilespmem:v14+s8+$0x0], $0xffff;
	v6 =	vand.u32 v6, v0;
	v14 =	vshll.u32 v1, $0x10;
	v1 =	vand.u32 v30, v0  }
0x463: {  	v18 =	vand.u32 v22, v0;
	v27 =	vshll.u32 v22, $0x10;
	v30 =	vshll.u32 v30, $0x10  }
0x464: {  	v22 =	vshll.u32 v57, $0x10;
	v42 =	vshll.u32 v55, $0x10;
	v60 =	vand.u32 v55, v0  }
0x465: {  	v44 =	vshll.u32 v59, $0x10;
	v2 =	vand.u32 v41, v0;
	v17 =	vadd.f32 v6, v1;
	v6 =	vld.idx.msk [tilespmem:v28+s8+$0x0], $0xffff  }
0x466: {  	v38 =	vand.u32 v59, v0;
	v25 =	vadd.f32 v58, v18;
	v62 =	vand.u32 v21, v0  }
0x467: {  	v26 =	vld.idx.msk [tilespmem:v26+s8+$0x0], $0xffff;
	v43 =	vshll.u32 v21, $0x10;
	v21 =	vand.u32 v0, v29;
	v29 =	vshll.u32 v41, $0x10  }
0x468: {  	v28 =	vand.u32 v57, v0;
	v18 =	vadd.f32 v39, v30;
	v42 =	vadd.f32 v29, v42;
	v29 =	vld.idx.msk [tilespmem:v53+s8+$0x0], $0xffff  }
0x469: {  	v63 =	vadd.f32 v2, v60;
	v61 =	vand.u32 v40, v0;
	v40 =	vshll.u32 v40, $0x10  }
0x46a: {  	v45 =	vshll.u32 v6, $0x10;
	v39 =	vadd.f32 v62, v61;
	v36 =	vadd.f32 v43, v40  }
0x46b: {  	v1 =	vld [tilespmem:$0x18E80];
	v35 =	vand.u32 v6, v0;
	v6 =	vadd.f32 v13, v63;
	v33 =	vadd.f32 v44, v45  }
0x46c: {  	s17 =	simm.s32 $0x0;
	s18 =	simm.s32 $0x200;
	v30 =	vand.u32 v26, v0;
	v2 =	vld [tilespmem:$0x19280];
	v13 =	vadd.f32 v54, v42;
	v37 =	vadd.f32 v56, v39  }
.LBB2_18:
0x46d: {  	s19 =	sshra.s32 s18, $0x2;
	s17 =	sadd.s32 $0x8, s17;
	v35 =	vadd.f32 v38, v35;
	v32 =	vadd.f32 v32, v36;
	v36 =	vand.u32 v29, v0  }
0x46e: {  	v38 =	vshll.u32 v34, $0x10;
	v39 =	vadd.f32 v21, v25;
	v15 =	vld [tilespmem:s19+$0x16380];
	p0 =	slt.u32 s17, $0x268;
	v37 =	vmax.f32 v37, $0.0e+00  }
0x46f: {  	v21 =	vshll.u32 v26, $0x10;
	v26 =	vand.u32 v34, v0;
	v28 =	vadd.f32 v28, v36;
	v25 =	vld [tilespmem:s19+$0x163F0]  }
0x470: {  	v36 =	vadd.f32 v38, v21;
	v24 =	vadd.f32 v24, v35;
	v32 =	vmax.f32 v32, $0.0e+00;
	v34 =	vld [tilespmem:s19+$0x163E0]  }
0x471: {  	v10 =	vshll.u32 v10, $0x10;
	v26 =	vadd.f32 v26, v30;
	v30 =	vmul.f32 v37, v1;
	v21 =	vld [tilespmem:s19+$0x163B0]  }
0x472: {  	v3 =	vshll.u32 v3, $0x10;
	v20 =	vadd.f32 v23, v20;
	v7 =	vadd.f32 v7, v33;
	v35 =	vld [tilespmem:s19+$0x4F60]  }
0x473: {  	v10 =	vadd.f32 v10, v27;
	v31 =	vadd.f32 v31, v36;
	v24 =	vmax.f32 v24, $0.0e+00;
	v23 =	vld [tilespmem:s19+$0x4F50]  }
0x474: {  	v29 =	vshll.u32 v29, $0x10;
	v16 =	vadd.f32 v16, v19;
	v7 =	vmax.f32 v7, $0.0e+00;
	v27 =	vld [tilespmem:s19+$0x4F70]  }
0x475: {  	v33 =	vmul.f32 v7, v2;
	v7 =	vadd.f32 v12, v10;
	v10 =	vadd.f32 v3, v20;
	v19 =	vld [tilespmem:s19+$0x4F20];
	v3 =	vmovc v34  }
0x476: {  	v22 =	vadd.f32 v22, v29;
	v11 =	vadd.f32 v11, v26;
	v20 =	vmax.f32 v31, $0.0e+00;
	v12 =	vld [tilespmem:s19+$0x4F00]  }
0x477: {  	v7 =	vmax.f32 v7, $0.0e+00;
	v26 =	vld [tilespmem:s19+$0x4F10];
	v29 =	vshrl.u32 v35, $0x10;
	v31 =	vand.u32 $0xFFFF, v35  }
0x478: {  	v36 =	vmul.f32 v7, v2;
	v34 =	vld [tilespmem:s19+$0x4F40];
	v35 =	vshrl.u32 v23, $0x10;
	v23 =	vand.u32 $0xFFFF, v23  }
0x479: {  	v8 =	vadd.f32 v8, v16;
	v37 =	vld [tilespmem:s19+$0x16390];
	v38 =	vshrl.u32 v27, $0x10;
	v7 =	vand.u32 $0xFFFF, v27  }
0x47a: {  	v9 =	vadd.f32 v9, v17;
	v4 =	vadd.f32 v4, v22;
	v27 =	vmul.f32 v32, v2;
	v16 =	vld [tilespmem:s19+$0x163C0]  }
0x47b: {  	v5 =	vadd.f32 v5, v28;
	v22 =	vmax.f32 v39, $0.0e+00;
	v10 =	vmax.f32 v10, $0.0e+00;
	v17 =	vld [tilespmem:s19+$0x163A0]  }
0x47c: {  	v14 =	vadd.f32 v14, v18;
	v28 =	vshrl.u32 v26, $0x10;
	v26 =	vand.u32 $0xFFFF, v26;
	v29 =	vld.idx.msk [tilespmem:v29+s9+$0x0], $0xffff  }
0x47d: {  	v18 =	vshrl.u32 v19, $0x10;
	v32 =	vand.u32 $0xFFFF, v19;
	v19 =	vshrl.u32 v34, $0x10;
	v31 =	vld.idx.msk [tilespmem:v31+s8+$0x0], $0xffff  }
0x47e: {  	v22 =	vmul.f32 v22, v1;
	v8 =	vmax.f32 v8, $0.0e+00;
	v39 =	vshrl.u32 v12, $0x10  }
0x47f: {  	v8 =	vmul.f32 v8, v1;
	v40 =	vand.u32 $0xFFFF, v12;
	v34 =	vand.u32 $0xFFFF, v34;
	v41 =	vld.idx.msk [tilespmem:v7+s8+$0x0], $0xffff  }
0x480: {  	v43 =	vmul.f32 v10, v2;
	v12 =	vmax.f32 v4, $0.0e+00;
	v7 =	vshll.u32 v17, $0x10;
	v42 =	vld [tilespmem:s19+$0x4F30]  }
0x481: {  	v36 =	vadd.f32 v36, v22;
	v45 =	vmul.f32 v12, v2;
	v4 =	vshll.u32 v16, $0x10;
	v44 =	vld [tilespmem:s19+$0x163D0]  }
0x482: {  	v8 =	vadd.f32 v43, v8;
	v12 =	vmax.f32 v5, $0.0e+00;
	v46 =	vshll.u32 v37, $0x10;
	v10 =	vld.idx.msk [tilespmem:v35+s9+$0x0], $0xffff  }
0x483: {  	v11 =	vmax.f32 v11, $0.0e+00;
	v5 =	vand.u32 v0, v16;
	v16 =	vmul.f32 v20, v2;
	v22 =	vld.idx.msk [tilespmem:v38+s9+$0x0], $0xffff  }
0x484: {  	v11 =	vmul.f32 v11, v1;
	v20 =	vadd.f32 v27, v30;
	v27 =	vmul.f32 v12, v1;
	v35 =	vld.idx.msk [tilespmem:v26+s8+$0x0], $0xffff  }
0x485: {  	v14 =	vmax.f32 v14, $0.0e+00;
	v24 =	vmul.f32 v24, v1;
	[tilespmem:s16+$0x76E0] =	vst.add.f32.msk $0xffff, v8  }
0x486: {  	v30 =	vadd.f32 v16, v11;
	v38 =	vmax.f32 v9, $0.0e+00;
	v12 =	vshll.u32 v44, $0x10;
	[tilespmem:s16+$0x76B0] =	vst.add.f32.msk $0xffff, v20  }
0x487: {  	v33 =	vadd.f32 v33, v24;
	v11 =	vand.u32 v0, v15;
	v43 =	vand.u32 $0xFFFF, v42;
	v47 =	vld.idx.msk [tilespmem:v19+s9+$0x0], $0xffff  }
0x488: {  	v49 =	vand.u32 v10, v0;
	v48 =	vld.idx.msk [tilespmem:v18+s9+$0x0], $0xffff;
	v18 =	vshrl.u32 v42, $0x10;
	v42 =	vand.u32 v0, v21  }
0x489: {  	v8 =	vand.u32 v0, v3;
	v19 =	vadd.f32 v45, v27;
	v26 =	vld.idx.msk [tilespmem:v40+s8+$0x0], $0xffff  }
0x48a: {  	v16 =	vand.u32 v29, v0;
	v9 =	vand.u32 v0, v25;
	v40 =	vmul.f32 v14, v2;
	v27 =	vld.idx.msk [tilespmem:v23+s8+$0x0], $0xffff  }
0x48b: {  	v13 =	vmax.f32 v13, $0.0e+00;
	v37 =	vand.u32 v0, v37;
	v20 =	vshll.u32 v31, $0x10;
	[tilespmem:s16+$0x76C0] =	vst.add.f32.msk $0xffff, v19  }
0x48c: {  	v13 =	vmul.f32 v13, v2;
	v24 =	vand.u32 v0, v17;
	v45 =	vshll.u32 v22, $0x10;
	[tilespmem:s16+$0x7680] =	vst.add.f32.msk $0xffff, v30  }
0x48d: {  	v17 =	vmul.f32 v38, v1;
	v23 =	vshll.u32 v29, $0x10;
	v19 =	vand.u32 v31, v0;
	v43 =	vld.idx.msk [tilespmem:v43+s8+$0x0], $0xffff  }
0x48e: {  	v6 =	vmax.f32 v6, $0.0e+00;
	v14 =	vshll.u32 v25, $0x10;
	v29 =	vld.idx.msk [tilespmem:v18+s9+$0x0], $0xffff;
	v18 =	vand.u32 v22, v0  }
0x48f: {  	v6 =	vmul.f32 v6, v1;
	v25 =	vand.u32 v41, v0;
	v30 =	vadd.f32 v40, v17;
	v31 =	vld.idx.msk [tilespmem:v28+s9+$0x0], $0xffff  }
0x490: {  	v40 =	vshll.u32 v41, $0x10;
	v38 =	vld.idx.msk [tilespmem:v32+s8+$0x0], $0xffff;
	v32 =	vand.u32 v27, v0;
	v27 =	vshll.u32 v27, $0x10  }
0x491: {  	v6 =	vadd.f32 v13, v6;
	v22 =	vshll.u32 v47, $0x10;
	v17 =	vadd.f32 v18, v25;
	[tilespmem:s16+$0x76D0] =	vst.add.f32.msk $0xffff, v36  }
0x492: {  	v13 =	vshll.u32 v35, $0x10;
	v28 =	vand.u32 v47, v0;
	v25 =	vadd.f32 v49, v32;
	[tilespmem:s16+$0x76A0] =	vst.add.f32.msk $0xffff, v33  }
0x493: {  	v18 =	vadd.f32 v45, v40;
	v33 =	vand.u32 v35, v0;
	v36 =	vand.u32 v43, v0;
	[tilespmem:s16+$0x7690] =	vst.add.f32.msk $0xffff, v6  }
0x494: {  	v32 =	vshll.u32 v21, $0x10;
	v6 =	vand.u32 v29, v0;
	v40 =	vshll.u32 v29, $0x10;
	[tilespmem:s16+$0x76F0] =	vst.add.f32.msk $0xffff, v30;
	s16 =	smov.u32 s19  }
0x495: {  	v41 =	vshll.u32 v48, $0x10;
	v21 =	vand.u32 v0, v44;
	v30 =	vand.u32 v26, v0;
	v29 =	vld.idx.msk [tilespmem:v34+s8+$0x0], $0xffff  }
.Ltmp8:
0x496: {  	v35 =	vand.u32 v31, v0;
	v31 =	vshll.u32 v31, $0x10;
	v34 =	vld.idx.msk [tilespmem:v39+s9+$0x0], $0xffff;
	v39 =	vshll.u32 v43, $0x10;
	(pc) =	sbr.rel @p0 .LBB2_18-.Ltmp8, $4  }
0x497: {  	v33 =	vadd.f32 v35, v33;
	v13 =	vadd.f32 v31, v13;
	v35 =	vand.u32 v38, v0  }
0x498: {  	v44 =	vadd.f32 v6, v36;
	v43 =	vshll.u32 v38, $0x10;
	v36 =	vadd.f32 v40, v39  }
0x499: {  	v38 =	vand.u32 v48, v0;
	v6 =	vadd.f32 v37, v33;
	v13 =	vadd.f32 v46, v13  }
0x49a: {  	s18 =	sadd.s32 $0x200, s18;
	v31 =	vshll.u32 v15, $0x10;
	v33 =	vadd.f32 v41, v43;
	v37 =	vadd.f32 v42, v44  }
0x49b: {  	v15 =	vadd.f32 v38, v35;
	v32 =	vadd.f32 v32, v36;
	v62 =	vand.u32 v29, v0  }
0x49c: {  	v63 =	vshll.u32 v34, $0x10;
	v21 =	vadd.f32 v21, v25;
	v39 =	vshll.u32 v26, $0x10  }
0x49d: {  	v40 =	vand.u32 v34, v0;
	v10 =	vshll.u32 v10, $0x10;
	v3 =	vshll.u32 v3, $0x10  }
0x49e: {  	v20 =	vadd.f32 v23, v20;
	v44 =	vshll.u32 v29, $0x10;
	v45 =	vadd.f32 v16, v19  }
0x49f: {  	v9 =	vadd.f32 v9, v17;
	v14 =	vadd.f32 v14, v18;
	v54 =	vmax.f32 v13, $0.0e+00  }
0x4a0: {  	v6 =	vmax.f32 v6, $0.0e+00;
	v28 =	vadd.f32 v28, v62;
	v25 =	vadd.f32 v63, v39  }
0x4a1: {  	v37 =	vmax.f32 v37, $0.0e+00;
	v26 =	vadd.f32 v40, v30;
	v7 =	vadd.f32 v7, v33  }
0x4a2: {  	v10 =	vadd.f32 v10, v27;
	v46 =	vadd.f32 v22, v44;
	v55 =	vmul.f32 v54, v2  }
0x4a3: {  	v6 =	vmul.f32 v6, v1;
	v15 =	vadd.f32 v24, v15;
	v41 =	vmax.f32 v32, $0.0e+00  }
0x4a4: {  	v42 =	vmul.f32 v37, v1;
	v3 =	vadd.f32 v3, v20;
	v8 =	vadd.f32 v8, v45  }
0x4a5: {  	v49 =	vmax.f32 v21, $0.0e+00;
	v43 =	vadd.f32 v31, v25;
	v7 =	vmax.f32 v7, $0.0e+00  }
0x4a6: {  	v10 =	vadd.f32 v12, v10;
	v11 =	vadd.f32 v11, v26;
	v48 =	vmul.f32 v41, v2  }
0x4a7: {  	v4 =	vadd.f32 v4, v46;
	v5 =	vadd.f32 v5, v28;
	v16 =	vmul.f32 v49, v1  }
0x4a8: {  	v15 =	vmax.f32 v15, $0.0e+00;
	v7 =	vmul.f32 v7, v2;
	v3 =	vmax.f32 v3, $0.0e+00  }
0x4a9: {  	v8 =	vmax.f32 v8, $0.0e+00;
	v10 =	vmax.f32 v10, $0.0e+00;
	v47 =	vmax.f32 v43, $0.0e+00  }
0x4aa: {  	v8 =	vmul.f32 v8, v1;
	v4 =	vmax.f32 v4, $0.0e+00;
	v3 =	vmul.f32 v3, v2  }
0x4ab: {  	v5 =	vmax.f32 v5, $0.0e+00;
	v12 =	vadd.f32 v48, v42;
	v15 =	vmul.f32 v15, v1  }
0x4ac: {  	v4 =	vmul.f32 v4, v2;
	v5 =	vmul.f32 v5, v1;
	v3 =	vadd.f32 v3, v8  }
0x4ad: {  	v50 =	vmax.f32 v11, $0.0e+00;
	v10 =	vmul.f32 v10, v2;
	[tilespmem:s16+$0x76B0] =	vst.add.f32.msk $0xffff, v12;
	v7 =	vadd.f32 v7, v15  }
0x4ae: {  	v51 =	vmul.f32 v47, v2;
	v8 =	vmul.f32 v50, v1;
	v4 =	vadd.f32 v4, v5;
	[tilespmem:s16+$0x76E0] =	vst.add.f32.msk $0xffff, v3  }
0x4af: {  	v52 =	vmax.f32 v14, $0.0e+00;
	v9 =	vmax.f32 v9, $0.0e+00;
	v10 =	vadd.f32 v10, v16;
	[tilespmem:s16+$0x76A0] =	vst.add.f32.msk $0xffff, v7  }
0x4b0: {  	v56 =	vmul.f32 v9, v1;
	v53 =	vadd.f32 v51, v8;
	v3 =	vmul.f32 v52, v2;
	[tilespmem:s16+$0x76C0] =	vst.add.f32.msk $0xffff, v4  }
0x4b1: {  	v4 =	vadd.f32 v55, v6;
	[tilespmem:s16+$0x76D0] =	vst.add.f32.msk $0xffff, v10  }
0x4b2: {  	[tilespmem:s16+$0x7680] =	vst.add.f32.msk $0xffff, v53;
	v3 =	vadd.f32 v3, v56  }
0x4b3: {  	[tilespmem:s16+$0x7690] =	vst.add.f32.msk $0xffff, v4  }
0x4b4: {  	[tilespmem:s16+$0x76F0] =	vst.add.f32.msk $0xffff, v3  }
0x4b5: {  	v3 =	vld [tilespmem:$0x7600];
	_ =	sdelay $0x4  }
0x4b6: {  	v57 =	vand.u32 $0xFFFF, v3  }
0x4b7: {  	v3 =	vshrl.u32 v3, $0x10;
	_ =	sdelay $0x3  }
0x4b8: {  	v4 =	vld.idx.msk [tilespmem:v57+s8+$0x0], $0xffff  }
0x4b9: {  	v3 =	vld.idx.msk [tilespmem:v3+s9+$0x0], $0xffff;
	_ =	sdelay $0x1  }
0x4ba: {  	v58 =	vld [tilespmem:$0x18A80];
	_ =	sdelay $0x1  }
0x4bb: {  	v59 =	vand.u32 v4, v0  }
0x4bc: {  	v4 =	vshll.u32 v4, $0x10;
	v60 =	vand.u32 v3, v0;
	v3 =	vshll.u32 v3, $0x10  }
0x4bd: {  	v6 =	vadd.f32 v60, v59;
	v3 =	vadd.f32 v3, v4  }
0x4be: {  	v61 =	vand.u32 v0, v58;
	v62 =	vshll.u32 v58, $0x10  }
0x4bf: {  	v0 =	vadd.f32 v61, v6;
	v3 =	vadd.f32 v62, v3;
	_ =	sdelay $0x1  }
0x4c0: {  	v0 =	vmax.f32 v0, $0.0e+00;
	v3 =	vmax.f32 v3, $0.0e+00  }
0x4c1: {  	v0 =	vmul.f32 v0, v1;
	v63 =	vmul.f32 v3, v2;
	_ =	sdelay $0x1  }
0x4c2: {  	s15 =	sadd.s32 $0x1, s15;
	v0 =	vadd.f32 v63, v0  }
0x4c3: {  	p0 =	sne.s32 s15, s25  }
.Ltmp9:
0x4c4: {  	s22 =	simm.s32 $0x7680;
	[tilespmem:s13+$0x0] =	vst.add.f32.msk $0xffff, v0;
	(pc) =	sbr.rel @p0 .LBB2_1-.Ltmp9, $4  }
0x4c5: {  	[hbm4b:s2+s3] =	stream.linear.scatter [tilespmem:s22], [sflag:$0x3], $0x2710, $0x38;
	[tilespmem:$0x19400] =	vst v63  }
0x4c6: {  	_ =	swait.ge [sflag:s4], $0x2710  }
0x4c7: {  	[sflag:s4] =	ssyncset.done $0x0  }
0x4c8: {  	[sflag:s4] =	ssyncadd.s32 $0xFFFFD8F0  }
0x4c9: {  	_ =	sfence.sel $0x180000  }
0x4ca: {  	[bflag:$0x0] =	sbarrier.arrive $0xFFFF  }
0x4cb: {  	_ =	strace $0x90000047  }
0x4cc: {  	s0 =	stileid.u32;
	[bflag:$0x2] =	sbarrier.arrive $0xFFFF  }
0x4cd: {  	p0 =	sne.s32 s0, $0x0;
	s0 =	rddreg [dreg:$0x2]  }
0x4ce: {  	s0 =	sadd.s32 @!p0 $0x100000, s0  }
0x4cf: {  	[sflag:s0] =	ssyncadd.tile.s32 @!p0 $0x1;
	_ =	shalt  }
.Lfunc_end2:
_tile_overlayer_lowered:
.L_overlay_start_2:
0x4d0: {  	(tag) =	ssettag $0x2  }
0x4d1: {  	s0 =	rddreg [dreg:$0x0];
	s2 =	stileid.u32  }
0x4d2: {  	s1 =	rddreg [dreg:$0x1];
	p0 =	sne.s32 s2, $0x0  }
0x4d3: {  	s3 =	rddreg [dreg:$0x2];
	[bflag:$0x3] =	sbarrier.arrive $0xFFFF;
	s2 =	simm.s32 @!p0 $0x1C03  }
0x4d4: {  	[timem:s3], [sflag:s2] =	dma.local @!p0 [hbm:s0], s1  }
0x4d5: {  	s0 =	simm.s32 @!p0 $0x3  }
0x4d6: {  	_ =	swait.ge @!p0 [sflag:s0], s1  }
0x4d7: {  	s1 =	ssub.s32 @!p0 $0x0, s1;
	[sflag:s0] =	ssyncset.done @!p0 $0x0  }
0x4d8: {  	[sflag:s0] =	ssyncadd.s32 @!p0 s1  }
0x4d9: {  	[bflag:$0x3] =	sbarrier.arrive $0xFFFF  }
0x4da: {  	_ =	shalt  }

</sc_bundles>
